<compile_context>
chip_gen: v7x
topology: tpu7x:2x2x1
jax: 0.10.2.dev20260603
libtpu: 0.0.44.dev20260713+nightly
codegen_flags: <defaults>
</compile_context>

<pallas_src>
import functools

import numpy as np

import jax
import jax.numpy as jnp
from jax import lax
from jax.experimental import pallas as pl
from jax.experimental.pallas import tpu as pltpu
from jax.experimental.pallas import tpu_sc as plsc

NN = 10000
NE = 320000
ND = 128
HE = 64
HN = 64
PRED = 2

NP_ = 10240
RB = 1024
C = 128
NC, NS = 2, 16
NW = NC * NS
CPW = 80
NEP = NW * CPW * C
RT = NP_ // NS

_f32 = jnp.float32
_bf16 = jnp.bfloat16

_TAU = np.concatenate([np.arange(0, 32, 2), np.arange(1, 32, 2),
                       np.arange(32, 64, 2), np.arange(33, 64, 2)])



def _pq_body(x_ref, wes_ref, wed_ref, be_ref, p_ref, q_ref):
    x = x_ref[...]
    p_ref[...] = jnp.dot(x, wes_ref[...], preferred_element_type=_f32).astype(_bf16)
    q_ref[...] = (jnp.dot(x, wed_ref[...], preferred_element_type=_f32)
                  + be_ref[...]).astype(_bf16)


def _step_body(x_ref, agg_ref, w1a_ref, w1b_ref, b1_ref, wd_ref, bd_ref,
               wes_ref, wed_ref, be_ref, nxt_ref, p_ref, q_ref):
    x = x_ref[...]
    agg = agg_ref[0] + agg_ref[1]
    h = jnp.maximum(
        jnp.dot(x, w1a_ref[...], preferred_element_type=_f32)
        + jnp.dot(agg, w1b_ref[...], preferred_element_type=_f32)
        + b1_ref[...], 0.0)
    nxt = x + jnp.dot(h, wd_ref[...], preferred_element_type=_f32) + bd_ref[...]
    nxt_ref[...] = nxt
    p_ref[...] = jnp.dot(nxt, wes_ref[...], preferred_element_type=_f32).astype(_bf16)
    q_ref[...] = (jnp.dot(nxt, wed_ref[...], preferred_element_type=_f32)
                  + be_ref[...]).astype(_bf16)


def _final_body(x_ref, agg_ref, w1a_ref, w1b_ref, b1_ref, wd_ref, bd_ref,
                nxt_ref):
    x = x_ref[...]
    agg = agg_ref[0] + agg_ref[1]
    h = jnp.maximum(
        jnp.dot(x, w1a_ref[...], preferred_element_type=_f32)
        + jnp.dot(agg, w1b_ref[...], preferred_element_type=_f32)
        + b1_ref[...], 0.0)
    nxt_ref[...] = x + jnp.dot(h, wd_ref[...], preferred_element_type=_f32) + bd_ref[...]


def _full(shape):
    return pl.BlockSpec(shape, lambda i: tuple(0 for _ in shape))


def _rows(shape):
    return pl.BlockSpec(shape, lambda i: (i,) + tuple(0 for _ in shape[1:]))


_GRID = NP_ // RB

_pq_call = pl.pallas_call(
    _pq_body,
    grid=(_GRID,),
    in_specs=[_rows((RB, ND)), _full((ND, HE)), _full((ND, HE)), _full((1, HE))],
    out_specs=[_rows((RB, HE)), _rows((RB, HE))],
    out_shape=[jax.ShapeDtypeStruct((NP_, HE), _bf16)] * 2,
)

_step_call = pl.pallas_call(
    _step_body,
    grid=(_GRID,),
    in_specs=[
        _rows((RB, ND)),
        pl.BlockSpec((NC, RB, HE), lambda i: (0, i, 0)),
        _full((ND, HN)), _full((HE, HN)), _full((1, HN)),
        _full((HN, ND)), _full((1, ND)),
        _full((ND, HE)), _full((ND, HE)), _full((1, HE)),
    ],
    out_specs=[_rows((RB, ND)), _rows((RB, HE)), _rows((RB, HE))],
    out_shape=[jax.ShapeDtypeStruct((NP_, ND), _f32),
               jax.ShapeDtypeStruct((NP_, HE), _bf16),
               jax.ShapeDtypeStruct((NP_, HE), _bf16)],
)

_final_call = pl.pallas_call(
    _final_body,
    grid=(_GRID,),
    in_specs=[
        _rows((RB, ND)),
        pl.BlockSpec((NC, RB, HE), lambda i: (0, i, 0)),
        _full((ND, HN)), _full((HE, HN)), _full((1, HN)),
        _full((HN, ND)), _full((1, ND)),
    ],
    out_specs=_rows((RB, ND)),
    out_shape=jax.ShapeDtypeStruct((NP_, ND), _f32),
)



_mesh = plsc.VectorSubcoreMesh(core_axis_name="c", subcore_axis_name="s")


@functools.partial(
    pl.kernel,
    out_type=jax.ShapeDtypeStruct((NC, NP_, HE), _f32),
    mesh=_mesh,
    compiler_params=pltpu.CompilerParams(use_tc_tiling_on_sc=False,
                                         needs_layout_passes=False),
    scratch_types=[
        pltpu.VMEM((CPW, C), jnp.int32),
        pltpu.VMEM((CPW, C), jnp.int32),
        pltpu.VMEM((2, C, HE), _bf16),
        pltpu.VMEM((2, C, HE), _bf16),
        pltpu.VMEM((2, C, HE), _f32),
        pltpu.VMEM_SHARED((NP_, HE), _f32),
        pltpu.SemaphoreType.DMA,
        pltpu.SemaphoreType.DMA,
        pltpu.SemaphoreType.DMA,
        pltpu.SemaphoreType.DMA,
        pltpu.SemaphoreType.DMA,
        pltpu.SemaphoreType.DMA,
    ],
)
def _edge_agg(p_hbm, q_hbm, srcb_hbm, dstb_hbm, out_hbm,
              src_v, dst_v, pbuf, qbuf, mbuf, agg_sh,
              sp0, sp1, sq0, sq1, ss0, ss1):
    cid = lax.axis_index("c")
    sid = lax.axis_index("s")
    wid = sid * NC + cid
    row0 = sid * RT
    sems = ((sp0, sq0), (sp1, sq1))
    ssems = (ss0, ss1)

    def _zero_row(r, _):
        for c4 in range(HE // 16):
            mbuf[0, r, pl.ds(c4 * 16, 16)] = jnp.zeros((16,), _f32)
        return 0

    lax.fori_loop(0, C, _zero_row, 0)
    for k in range(RT // C):
        pltpu.sync_copy(mbuf.at[0], agg_sh.at[pl.ds(row0 + k * C, C)])

    pltpu.sync_copy(srcb_hbm.at[pl.ds(wid * CPW, CPW)], src_v)
    pltpu.sync_copy(dstb_hbm.at[pl.ds(wid * CPW, CPW)], dst_v)
    plsc.subcore_barrier()

    def _fire(c, b):
        pltpu.async_copy(p_hbm.at[src_v.at[c]], pbuf.at[b], sems[b][0])
        pltpu.async_copy(q_hbm.at[dst_v.at[c]], qbuf.at[b], sems[b][1])

    _fire(0, 0)
    _fire(1, 1)

    def _pair(i, _):
        for b in range(2):
            c = 2 * i + b
            pltpu.make_async_copy(p_hbm.at[src_v.at[c]], pbuf.at[b], sems[b][0]).wait()
            pltpu.make_async_copy(q_hbm.at[dst_v.at[c]], qbuf.at[b], sems[b][1]).wait()

            @pl.when(c >= 2)
            def _():
                pltpu.make_async_copy(
                    mbuf.at[b], agg_sh.at[dst_v.at[c]], ssems[b]).wait()

            def _relu_row(r, _):
                for g in range(2):
                    s = pl.ds(g * 32, 32)
                    m = jnp.maximum(pbuf[b, r, s] + qbuf[b, r, s],
                                    jnp.zeros((32,), _bf16))
                    lo, hi = plsc.unpack(m, format=plsc.PackFormat.INTERLEAVED)
                    mbuf[b, r, pl.ds(g * 32, 16)] = lo
                    mbuf[b, r, pl.ds(g * 32 + 16, 16)] = hi
                return 0

            lax.fori_loop(0, C, _relu_row, 0)

            @pl.when(c + 2 < CPW)
            def _():
                _fire(c + 2, b)

            pltpu.async_copy(mbuf.at[b], agg_sh.at[dst_v.at[c]], ssems[b],
                             add=True)
        return 0

    lax.fori_loop(0, CPW // 2, _pair, 0)
    for b in range(2):
        pltpu.make_async_copy(
            mbuf.at[b], agg_sh.at[dst_v.at[CPW - 2 + b]], ssems[b]).wait()
    plsc.subcore_barrier()

    for k in range(RT // C):
        pltpu.sync_copy(agg_sh.at[pl.ds(row0 + k * C, C)], mbuf.at[0])
        pltpu.sync_copy(mbuf.at[0], out_hbm.at[cid, pl.ds(row0 + k * C, C)])



def kernel(time_segs, edges, W_edge, b_edge, W1, b1, W_d, b_d):
    x0 = time_segs[0, 0]
    x = jnp.zeros((NP_, ND), _f32).at[:NN].set(x0)

    wes = W_edge[:ND]
    wed = W_edge[ND:]
    be = b_edge.reshape(1, HE)
    w1a = W1[:ND]
    w1b = W1[ND:][_TAU]
    b1r = b1.reshape(1, HN)
    bdr = b_d.reshape(1, ND)

    pad = jnp.full((NEP - NE,), NN, jnp.int32)
    srcb = jnp.concatenate([edges[0], pad]).reshape(NW * CPW, C)
    dstb = jnp.concatenate([edges[1], pad]).reshape(NW * CPW, C)

    p, q = _pq_call(x, wes, wed, be)
    outs = []
    for step in range(PRED):
        aggp = _edge_agg(p, q, srcb, dstb)
        if step + 1 < PRED:
            x, p, q = _step_call(x, aggp, w1a, w1b, b1r, W_d, bdr, wes, wed, be)
        else:
            x = _final_call(x, aggp, w1a, w1b, b1r, W_d, bdr)
        outs.append(x[:NN])

    return jnp.stack(outs)[None]

# --- scband reference (transcript-rebuilt; emitter-appended) ---
"""Pipeline reference for scband-mpnn-75110388073052 (READ-ONLY COPY).

The authoritative reference and input builder live on the scoring server;
editing this copy changes nothing except your own understanding.
"""

import jax, jax.numpy as jnp
import numpy as np

B = 1
TSEG = 1
PRED = 2
NN = 10000
NE = 320000
ND = 128
HE = 64   # edge message dim
HN = 64   # node_decoder hidden_units[-1]


def setup_inputs(seed: int = 0) -> dict:
    key = jax.random.key(seed)
    ks = jax.random.split(key, 8)
    time_segs = jax.random.normal(ks[0], (B, TSEG, NN, ND), dtype=jnp.float32)
    edges = jax.random.randint(ks[1], (2, NE), 0, NN, dtype=jnp.int32)
    W_edge = jax.random.normal(ks[2], (2 * ND, HE), dtype=jnp.float32) / np.sqrt(2 * ND)
    b_edge = jnp.zeros((HE,), dtype=jnp.float32)
    W1 = jax.random.normal(ks[3], (ND + HE, HN), dtype=jnp.float32) / np.sqrt(ND + HE)
    b1 = jnp.zeros((HN,), dtype=jnp.float32)
    W_d = jax.random.normal(ks[4], (HN, ND), dtype=jnp.float32) / np.sqrt(HN)
    b_d = jnp.zeros((ND,), dtype=jnp.float32)
    return {
        "time_segs": time_segs,
        "edges": edges,
        "W_edge": W_edge,
        "b_edge": b_edge,
        "W1": W1,
        "b1": b1,
        "W_d": W_d,
        "b_d": b_d,
    }


def _graph_conv(x, src, dst, W_edge, b_edge, W1, b1):
    # x: [B, T, N, ND]; edge message passing with scatter-add aggregation
    x_src = x[:, :, src, :]                      # gather [B, T, E, ND]
    x_dst = x[:, :, dst, :]                      # gather [B, T, E, ND]
    msg = jax.nn.relu(jnp.concatenate([x_src, x_dst], axis=-1) @ W_edge + b_edge)
    agg = jnp.zeros((x.shape[0], x.shape[1], NN, HE), dtype=x.dtype)
    agg = agg.at[:, :, dst, :].add(msg)          # scatter-add [B, T, N, HE]
    h = jax.nn.relu(jnp.concatenate([x, agg], axis=-1) @ W1 + b1)
    return h                                      # [B, T, N, HN]


def reference(time_segs, edges, W_edge, b_edge, W1, b1, W_d, b_d):
    src = edges[0]
    dst = edges[1]
    extended = time_segs
    for i in range(PRED):
        seg = extended[:, i:, :, :]              # last TSEG frames (TSEG=1)
        condensed = seg                           # conv1d is Identity since time_seg_len == 1
        node_state = _graph_conv(condensed, src, dst, W_edge, b_edge, W1, b1)
        prev = seg[:, -1:, :, :]
        nxt = prev + node_state @ W_d + b_d
        extended = jnp.concatenate([extended, nxt], axis=1)
    return extended[:, TSEG:, :, :]

if __name__ == "__main__":
    import jax
    _d = setup_inputs()
    print(jax.jit(kernel)(*tuple(_d.values())))

</pallas_src>

<mosaic_0001>
#map = affine_map<(d0, d1) -> (0, 0)>
#map1 = affine_map<(d0, d1) -> (0, 0, 0)>
module attributes {stable_mosaic.version = 14 : i64} {
  func.func @_edge_agg(%arg0: i32, %arg1: i32, %arg2: memref<10240x64xbf16, #tpu.memory_space<hbm>>, %arg3: memref<10240x64xbf16, #tpu.memory_space<hbm>>, %arg4: memref<2560x128xi32, #tpu.memory_space<hbm>>, %arg5: memref<2560x128xi32, #tpu.memory_space<hbm>>, %arg6: memref<2x10240x64xf32, #tpu.memory_space<hbm>>, %arg7: memref<80x128xi32, #tpu.memory_space<vmem>>, %arg8: memref<80x128xi32, #tpu.memory_space<vmem>>, %arg9: memref<2x128x64xbf16, #tpu.memory_space<vmem>>, %arg10: memref<2x128x64xbf16, #tpu.memory_space<vmem>>, %arg11: memref<2x128x64xf32, #tpu.memory_space<vmem>>, %arg12: memref<10240x64xf32, #tpu.memory_space<vmem_shared>>, %arg13: memref<!tpu.dma_semaphore, #tpu.memory_space<semaphore_mem>>, %arg14: memref<!tpu.dma_semaphore, #tpu.memory_space<semaphore_mem>>, %arg15: memref<!tpu.dma_semaphore, #tpu.memory_space<semaphore_mem>>, %arg16: memref<!tpu.dma_semaphore, #tpu.memory_space<semaphore_mem>>, %arg17: memref<!tpu.dma_semaphore, #tpu.memory_space<semaphore_mem>>, %arg18: memref<!tpu.dma_semaphore, #tpu.memory_space<semaphore_mem>>) attributes {dimension_semantics = [#tpu.dimension_semantics<core_parallel>, #tpu.dimension_semantics<subcore_parallel>], iteration_bounds = array<i64: 2, 16>, scalar_prefetch = 0 : i64, scratch_operands = 12 : i64, tpu.core_type = #tpu.core_type<sc_vector_subcore>, window_params = [{transform_indices = #map}, {transform_indices = #map}, {transform_indices = #map}, {transform_indices = #map}, {transform_indices = #map1}]} {
    %mul3A = arith.constant 2 : i32
    %mul3A_0 = arith.muli %arg1, %mul3A : i32
    %add3A = arith.addi %mul3A_0, %arg0 : i32
    %mul3A_1 = arith.constant 640 : i32
    %mul3A_2 = arith.muli %arg1, %mul3A_1 : i32
    %scan3A = arith.constant 0 : i32
    %scan3A_3 = arith.constant 0 : i32
    %scan3A_4 = arith.constant 128 : i32
    %scan3A_5 = arith.addi %scan3A_3, %scan3A_4 : i32
    %scan3A_6 = arith.constant 1 : i32
    %scan3A_7 = scf.for %scan3A_135 = %scan3A_3 to %scan3A_5 step %scan3A_6 iter_args(%scan3A_136 = %scan3A) -> (i32)  : i32 {
      %broadcast_in_dim3A = arith.constant 0.000000e+00 : f32
      %broadcast_in_dim3A_137 = vector.broadcast %broadcast_in_dim3A : f32 to vector<16xf32>
      %swap3A = arith.constant 0 : i32
      %swap3A_138 = arith.index_cast %swap3A : i32 to index
      %swap3A_139 = arith.index_cast %scan3A_135 : i32 to index
      %swap3A_140 = arith.constant 0 : index
      %swap3A_141 = tpu.vector_load %arg11[%swap3A_138, %swap3A_139, %swap3A_140] {strides = array<i32>} : memref<2x128x64xf32, #tpu.memory_space<vmem>>, vector<16xf32>,
      tpu.vector_store %arg11[%swap3A_138, %swap3A_139, %swap3A_140], %broadcast_in_dim3A_137 {strides = array<i32>} : memref<2x128x64xf32, #tpu.memory_space<vmem>>, vector<16xf32>,
      %broadcast_in_dim3A_142 = arith.constant 0.000000e+00 : f32
      %broadcast_in_dim3A_143 = vector.broadcast %broadcast_in_dim3A_142 : f32 to vector<16xf32>
      %swap3A_144 = arith.constant 0 : i32
      %swap3A_145 = arith.index_cast %swap3A_144 : i32 to index
      %swap3A_146 = arith.index_cast %scan3A_135 : i32 to index
      %swap3A_147 = arith.constant 16 : index
      %swap3A_148 = tpu.vector_load %arg11[%swap3A_145, %swap3A_146, %swap3A_147] {strides = array<i32>} : memref<2x128x64xf32, #tpu.memory_space<vmem>>, vector<16xf32>,
      tpu.vector_store %arg11[%swap3A_145, %swap3A_146, %swap3A_147], %broadcast_in_dim3A_143 {strides = array<i32>} : memref<2x128x64xf32, #tpu.memory_space<vmem>>, vector<16xf32>,
      %broadcast_in_dim3A_149 = arith.constant 0.000000e+00 : f32
      %broadcast_in_dim3A_150 = vector.broadcast %broadcast_in_dim3A_149 : f32 to vector<16xf32>
      %swap3A_151 = arith.constant 0 : i32
      %swap3A_152 = arith.index_cast %swap3A_151 : i32 to index
      %swap3A_153 = arith.index_cast %scan3A_135 : i32 to index
      %swap3A_154 = arith.constant 32 : index
      %swap3A_155 = tpu.vector_load %arg11[%swap3A_152, %swap3A_153, %swap3A_154] {strides = array<i32>} : memref<2x128x64xf32, #tpu.memory_space<vmem>>, vector<16xf32>,
      tpu.vector_store %arg11[%swap3A_152, %swap3A_153, %swap3A_154], %broadcast_in_dim3A_150 {strides = array<i32>} : memref<2x128x64xf32, #tpu.memory_space<vmem>>, vector<16xf32>,
      %broadcast_in_dim3A_156 = arith.constant 0.000000e+00 : f32
      %broadcast_in_dim3A_157 = vector.broadcast %broadcast_in_dim3A_156 : f32 to vector<16xf32>
      %swap3A_158 = arith.constant 0 : i32
      %swap3A_159 = arith.index_cast %swap3A_158 : i32 to index
      %swap3A_160 = arith.index_cast %scan3A_135 : i32 to index
      %swap3A_161 = arith.constant 48 : index
      %swap3A_162 = tpu.vector_load %arg11[%swap3A_159, %swap3A_160, %swap3A_161] {strides = array<i32>} : memref<2x128x64xf32, #tpu.memory_space<vmem>>, vector<16xf32>,
      tpu.vector_store %arg11[%swap3A_159, %swap3A_160, %swap3A_161], %broadcast_in_dim3A_157 {strides = array<i32>} : memref<2x128x64xf32, #tpu.memory_space<vmem>>, vector<16xf32>,
      %scan3A_163 = arith.constant 0 : i32
      scf.yield %scan3A_163 : i32
    }
    %scan3A_8 = arith.constant 128 : i32
    %add3A_9 = arith.constant 0 : i32
    %add3A_10 = arith.addi %mul3A_2, %add3A_9 : i32
    %run_scoped3A = arith.constant 0 : i32
    "tpu.region"() ({
      %run_scoped3A_135 = tpu.sem_alloc : memref<!tpu.dma_semaphore, #tpu.memory_space<semaphore_mem>>
      %dma_start3A_136 = arith.constant 0 : i32
      %dma_start3A_137 = arith.constant 0 : i32
      %dma_start3A_138 = tpu.memref_slice %arg11[%run_scoped3A, %dma_start3A_136, %dma_start3A_137] : memref<2x128x64xf32, #tpu.memory_space<vmem>> -> memref<1x128x64xf32, #tpu.memory_space<vmem>>
      %dma_start3A_139 = tpu.memref_squeeze %dma_start3A_138 : memref<1x128x64xf32, #tpu.memory_space<vmem>> -> memref<128x64xf32, #tpu.memory_space<vmem>>
      %dma_start3A_140 = arith.constant 0 : i32
      %dma_start3A_141 = tpu.memref_slice %arg12[%add3A_10, %dma_start3A_140] : memref<10240x64xf32, #tpu.memory_space<vmem_shared>> -> memref<128x64xf32, #tpu.memory_space<vmem_shared>>
      %dma_start3A_142 = arith.constant 0 : i32
      %dma_start3A_143 = tpu.memref_slice %arg12[%add3A_10, %dma_start3A_142] : memref<10240x64xf32, #tpu.memory_space<vmem_shared>> -> memref<128x64xf32, #tpu.memory_space<vmem_shared>>
      %dma_start3A_144 = arith.constant 0 : i32
      %dma_start3A_145 = arith.constant 0 : i32
      %dma_start3A_146 = tpu.memref_slice %arg11[%run_scoped3A, %dma_start3A_144, %dma_start3A_145] : memref<2x128x64xf32, #tpu.memory_space<vmem>> -> memref<1x128x64xf32, #tpu.memory_space<vmem>>
      %dma_start3A_147 = tpu.memref_squeeze %dma_start3A_146 : memref<1x128x64xf32, #tpu.memory_space<vmem>> -> memref<128x64xf32, #tpu.memory_space<vmem>>
      tpu.enqueue_dma source(%dma_start3A_147 : memref<128x64xf32, #tpu.memory_space<vmem>>) target(%dma_start3A_143 : memref<128x64xf32, #tpu.memory_space<vmem_shared>>) target_semaphore(%run_scoped3A_135 : memref<!tpu.dma_semaphore, #tpu.memory_space<semaphore_mem>>)
      %dma_wait3A_148 = arith.constant 0 : i32
      %dma_wait3A_149 = arith.constant 0 : i32
      %dma_wait3A_150 = tpu.memref_slice %arg11[%run_scoped3A, %dma_wait3A_148, %dma_wait3A_149] : memref<2x128x64xf32, #tpu.memory_space<vmem>> -> memref<1x128x64xf32, #tpu.memory_space<vmem>>
      %dma_wait3A_151 = tpu.memref_squeeze %dma_wait3A_150 : memref<1x128x64xf32, #tpu.memory_space<vmem>> -> memref<128x64xf32, #tpu.memory_space<vmem>>
      %dma_wait3A_152 = arith.constant 0 : i32
      %dma_wait3A_153 = tpu.memref_slice %arg12[%add3A_10, %dma_wait3A_152] : memref<10240x64xf32, #tpu.memory_space<vmem_shared>> -> memref<128x64xf32, #tpu.memory_space<vmem_shared>>
      %dma_wait3A_154 = arith.constant 0 : i32
      %dma_wait3A_155 = tpu.memref_slice %arg12[%add3A_10, %dma_wait3A_154] : memref<10240x64xf32, #tpu.memory_space<vmem_shared>> -> memref<128x64xf32, #tpu.memory_space<vmem_shared>>
      %dma_wait3A_156 = arith.constant 0 : i32
      %dma_wait3A_157 = arith.constant 0 : i32
      %dma_wait3A_158 = tpu.memref_slice %arg11[%run_scoped3A, %dma_wait3A_156, %dma_wait3A_157] : memref<2x128x64xf32, #tpu.memory_space<vmem>> -> memref<1x128x64xf32, #tpu.memory_space<vmem>>
      %dma_wait3A_159 = tpu.memref_squeeze %dma_wait3A_158 : memref<1x128x64xf32, #tpu.memory_space<vmem>> -> memref<128x64xf32, #tpu.memory_space<vmem>>
      tpu.wait_dma2 semaphore(%run_scoped3A_135 : memref<!tpu.dma_semaphore, #tpu.memory_space<semaphore_mem>>) src(%dma_wait3A_159 : memref<128x64xf32, #tpu.memory_space<vmem>>) dst(%dma_wait3A_155 : memref<128x64xf32, #tpu.memory_space<vmem_shared>>)
      tpu.yield
    }) : () -> ()
    %add3A_11 = arith.constant 128 : i32
    %add3A_12 = arith.addi %mul3A_2, %add3A_11 : i32
    %run_scoped3A_13 = arith.constant 0 : i32
    "tpu.region"() ({
      %run_scoped3A_135 = tpu.sem_alloc : memref<!tpu.dma_semaphore, #tpu.memory_space<semaphore_mem>>
      %dma_start3A_136 = arith.constant 0 : i32
      %dma_start3A_137 = arith.constant 0 : i32
      %dma_start3A_138 = tpu.memref_slice %arg11[%run_scoped3A_13, %dma_start3A_136, %dma_start3A_137] : memref<2x128x64xf32, #tpu.memory_space<vmem>> -> memref<1x128x64xf32, #tpu.memory_space<vmem>>
      %dma_start3A_139 = tpu.memref_squeeze %dma_start3A_138 : memref<1x128x64xf32, #tpu.memory_space<vmem>> -> memref<128x64xf32, #tpu.memory_space<vmem>>
      %dma_start3A_140 = arith.constant 0 : i32
      %dma_start3A_141 = tpu.memref_slice %arg12[%add3A_12, %dma_start3A_140] : memref<10240x64xf32, #tpu.memory_space<vmem_shared>> -> memref<128x64xf32, #tpu.memory_space<vmem_shared>>
      %dma_start3A_142 = arith.constant 0 : i32
      %dma_start3A_143 = tpu.memref_slice %arg12[%add3A_12, %dma_start3A_142] : memref<10240x64xf32, #tpu.memory_space<vmem_shared>> -> memref<128x64xf32, #tpu.memory_space<vmem_shared>>
      %dma_start3A_144 = arith.constant 0 : i32
      %dma_start3A_145 = arith.constant 0 : i32
      %dma_start3A_146 = tpu.memref_slice %arg11[%run_scoped3A_13, %dma_start3A_144, %dma_start3A_145] : memref<2x128x64xf32, #tpu.memory_space<vmem>> -> memref<1x128x64xf32, #tpu.memory_space<vmem>>
      %dma_start3A_147 = tpu.memref_squeeze %dma_start3A_146 : memref<1x128x64xf32, #tpu.memory_space<vmem>> -> memref<128x64xf32, #tpu.memory_space<vmem>>
      tpu.enqueue_dma source(%dma_start3A_147 : memref<128x64xf32, #tpu.memory_space<vmem>>) target(%dma_start3A_143 : memref<128x64xf32, #tpu.memory_space<vmem_shared>>) target_semaphore(%run_scoped3A_135 : memref<!tpu.dma_semaphore, #tpu.memory_space<semaphore_mem>>)
      %dma_wait3A_148 = arith.constant 0 : i32
      %dma_wait3A_149 = arith.constant 0 : i32
      %dma_wait3A_150 = tpu.memref_slice %arg11[%run_scoped3A_13, %dma_wait3A_148, %dma_wait3A_149] : memref<2x128x64xf32, #tpu.memory_space<vmem>> -> memref<1x128x64xf32, #tpu.memory_space<vmem>>
      %dma_wait3A_151 = tpu.memref_squeeze %dma_wait3A_150 : memref<1x128x64xf32, #tpu.memory_space<vmem>> -> memref<128x64xf32, #tpu.memory_space<vmem>>
      %dma_wait3A_152 = arith.constant 0 : i32
      %dma_wait3A_153 = tpu.memref_slice %arg12[%add3A_12, %dma_wait3A_152] : memref<10240x64xf32, #tpu.memory_space<vmem_shared>> -> memref<128x64xf32, #tpu.memory_space<vmem_shared>>
      %dma_wait3A_154 = arith.constant 0 : i32
      %dma_wait3A_155 = tpu.memref_slice %arg12[%add3A_12, %dma_wait3A_154] : memref<10240x64xf32, #tpu.memory_space<vmem_shared>> -> memref<128x64xf32, #tpu.memory_space<vmem_shared>>
      %dma_wait3A_156 = arith.constant 0 : i32
      %dma_wait3A_157 = arith.constant 0 : i32
      %dma_wait3A_158 = tpu.memref_slice %arg11[%run_scoped3A_13, %dma_wait3A_156, %dma_wait3A_157] : memref<2x128x64xf32, #tpu.memory_space<vmem>> -> memref<1x128x64xf32, #tpu.memory_space<vmem>>
      %dma_wait3A_159 = tpu.memref_squeeze %dma_wait3A_158 : memref<1x128x64xf32, #tpu.memory_space<vmem>> -> memref<128x64xf32, #tpu.memory_space<vmem>>
      tpu.wait_dma2 semaphore(%run_scoped3A_135 : memref<!tpu.dma_semaphore, #tpu.memory_space<semaphore_mem>>) src(%dma_wait3A_159 : memref<128x64xf32, #tpu.memory_space<vmem>>) dst(%dma_wait3A_155 : memref<128x64xf32, #tpu.memory_space<vmem_shared>>)
      tpu.yield
    }) : () -> ()
    %add3A_14 = arith.constant 256 : i32
    %add3A_15 = arith.addi %mul3A_2, %add3A_14 : i32
    %run_scoped3A_16 = arith.constant 0 : i32
    "tpu.region"() ({
      %run_scoped3A_135 = tpu.sem_alloc : memref<!tpu.dma_semaphore, #tpu.memory_space<semaphore_mem>>
      %dma_start3A_136 = arith.constant 0 : i32
      %dma_start3A_137 = arith.constant 0 : i32
      %dma_start3A_138 = tpu.memref_slice %arg11[%run_scoped3A_16, %dma_start3A_136, %dma_start3A_137] : memref<2x128x64xf32, #tpu.memory_space<vmem>> -> memref<1x128x64xf32, #tpu.memory_space<vmem>>
      %dma_start3A_139 = tpu.memref_squeeze %dma_start3A_138 : memref<1x128x64xf32, #tpu.memory_space<vmem>> -> memref<128x64xf32, #tpu.memory_space<vmem>>
      %dma_start3A_140 = arith.constant 0 : i32
      %dma_start3A_141 = tpu.memref_slice %arg12[%add3A_15, %dma_start3A_140] : memref<10240x64xf32, #tpu.memory_space<vmem_shared>> -> memref<128x64xf32, #tpu.memory_space<vmem_shared>>
      %dma_start3A_142 = arith.constant 0 : i32
      %dma_start3A_143 = tpu.memref_slice %arg12[%add3A_15, %dma_start3A_142] : memref<10240x64xf32, #tpu.memory_space<vmem_shared>> -> memref<128x64xf32, #tpu.memory_space<vmem_shared>>
      %dma_start3A_144 = arith.constant 0 : i32
      %dma_start3A_145 = arith.constant 0 : i32
      %dma_start3A_146 = tpu.memref_slice %arg11[%run_scoped3A_16, %dma_start3A_144, %dma_start3A_145] : memref<2x128x64xf32, #tpu.memory_space<vmem>> -> memref<1x128x64xf32, #tpu.memory_space<vmem>>
      %dma_start3A_147 = tpu.memref_squeeze %dma_start3A_146 : memref<1x128x64xf32, #tpu.memory_space<vmem>> -> memref<128x64xf32, #tpu.memory_space<vmem>>
      tpu.enqueue_dma source(%dma_start3A_147 : memref<128x64xf32, #tpu.memory_space<vmem>>) target(%dma_start3A_143 : memref<128x64xf32, #tpu.memory_space<vmem_shared>>) target_semaphore(%run_scoped3A_135 : memref<!tpu.dma_semaphore, #tpu.memory_space<semaphore_mem>>)
      %dma_wait3A_148 = arith.constant 0 : i32
      %dma_wait3A_149 = arith.constant 0 : i32
      %dma_wait3A_150 = tpu.memref_slice %arg11[%run_scoped3A_16, %dma_wait3A_148, %dma_wait3A_149] : memref<2x128x64xf32, #tpu.memory_space<vmem>> -> memref<1x128x64xf32, #tpu.memory_space<vmem>>
      %dma_wait3A_151 = tpu.memref_squeeze %dma_wait3A_150 : memref<1x128x64xf32, #tpu.memory_space<vmem>> -> memref<128x64xf32, #tpu.memory_space<vmem>>
      %dma_wait3A_152 = arith.constant 0 : i32
      %dma_wait3A_153 = tpu.memref_slice %arg12[%add3A_15, %dma_wait3A_152] : memref<10240x64xf32, #tpu.memory_space<vmem_shared>> -> memref<128x64xf32, #tpu.memory_space<vmem_shared>>
      %dma_wait3A_154 = arith.constant 0 : i32
      %dma_wait3A_155 = tpu.memref_slice %arg12[%add3A_15, %dma_wait3A_154] : memref<10240x64xf32, #tpu.memory_space<vmem_shared>> -> memref<128x64xf32, #tpu.memory_space<vmem_shared>>
      %dma_wait3A_156 = arith.constant 0 : i32
      %dma_wait3A_157 = arith.constant 0 : i32
      %dma_wait3A_158 = tpu.memref_slice %arg11[%run_scoped3A_16, %dma_wait3A_156, %dma_wait3A_157] : memref<2x128x64xf32, #tpu.memory_space<vmem>> -> memref<1x128x64xf32, #tpu.memory_space<vmem>>
      %dma_wait3A_159 = tpu.memref_squeeze %dma_wait3A_158 : memref<1x128x64xf32, #tpu.memory_space<vmem>> -> memref<128x64xf32, #tpu.memory_space<vmem>>
      tpu.wait_dma2 semaphore(%run_scoped3A_135 : memref<!tpu.dma_semaphore, #tpu.memory_space<semaphore_mem>>) src(%dma_wait3A_159 : memref<128x64xf32, #tpu.memory_space<vmem>>) dst(%dma_wait3A_155 : memref<128x64xf32, #tpu.memory_space<vmem_shared>>)
      tpu.yield
    }) : () -> ()
    %add3A_17 = arith.constant 384 : i32
    %add3A_18 = arith.addi %mul3A_2, %add3A_17 : i32
    %run_scoped3A_19 = arith.constant 0 : i32
    "tpu.region"() ({
      %run_scoped3A_135 = tpu.sem_alloc : memref<!tpu.dma_semaphore, #tpu.memory_space<semaphore_mem>>
      %dma_start3A_136 = arith.constant 0 : i32
      %dma_start3A_137 = arith.constant 0 : i32
      %dma_start3A_138 = tpu.memref_slice %arg11[%run_scoped3A_19, %dma_start3A_136, %dma_start3A_137] : memref<2x128x64xf32, #tpu.memory_space<vmem>> -> memref<1x128x64xf32, #tpu.memory_space<vmem>>
      %dma_start3A_139 = tpu.memref_squeeze %dma_start3A_138 : memref<1x128x64xf32, #tpu.memory_space<vmem>> -> memref<128x64xf32, #tpu.memory_space<vmem>>
      %dma_start3A_140 = arith.constant 0 : i32
      %dma_start3A_141 = tpu.memref_slice %arg12[%add3A_18, %dma_start3A_140] : memref<10240x64xf32, #tpu.memory_space<vmem_shared>> -> memref<128x64xf32, #tpu.memory_space<vmem_shared>>
      %dma_start3A_142 = arith.constant 0 : i32
      %dma_start3A_143 = tpu.memref_slice %arg12[%add3A_18, %dma_start3A_142] : memref<10240x64xf32, #tpu.memory_space<vmem_shared>> -> memref<128x64xf32, #tpu.memory_space<vmem_shared>>
      %dma_start3A_144 = arith.constant 0 : i32
      %dma_start3A_145 = arith.constant 0 : i32
      %dma_start3A_146 = tpu.memref_slice %arg11[%run_scoped3A_19, %dma_start3A_144, %dma_start3A_145] : memref<2x128x64xf32, #tpu.memory_space<vmem>> -> memref<1x128x64xf32, #tpu.memory_space<vmem>>
      %dma_start3A_147 = tpu.memref_squeeze %dma_start3A_146 : memref<1x128x64xf32, #tpu.memory_space<vmem>> -> memref<128x64xf32, #tpu.memory_space<vmem>>
      tpu.enqueue_dma source(%dma_start3A_147 : memref<128x64xf32, #tpu.memory_space<vmem>>) target(%dma_start3A_143 : memref<128x64xf32, #tpu.memory_space<vmem_shared>>) target_semaphore(%run_scoped3A_135 : memref<!tpu.dma_semaphore, #tpu.memory_space<semaphore_mem>>)
      %dma_wait3A_148 = arith.constant 0 : i32
      %dma_wait3A_149 = arith.constant 0 : i32
      %dma_wait3A_150 = tpu.memref_slice %arg11[%run_scoped3A_19, %dma_wait3A_148, %dma_wait3A_149] : memref<2x128x64xf32, #tpu.memory_space<vmem>> -> memref<1x128x64xf32, #tpu.memory_space<vmem>>
      %dma_wait3A_151 = tpu.memref_squeeze %dma_wait3A_150 : memref<1x128x64xf32, #tpu.memory_space<vmem>> -> memref<128x64xf32, #tpu.memory_space<vmem>>
      %dma_wait3A_152 = arith.constant 0 : i32
      %dma_wait3A_153 = tpu.memref_slice %arg12[%add3A_18, %dma_wait3A_152] : memref<10240x64xf32, #tpu.memory_space<vmem_shared>> -> memref<128x64xf32, #tpu.memory_space<vmem_shared>>
      %dma_wait3A_154 = arith.constant 0 : i32
      %dma_wait3A_155 = tpu.memref_slice %arg12[%add3A_18, %dma_wait3A_154] : memref<10240x64xf32, #tpu.memory_space<vmem_shared>> -> memref<128x64xf32, #tpu.memory_space<vmem_shared>>
      %dma_wait3A_156 = arith.constant 0 : i32
      %dma_wait3A_157 = arith.constant 0 : i32
      %dma_wait3A_158 = tpu.memref_slice %arg11[%run_scoped3A_19, %dma_wait3A_156, %dma_wait3A_157] : memref<2x128x64xf32, #tpu.memory_space<vmem>> -> memref<1x128x64xf32, #tpu.memory_space<vmem>>
      %dma_wait3A_159 = tpu.memref_squeeze %dma_wait3A_158 : memref<1x128x64xf32, #tpu.memory_space<vmem>> -> memref<128x64xf32, #tpu.memory_space<vmem>>
      tpu.wait_dma2 semaphore(%run_scoped3A_135 : memref<!tpu.dma_semaphore, #tpu.memory_space<semaphore_mem>>) src(%dma_wait3A_159 : memref<128x64xf32, #tpu.memory_space<vmem>>) dst(%dma_wait3A_155 : memref<128x64xf32, #tpu.memory_space<vmem_shared>>)
      tpu.yield
    }) : () -> ()
    %add3A_20 = arith.constant 512 : i32
    %add3A_21 = arith.addi %mul3A_2, %add3A_20 : i32
    %run_scoped3A_22 = arith.constant 0 : i32
    "tpu.region"() ({
      %run_scoped3A_135 = tpu.sem_alloc : memref<!tpu.dma_semaphore, #tpu.memory_space<semaphore_mem>>
      %dma_start3A_136 = arith.constant 0 : i32
      %dma_start3A_137 = arith.constant 0 : i32
      %dma_start3A_138 = tpu.memref_slice %arg11[%run_scoped3A_22, %dma_start3A_136, %dma_start3A_137] : memref<2x128x64xf32, #tpu.memory_space<vmem>> -> memref<1x128x64xf32, #tpu.memory_space<vmem>>
      %dma_start3A_139 = tpu.memref_squeeze %dma_start3A_138 : memref<1x128x64xf32, #tpu.memory_space<vmem>> -> memref<128x64xf32, #tpu.memory_space<vmem>>
      %dma_start3A_140 = arith.constant 0 : i32
      %dma_start3A_141 = tpu.memref_slice %arg12[%add3A_21, %dma_start3A_140] : memref<10240x64xf32, #tpu.memory_space<vmem_shared>> -> memref<128x64xf32, #tpu.memory_space<vmem_shared>>
      %dma_start3A_142 = arith.constant 0 : i32
      %dma_start3A_143 = tpu.memref_slice %arg12[%add3A_21, %dma_start3A_142] : memref<10240x64xf32, #tpu.memory_space<vmem_shared>> -> memref<128x64xf32, #tpu.memory_space<vmem_shared>>
      %dma_start3A_144 = arith.constant 0 : i32
      %dma_start3A_145 = arith.constant 0 : i32
      %dma_start3A_146 = tpu.memref_slice %arg11[%run_scoped3A_22, %dma_start3A_144, %dma_start3A_145] : memref<2x128x64xf32, #tpu.memory_space<vmem>> -> memref<1x128x64xf32, #tpu.memory_space<vmem>>
      %dma_start3A_147 = tpu.memref_squeeze %dma_start3A_146 : memref<1x128x64xf32, #tpu.memory_space<vmem>> -> memref<128x64xf32, #tpu.memory_space<vmem>>
      tpu.enqueue_dma source(%dma_start3A_147 : memref<128x64xf32, #tpu.memory_space<vmem>>) target(%dma_start3A_143 : memref<128x64xf32, #tpu.memory_space<vmem_shared>>) target_semaphore(%run_scoped3A_135 : memref<!tpu.dma_semaphore, #tpu.memory_space<semaphore_mem>>)
      %dma_wait3A_148 = arith.constant 0 : i32
      %dma_wait3A_149 = arith.constant 0 : i32
      %dma_wait3A_150 = tpu.memref_slice %arg11[%run_scoped3A_22, %dma_wait3A_148, %dma_wait3A_149] : memref<2x128x64xf32, #tpu.memory_space<vmem>> -> memref<1x128x64xf32, #tpu.memory_space<vmem>>
      %dma_wait3A_151 = tpu.memref_squeeze %dma_wait3A_150 : memref<1x128x64xf32, #tpu.memory_space<vmem>> -> memref<128x64xf32, #tpu.memory_space<vmem>>
      %dma_wait3A_152 = arith.constant 0 : i32
      %dma_wait3A_153 = tpu.memref_slice %arg12[%add3A_21, %dma_wait3A_152] : memref<10240x64xf32, #tpu.memory_space<vmem_shared>> -> memref<128x64xf32, #tpu.memory_space<vmem_shared>>
      %dma_wait3A_154 = arith.constant 0 : i32
      %dma_wait3A_155 = tpu.memref_slice %arg12[%add3A_21, %dma_wait3A_154] : memref<10240x64xf32, #tpu.memory_space<vmem_shared>> -> memref<128x64xf32, #tpu.memory_space<vmem_shared>>
      %dma_wait3A_156 = arith.constant 0 : i32
      %dma_wait3A_157 = arith.constant 0 : i32
      %dma_wait3A_158 = tpu.memref_slice %arg11[%run_scoped3A_22, %dma_wait3A_156, %dma_wait3A_157] : memref<2x128x64xf32, #tpu.memory_space<vmem>> -> memref<1x128x64xf32, #tpu.memory_space<vmem>>
      %dma_wait3A_159 = tpu.memref_squeeze %dma_wait3A_158 : memref<1x128x64xf32, #tpu.memory_space<vmem>> -> memref<128x64xf32, #tpu.memory_space<vmem>>
      tpu.wait_dma2 semaphore(%run_scoped3A_135 : memref<!tpu.dma_semaphore, #tpu.memory_space<semaphore_mem>>) src(%dma_wait3A_159 : memref<128x64xf32, #tpu.memory_space<vmem>>) dst(%dma_wait3A_155 : memref<128x64xf32, #tpu.memory_space<vmem_shared>>)
      tpu.yield
    }) : () -> ()
    %mul3A_23 = arith.constant 80 : i32
    %mul3A_24 = arith.muli %add3A, %mul3A_23 : i32
    "tpu.region"() ({
      %run_scoped3A_135 = tpu.sem_alloc : memref<!tpu.dma_semaphore, #tpu.memory_space<semaphore_mem>>
      %dma_start3A_136 = arith.constant 0 : i32
      %dma_start3A_137 = tpu.memref_slice %arg4[%mul3A_24, %dma_start3A_136] : memref<2560x128xi32, #tpu.memory_space<hbm>> -> memref<80x128xi32, #tpu.memory_space<hbm>>
      %dma_start3A_138 = arith.constant 0 : i32
      %dma_start3A_139 = tpu.memref_slice %arg4[%mul3A_24, %dma_start3A_138] : memref<2560x128xi32, #tpu.memory_space<hbm>> -> memref<80x128xi32, #tpu.memory_space<hbm>>
      tpu.enqueue_dma source(%dma_start3A_139 : memref<80x128xi32, #tpu.memory_space<hbm>>) target(%arg7 : memref<80x128xi32, #tpu.memory_space<vmem>>) target_semaphore(%run_scoped3A_135 : memref<!tpu.dma_semaphore, #tpu.memory_space<semaphore_mem>>)
      %dma_wait3A_140 = arith.constant 0 : i32
      %dma_wait3A_141 = tpu.memref_slice %arg4[%mul3A_24, %dma_wait3A_140] : memref<2560x128xi32, #tpu.memory_space<hbm>> -> memref<80x128xi32, #tpu.memory_space<hbm>>
      %dma_wait3A_142 = arith.constant 0 : i32
      %dma_wait3A_143 = tpu.memref_slice %arg4[%mul3A_24, %dma_wait3A_142] : memref<2560x128xi32, #tpu.memory_space<hbm>> -> memref<80x128xi32, #tpu.memory_space<hbm>>
      tpu.wait_dma2 semaphore(%run_scoped3A_135 : memref<!tpu.dma_semaphore, #tpu.memory_space<semaphore_mem>>) src(%dma_wait3A_143 : memref<80x128xi32, #tpu.memory_space<hbm>>) dst(%arg7 : memref<80x128xi32, #tpu.memory_space<vmem>>)
      tpu.yield
    }) : () -> ()
    %mul3A_25 = arith.constant 80 : i32
    %mul3A_26 = arith.muli %add3A, %mul3A_25 : i32
    "tpu.region"() ({
      %run_scoped3A_135 = tpu.sem_alloc : memref<!tpu.dma_semaphore, #tpu.memory_space<semaphore_mem>>
      %dma_start3A_136 = arith.constant 0 : i32
      %dma_start3A_137 = tpu.memref_slice %arg5[%mul3A_26, %dma_start3A_136] : memref<2560x128xi32, #tpu.memory_space<hbm>> -> memref<80x128xi32, #tpu.memory_space<hbm>>
      %dma_start3A_138 = arith.constant 0 : i32
      %dma_start3A_139 = tpu.memref_slice %arg5[%mul3A_26, %dma_start3A_138] : memref<2560x128xi32, #tpu.memory_space<hbm>> -> memref<80x128xi32, #tpu.memory_space<hbm>>
      tpu.enqueue_dma source(%dma_start3A_139 : memref<80x128xi32, #tpu.memory_space<hbm>>) target(%arg8 : memref<80x128xi32, #tpu.memory_space<vmem>>) target_semaphore(%run_scoped3A_135 : memref<!tpu.dma_semaphore, #tpu.memory_space<semaphore_mem>>)
      %dma_wait3A_140 = arith.constant 0 : i32
      %dma_wait3A_141 = tpu.memref_slice %arg5[%mul3A_26, %dma_wait3A_140] : memref<2560x128xi32, #tpu.memory_space<hbm>> -> memref<80x128xi32, #tpu.memory_space<hbm>>
      %dma_wait3A_142 = arith.constant 0 : i32
      %dma_wait3A_143 = tpu.memref_slice %arg5[%mul3A_26, %dma_wait3A_142] : memref<2560x128xi32, #tpu.memory_space<hbm>> -> memref<80x128xi32, #tpu.memory_space<hbm>>
      tpu.wait_dma2 semaphore(%run_scoped3A_135 : memref<!tpu.dma_semaphore, #tpu.memory_space<semaphore_mem>>) src(%dma_wait3A_143 : memref<80x128xi32, #tpu.memory_space<hbm>>) dst(%arg8 : memref<80x128xi32, #tpu.memory_space<vmem>>)
      tpu.yield
    }) : () -> ()
    %barrier3A = arith.constant 0 : index
    tpu.barrier barrier_id(%barrier3A)
    %dma_start3A = arith.constant 0 : i32
    %dma_start3A_27 = arith.constant 0 : i32
    %dma_start3A_28 = arith.constant 0 : i32
    %dma_start3A_29 = arith.constant 0 : i32
    %dma_start3A_30 = tpu.memref_slice %arg9[%dma_start3A_27, %dma_start3A_28, %dma_start3A_29] : memref<2x128x64xbf16, #tpu.memory_space<vmem>> -> memref<1x128x64xbf16, #tpu.memory_space<vmem>>
    %dma_start3A_31 = tpu.memref_squeeze %dma_start3A_30 : memref<1x128x64xbf16, #tpu.memory_space<vmem>> -> memref<128x64xbf16, #tpu.memory_space<vmem>>
    %dma_start3A_32 = arith.constant 0 : i32
    %dma_start3A_33 = tpu.memref_slice %arg7[%dma_start3A, %dma_start3A_32] : memref<80x128xi32, #tpu.memory_space<vmem>> -> memref<1x128xi32, #tpu.memory_space<vmem>>
    %dma_start3A_34 = tpu.memref_squeeze %dma_start3A_33 : memref<1x128xi32, #tpu.memory_space<vmem>> -> memref<128xi32, #tpu.memory_space<vmem>>
    %dma_start3A_35 = arith.constant 0 : i32
    %dma_start3A_36 = arith.constant 0 : i32
    %dma_start3A_37 = tpu.memref_slice %arg2[%dma_start3A_35, %dma_start3A_36] : memref<10240x64xbf16, #tpu.memory_space<hbm>> -> memref<10240x64xbf16, #tpu.memory_space<hbm>>
    tpu.enqueue_indirect_dma source(%dma_start3A_37 : memref<10240x64xbf16, #tpu.memory_space<hbm>>) target(%dma_start3A_31 : memref<128x64xbf16, #tpu.memory_space<vmem>>) offsets(%dma_start3A_34 : memref<128xi32, #tpu.memory_space<vmem>>) semaphore(%arg13 : memref<!tpu.dma_semaphore, #tpu.memory_space<semaphore_mem>>)
    %dma_start3A_38 = arith.constant 0 : i32
    %dma_start3A_39 = arith.constant 0 : i32
    %dma_start3A_40 = arith.constant 0 : i32
    %dma_start3A_41 = arith.constant 0 : i32
    %dma_start3A_42 = tpu.memref_slice %arg10[%dma_start3A_39, %dma_start3A_40, %dma_start3A_41] : memref<2x128x64xbf16, #tpu.memory_space<vmem>> -> memref<1x128x64xbf16, #tpu.memory_space<vmem>>
    %dma_start3A_43 = tpu.memref_squeeze %dma_start3A_42 : memref<1x128x64xbf16, #tpu.memory_space<vmem>> -> memref<128x64xbf16, #tpu.memory_space<vmem>>
    %dma_start3A_44 = arith.constant 0 : i32
    %dma_start3A_45 = tpu.memref_slice %arg8[%dma_start3A_38, %dma_start3A_44] : memref<80x128xi32, #tpu.memory_space<vmem>> -> memref<1x128xi32, #tpu.memory_space<vmem>>
    %dma_start3A_46 = tpu.memref_squeeze %dma_start3A_45 : memref<1x128xi32, #tpu.memory_space<vmem>> -> memref<128xi32, #tpu.memory_space<vmem>>
    %dma_start3A_47 = arith.constant 0 : i32
    %dma_start3A_48 = arith.constant 0 : i32
    %dma_start3A_49 = tpu.memref_slice %arg3[%dma_start3A_47, %dma_start3A_48] : memref<10240x64xbf16, #tpu.memory_space<hbm>> -> memref<10240x64xbf16, #tpu.memory_space<hbm>>
    tpu.enqueue_indirect_dma source(%dma_start3A_49 : memref<10240x64xbf16, #tpu.memory_space<hbm>>) target(%dma_start3A_43 : memref<128x64xbf16, #tpu.memory_space<vmem>>) offsets(%dma_start3A_46 : memref<128xi32, #tpu.memory_space<vmem>>) semaphore(%arg15 : memref<!tpu.dma_semaphore, #tpu.memory_space<semaphore_mem>>)
    %dma_start3A_50 = arith.constant 1 : i32
    %dma_start3A_51 = arith.constant 1 : i32
    %dma_start3A_52 = arith.constant 0 : i32
    %dma_start3A_53 = arith.constant 0 : i32
    %dma_start3A_54 = tpu.memref_slice %arg9[%dma_start3A_51, %dma_start3A_52, %dma_start3A_53] : memref<2x128x64xbf16, #tpu.memory_space<vmem>> -> memref<1x128x64xbf16, #tpu.memory_space<vmem>>
    %dma_start3A_55 = tpu.memref_squeeze %dma_start3A_54 : memref<1x128x64xbf16, #tpu.memory_space<vmem>> -> memref<128x64xbf16, #tpu.memory_space<vmem>>
    %dma_start3A_56 = arith.constant 0 : i32
    %dma_start3A_57 = tpu.memref_slice %arg7[%dma_start3A_50, %dma_start3A_56] : memref<80x128xi32, #tpu.memory_space<vmem>> -> memref<1x128xi32, #tpu.memory_space<vmem>>
    %dma_start3A_58 = tpu.memref_squeeze %dma_start3A_57 : memref<1x128xi32, #tpu.memory_space<vmem>> -> memref<128xi32, #tpu.memory_space<vmem>>
    %dma_start3A_59 = arith.constant 0 : i32
    %dma_start3A_60 = arith.constant 0 : i32
    %dma_start3A_61 = tpu.memref_slice %arg2[%dma_start3A_59, %dma_start3A_60] : memref<10240x64xbf16, #tpu.memory_space<hbm>> -> memref<10240x64xbf16, #tpu.memory_space<hbm>>
    tpu.enqueue_indirect_dma source(%dma_start3A_61 : memref<10240x64xbf16, #tpu.memory_space<hbm>>) target(%dma_start3A_55 : memref<128x64xbf16, #tpu.memory_space<vmem>>) offsets(%dma_start3A_58 : memref<128xi32, #tpu.memory_space<vmem>>) semaphore(%arg14 : memref<!tpu.dma_semaphore, #tpu.memory_space<semaphore_mem>>)
    %dma_start3A_62 = arith.constant 1 : i32
    %dma_start3A_63 = arith.constant 1 : i32
    %dma_start3A_64 = arith.constant 0 : i32
    %dma_start3A_65 = arith.constant 0 : i32
    %dma_start3A_66 = tpu.memref_slice %arg10[%dma_start3A_63, %dma_start3A_64, %dma_start3A_65] : memref<2x128x64xbf16, #tpu.memory_space<vmem>> -> memref<1x128x64xbf16, #tpu.memory_space<vmem>>
    %dma_start3A_67 = tpu.memref_squeeze %dma_start3A_66 : memref<1x128x64xbf16, #tpu.memory_space<vmem>> -> memref<128x64xbf16, #tpu.memory_space<vmem>>
    %dma_start3A_68 = arith.constant 0 : i32
    %dma_start3A_69 = tpu.memref_slice %arg8[%dma_start3A_62, %dma_start3A_68] : memref<80x128xi32, #tpu.memory_space<vmem>> -> memref<1x128xi32, #tpu.memory_space<vmem>>
    %dma_start3A_70 = tpu.memref_squeeze %dma_start3A_69 : memref<1x128xi32, #tpu.memory_space<vmem>> -> memref<128xi32, #tpu.memory_space<vmem>>
    %dma_start3A_71 = arith.constant 0 : i32
    %dma_start3A_72 = arith.constant 0 : i32
    %dma_start3A_73 = tpu.memref_slice %arg3[%dma_start3A_71, %dma_start3A_72] : memref<10240x64xbf16, #tpu.memory_space<hbm>> -> memref<10240x64xbf16, #tpu.memory_space<hbm>>
    tpu.enqueue_indirect_dma source(%dma_start3A_73 : memref<10240x64xbf16, #tpu.memory_space<hbm>>) target(%dma_start3A_67 : memref<128x64xbf16, #tpu.memory_space<vmem>>) offsets(%dma_start3A_70 : memref<128xi32, #tpu.memory_space<vmem>>) semaphore(%arg16 : memref<!tpu.dma_semaphore, #tpu.memory_space<semaphore_mem>>)
    %scan3A_74 = arith.constant 0 : i32
    %scan3A_75 = arith.constant 0 : i32
    %scan3A_76 = arith.constant 40 : i32
    %scan3A_77 = arith.addi %scan3A_75, %scan3A_76 : i32
    %scan3A_78 = arith.constant 1 : i32
    %scan3A_79 = scf.for %scan3A_135 = %scan3A_75 to %scan3A_77 step %scan3A_78 iter_args(%scan3A_136 = %scan3A_74) -> (i32)  : i32 {
      %mul3A_137 = arith.constant 2 : i32
      %mul3A_138 = arith.muli %mul3A_137, %scan3A_135 : i32
      %add3A_139 = arith.constant 0 : i32
      %add3A_140 = arith.addi %mul3A_138, %add3A_139 : i32
      %dma_wait3A_141 = arith.constant 0 : i32
      %dma_wait3A_142 = arith.constant 0 : i32
      %dma_wait3A_143 = arith.constant 0 : i32
      %dma_wait3A_144 = tpu.memref_slice %arg9[%dma_wait3A_141, %dma_wait3A_142, %dma_wait3A_143] : memref<2x128x64xbf16, #tpu.memory_space<vmem>> -> memref<1x128x64xbf16, #tpu.memory_space<vmem>>
      %dma_wait3A_145 = tpu.memref_squeeze %dma_wait3A_144 : memref<1x128x64xbf16, #tpu.memory_space<vmem>> -> memref<128x64xbf16, #tpu.memory_space<vmem>>
      %dma_wait3A_146 = arith.constant 0 : i32
      %dma_wait3A_147 = tpu.memref_slice %arg7[%add3A_140, %dma_wait3A_146] : memref<80x128xi32, #tpu.memory_space<vmem>> -> memref<1x128xi32, #tpu.memory_space<vmem>>
      %dma_wait3A_148 = tpu.memref_squeeze %dma_wait3A_147 : memref<1x128xi32, #tpu.memory_space<vmem>> -> memref<128xi32, #tpu.memory_space<vmem>>
      %dma_wait3A_149 = arith.constant 0 : i32
      %dma_wait3A_150 = arith.constant 0 : i32
      %dma_wait3A_151 = tpu.memref_slice %arg2[%dma_wait3A_149, %dma_wait3A_150] : memref<10240x64xbf16, #tpu.memory_space<hbm>> -> memref<10240x64xbf16, #tpu.memory_space<hbm>>
      tpu.wait_indirect_dma semaphore(%arg13 : memref<!tpu.dma_semaphore, #tpu.memory_space<semaphore_mem>>) src(%dma_wait3A_151 : memref<10240x64xbf16, #tpu.memory_space<hbm>>) dst(%dma_wait3A_145 : memref<128x64xbf16, #tpu.memory_space<vmem>>)
      %dma_wait3A_152 = arith.constant 0 : i32
      %dma_wait3A_153 = arith.constant 0 : i32
      %dma_wait3A_154 = arith.constant 0 : i32
      %dma_wait3A_155 = tpu.memref_slice %arg10[%dma_wait3A_152, %dma_wait3A_153, %dma_wait3A_154] : memref<2x128x64xbf16, #tpu.memory_space<vmem>> -> memref<1x128x64xbf16, #tpu.memory_space<vmem>>
      %dma_wait3A_156 = tpu.memref_squeeze %dma_wait3A_155 : memref<1x128x64xbf16, #tpu.memory_space<vmem>> -> memref<128x64xbf16, #tpu.memory_space<vmem>>
      %dma_wait3A_157 = arith.constant 0 : i32
      %dma_wait3A_158 = tpu.memref_slice %arg8[%add3A_140, %dma_wait3A_157] : memref<80x128xi32, #tpu.memory_space<vmem>> -> memref<1x128xi32, #tpu.memory_space<vmem>>
      %dma_wait3A_159 = tpu.memref_squeeze %dma_wait3A_158 : memref<1x128xi32, #tpu.memory_space<vmem>> -> memref<128xi32, #tpu.memory_space<vmem>>
      %dma_wait3A_160 = arith.constant 0 : i32
      %dma_wait3A_161 = arith.constant 0 : i32
      %dma_wait3A_162 = tpu.memref_slice %arg3[%dma_wait3A_160, %dma_wait3A_161] : memref<10240x64xbf16, #tpu.memory_space<hbm>> -> memref<10240x64xbf16, #tpu.memory_space<hbm>>
      tpu.wait_indirect_dma semaphore(%arg15 : memref<!tpu.dma_semaphore, #tpu.memory_space<semaphore_mem>>) src(%dma_wait3A_162 : memref<10240x64xbf16, #tpu.memory_space<hbm>>) dst(%dma_wait3A_156 : memref<128x64xbf16, #tpu.memory_space<vmem>>)
      %ge3A = arith.constant 2 : i32
      %ge3A_163 = arith.cmpi sge, %add3A_140, %ge3A : i32
      %convert_element_type3A = arith.extui %ge3A_163 : i1 to i32
      %cond3A = arith.constant 0 : i32
      %cond3A_164 = arith.cmpi ne, %convert_element_type3A, %cond3A : i32
      scf.if %cond3A_164 {
        %dma_wait3A_246 = arith.constant 0 : i32
        %dma_wait3A_247 = arith.constant 0 : i32
        %dma_wait3A_248 = arith.constant 0 : i32
        %dma_wait3A_249 = tpu.memref_slice %arg11[%dma_wait3A_246, %dma_wait3A_247, %dma_wait3A_248] : memref<2x128x64xf32, #tpu.memory_space<vmem>> -> memref<1x128x64xf32, #tpu.memory_space<vmem>>
        %dma_wait3A_250 = tpu.memref_squeeze %dma_wait3A_249 : memref<1x128x64xf32, #tpu.memory_space<vmem>> -> memref<128x64xf32, #tpu.memory_space<vmem>>
        %dma_wait3A_251 = arith.constant 0 : i32
        %dma_wait3A_252 = tpu.memref_slice %arg8[%add3A_140, %dma_wait3A_251] : memref<80x128xi32, #tpu.memory_space<vmem>> -> memref<1x128xi32, #tpu.memory_space<vmem>>
        %dma_wait3A_253 = tpu.memref_squeeze %dma_wait3A_252 : memref<1x128xi32, #tpu.memory_space<vmem>> -> memref<128xi32, #tpu.memory_space<vmem>>
        %dma_wait3A_254 = arith.constant 0 : i32
        %dma_wait3A_255 = arith.constant 0 : i32
        %dma_wait3A_256 = tpu.memref_slice %arg12[%dma_wait3A_254, %dma_wait3A_255] : memref<10240x64xf32, #tpu.memory_space<vmem_shared>> -> memref<10240x64xf32, #tpu.memory_space<vmem_shared>>
        tpu.wait_indirect_dma semaphore(%arg17 : memref<!tpu.dma_semaphore, #tpu.memory_space<semaphore_mem>>) src(%dma_wait3A_250 : memref<128x64xf32, #tpu.memory_space<vmem>>) dst(%dma_wait3A_256 : memref<10240x64xf32, #tpu.memory_space<vmem_shared>>)
      } else {
      }
      %scan3A_165 = arith.constant 0 : i32
      %scan3A_166 = arith.constant 0 : i32
      %scan3A_167 = arith.constant 128 : i32
      %scan3A_168 = arith.addi %scan3A_166, %scan3A_167 : i32
      %scan3A_169 = arith.constant 1 : i32
      %scan3A_170 = scf.for %scan3A_246 = %scan3A_166 to %scan3A_168 step %scan3A_169 iter_args(%scan3A_247 = %scan3A_165) -> (i32)  : i32 {
        %get3A = arith.constant 0 : i32
        %get3A_248 = arith.index_cast %get3A : i32 to index
        %get3A_249 = arith.index_cast %scan3A_246 : i32 to index
        %get3A_250 = arith.constant 0 : index
        %get3A_251 = tpu.vector_load %arg9[%get3A_248, %get3A_249, %get3A_250] {strides = array<i32>} : memref<2x128x64xbf16, #tpu.memory_space<vmem>>, vector<32xbf16>,
        %get3A_252 = arith.constant 0 : i32
        %get3A_253 = arith.index_cast %get3A_252 : i32 to index
        %get3A_254 = arith.index_cast %scan3A_246 : i32 to index
        %get3A_255 = arith.constant 0 : index
        %get3A_256 = tpu.vector_load %arg10[%get3A_253, %get3A_254, %get3A_255] {strides = array<i32>} : memref<2x128x64xbf16, #tpu.memory_space<vmem>>, vector<32xbf16>,
        %add3A_257 = arith.addf %get3A_251, %get3A_256 : vector<32xbf16>
        %broadcast_in_dim3A = arith.constant 0.000000e+00 : bf16
        %broadcast_in_dim3A_258 = vector.broadcast %broadcast_in_dim3A : bf16 to vector<32xbf16>
        %max3A = arith.maximumf %add3A_257, %broadcast_in_dim3A_258 : vector<32xbf16>
        %unpack3A = tpu.unpack_subelements %max3A, 0 {pack_format = #tpu.pack_format<interleaved>} : vector<32xbf16> -> vector<16xf32>
        %unpack3A_259 = tpu.unpack_subelements %max3A, 1 {pack_format = #tpu.pack_format<interleaved>} : vector<32xbf16> -> vector<16xf32>
        %swap3A = arith.constant 0 : i32
        %swap3A_260 = arith.index_cast %swap3A : i32 to index
        %swap3A_261 = arith.index_cast %scan3A_246 : i32 to index
        %swap3A_262 = arith.constant 0 : index
        %swap3A_263 = tpu.vector_load %arg11[%swap3A_260, %swap3A_261, %swap3A_262] {strides = array<i32>} : memref<2x128x64xf32, #tpu.memory_space<vmem>>, vector<16xf32>,
        tpu.vector_store %arg11[%swap3A_260, %swap3A_261, %swap3A_262], %unpack3A {strides = array<i32>} : memref<2x128x64xf32, #tpu.memory_space<vmem>>, vector<16xf32>,
        %swap3A_264 = arith.constant 0 : i32
        %swap3A_265 = arith.index_cast %swap3A_264 : i32 to index
        %swap3A_266 = arith.index_cast %scan3A_246 : i32 to index
        %swap3A_267 = arith.constant 16 : index
        %swap3A_268 = tpu.vector_load %arg11[%swap3A_265, %swap3A_266, %swap3A_267] {strides = array<i32>} : memref<2x128x64xf32, #tpu.memory_space<vmem>>, vector<16xf32>,
        tpu.vector_store %arg11[%swap3A_265, %swap3A_266, %swap3A_267], %unpack3A_259 {strides = array<i32>} : memref<2x128x64xf32, #tpu.memory_space<vmem>>, vector<16xf32>,
        %get3A_269 = arith.constant 0 : i32
        %get3A_270 = arith.index_cast %get3A_269 : i32 to index
        %get3A_271 = arith.index_cast %scan3A_246 : i32 to index
        %get3A_272 = arith.constant 32 : index
        %get3A_273 = tpu.vector_load %arg9[%get3A_270, %get3A_271, %get3A_272] {strides = array<i32>} : memref<2x128x64xbf16, #tpu.memory_space<vmem>>, vector<32xbf16>,
        %get3A_274 = arith.constant 0 : i32
        %get3A_275 = arith.index_cast %get3A_274 : i32 to index
        %get3A_276 = arith.index_cast %scan3A_246 : i32 to index
        %get3A_277 = arith.constant 32 : index
        %get3A_278 = tpu.vector_load %arg10[%get3A_275, %get3A_276, %get3A_277] {strides = array<i32>} : memref<2x128x64xbf16, #tpu.memory_space<vmem>>, vector<32xbf16>,
        %add3A_279 = arith.addf %get3A_273, %get3A_278 : vector<32xbf16>
        %broadcast_in_dim3A_280 = arith.constant 0.000000e+00 : bf16
        %broadcast_in_dim3A_281 = vector.broadcast %broadcast_in_dim3A_280 : bf16 to vector<32xbf16>
        %max3A_282 = arith.maximumf %add3A_279, %broadcast_in_dim3A_281 : vector<32xbf16>
        %unpack3A_283 = tpu.unpack_subelements %max3A_282, 0 {pack_format = #tpu.pack_format<interleaved>} : vector<32xbf16> -> vector<16xf32>
        %unpack3A_284 = tpu.unpack_subelements %max3A_282, 1 {pack_format = #tpu.pack_format<interleaved>} : vector<32xbf16> -> vector<16xf32>
        %swap3A_285 = arith.constant 0 : i32
        %swap3A_286 = arith.index_cast %swap3A_285 : i32 to index
        %swap3A_287 = arith.index_cast %scan3A_246 : i32 to index
        %swap3A_288 = arith.constant 32 : index
        %swap3A_289 = tpu.vector_load %arg11[%swap3A_286, %swap3A_287, %swap3A_288] {strides = array<i32>} : memref<2x128x64xf32, #tpu.memory_space<vmem>>, vector<16xf32>,
        tpu.vector_store %arg11[%swap3A_286, %swap3A_287, %swap3A_288], %unpack3A_283 {strides = array<i32>} : memref<2x128x64xf32, #tpu.memory_space<vmem>>, vector<16xf32>,
        %swap3A_290 = arith.constant 0 : i32
        %swap3A_291 = arith.index_cast %swap3A_290 : i32 to index
        %swap3A_292 = arith.index_cast %scan3A_246 : i32 to index
        %swap3A_293 = arith.constant 48 : index
        %swap3A_294 = tpu.vector_load %arg11[%swap3A_291, %swap3A_292, %swap3A_293] {strides = array<i32>} : memref<2x128x64xf32, #tpu.memory_space<vmem>>, vector<16xf32>,
        tpu.vector_store %arg11[%swap3A_291, %swap3A_292, %swap3A_293], %unpack3A_284 {strides = array<i32>} : memref<2x128x64xf32, #tpu.memory_space<vmem>>, vector<16xf32>,
        %scan3A_295 = arith.constant 0 : i32
        scf.yield %scan3A_295 : i32
      }
      %scan3A_171 = arith.constant 128 : i32
      %add3A_172 = arith.constant 2 : i32
      %add3A_173 = arith.addi %add3A_140, %add3A_172 : i32
      %lt3A = arith.constant 80 : i32
      %lt3A_174 = arith.cmpi slt, %add3A_173, %lt3A : i32
      %convert_element_type3A_175 = arith.extui %lt3A_174 : i1 to i32
      %cond3A_176 = arith.constant 0 : i32
      %cond3A_177 = arith.cmpi ne, %convert_element_type3A_175, %cond3A_176 : i32
      scf.if %cond3A_177 {
        %add3A_246 = arith.constant 2 : i32
        %add3A_247 = arith.addi %add3A_140, %add3A_246 : i32
        %dma_start3A_248 = arith.constant 0 : i32
        %dma_start3A_249 = arith.constant 0 : i32
        %dma_start3A_250 = arith.constant 0 : i32
        %dma_start3A_251 = tpu.memref_slice %arg9[%dma_start3A_248, %dma_start3A_249, %dma_start3A_250] : memref<2x128x64xbf16, #tpu.memory_space<vmem>> -> memref<1x128x64xbf16, #tpu.memory_space<vmem>>
        %dma_start3A_252 = tpu.memref_squeeze %dma_start3A_251 : memref<1x128x64xbf16, #tpu.memory_space<vmem>> -> memref<128x64xbf16, #tpu.memory_space<vmem>>
        %dma_start3A_253 = arith.constant 0 : i32
        %dma_start3A_254 = tpu.memref_slice %arg7[%add3A_247, %dma_start3A_253] : memref<80x128xi32, #tpu.memory_space<vmem>> -> memref<1x128xi32, #tpu.memory_space<vmem>>
        %dma_start3A_255 = tpu.memref_squeeze %dma_start3A_254 : memref<1x128xi32, #tpu.memory_space<vmem>> -> memref<128xi32, #tpu.memory_space<vmem>>
        %dma_start3A_256 = arith.constant 0 : i32
        %dma_start3A_257 = arith.constant 0 : i32
        %dma_start3A_258 = tpu.memref_slice %arg2[%dma_start3A_256, %dma_start3A_257] : memref<10240x64xbf16, #tpu.memory_space<hbm>> -> memref<10240x64xbf16, #tpu.memory_space<hbm>>
        tpu.enqueue_indirect_dma source(%dma_start3A_258 : memref<10240x64xbf16, #tpu.memory_space<hbm>>) target(%dma_start3A_252 : memref<128x64xbf16, #tpu.memory_space<vmem>>) offsets(%dma_start3A_255 : memref<128xi32, #tpu.memory_space<vmem>>) semaphore(%arg13 : memref<!tpu.dma_semaphore, #tpu.memory_space<semaphore_mem>>)
        %dma_start3A_259 = arith.constant 0 : i32
        %dma_start3A_260 = arith.constant 0 : i32
        %dma_start3A_261 = arith.constant 0 : i32
        %dma_start3A_262 = tpu.memref_slice %arg10[%dma_start3A_259, %dma_start3A_260, %dma_start3A_261] : memref<2x128x64xbf16, #tpu.memory_space<vmem>> -> memref<1x128x64xbf16, #tpu.memory_space<vmem>>
        %dma_start3A_263 = tpu.memref_squeeze %dma_start3A_262 : memref<1x128x64xbf16, #tpu.memory_space<vmem>> -> memref<128x64xbf16, #tpu.memory_space<vmem>>
        %dma_start3A_264 = arith.constant 0 : i32
        %dma_start3A_265 = tpu.memref_slice %arg8[%add3A_247, %dma_start3A_264] : memref<80x128xi32, #tpu.memory_space<vmem>> -> memref<1x128xi32, #tpu.memory_space<vmem>>
        %dma_start3A_266 = tpu.memref_squeeze %dma_start3A_265 : memref<1x128xi32, #tpu.memory_space<vmem>> -> memref<128xi32, #tpu.memory_space<vmem>>
        %dma_start3A_267 = arith.constant 0 : i32
        %dma_start3A_268 = arith.constant 0 : i32
        %dma_start3A_269 = tpu.memref_slice %arg3[%dma_start3A_267, %dma_start3A_268] : memref<10240x64xbf16, #tpu.memory_space<hbm>> -> memref<10240x64xbf16, #tpu.memory_space<hbm>>
        tpu.enqueue_indirect_dma source(%dma_start3A_269 : memref<10240x64xbf16, #tpu.memory_space<hbm>>) target(%dma_start3A_263 : memref<128x64xbf16, #tpu.memory_space<vmem>>) offsets(%dma_start3A_266 : memref<128xi32, #tpu.memory_space<vmem>>) semaphore(%arg15 : memref<!tpu.dma_semaphore, #tpu.memory_space<semaphore_mem>>)
      } else {
      }
      %dma_start3A_178 = arith.constant 0 : i32
      %dma_start3A_179 = arith.constant 0 : i32
      %dma_start3A_180 = arith.constant 0 : i32
      %dma_start3A_181 = tpu.memref_slice %arg11[%dma_start3A_178, %dma_start3A_179, %dma_start3A_180] : memref<2x128x64xf32, #tpu.memory_space<vmem>> -> memref<1x128x64xf32, #tpu.memory_space<vmem>>
      %dma_start3A_182 = tpu.memref_squeeze %dma_start3A_181 : memref<1x128x64xf32, #tpu.memory_space<vmem>> -> memref<128x64xf32, #tpu.memory_space<vmem>>
      %dma_start3A_183 = arith.constant 0 : i32
      %dma_start3A_184 = tpu.memref_slice %arg8[%add3A_140, %dma_start3A_183] : memref<80x128xi32, #tpu.memory_space<vmem>> -> memref<1x128xi32, #tpu.memory_space<vmem>>
      %dma_start3A_185 = tpu.memref_squeeze %dma_start3A_184 : memref<1x128xi32, #tpu.memory_space<vmem>> -> memref<128xi32, #tpu.memory_space<vmem>>
      %dma_start3A_186 = arith.constant 0 : i32
      %dma_start3A_187 = arith.constant 0 : i32
      %dma_start3A_188 = tpu.memref_slice %arg12[%dma_start3A_186, %dma_start3A_187] : memref<10240x64xf32, #tpu.memory_space<vmem_shared>> -> memref<10240x64xf32, #tpu.memory_space<vmem_shared>>
      tpu.enqueue_indirect_dma source(%dma_start3A_182 : memref<128x64xf32, #tpu.memory_space<vmem>>) target(%dma_start3A_188 : memref<10240x64xf32, #tpu.memory_space<vmem_shared>>) offsets(%dma_start3A_185 : memref<128xi32, #tpu.memory_space<vmem>>) semaphore(%arg17 : memref<!tpu.dma_semaphore, #tpu.memory_space<semaphore_mem>>) {add = true}
      %mul3A_189 = arith.constant 2 : i32
      %mul3A_190 = arith.muli %mul3A_189, %scan3A_135 : i32
      %add3A_191 = arith.constant 1 : i32
      %add3A_192 = arith.addi %mul3A_190, %add3A_191 : i32
      %dma_wait3A_193 = arith.constant 1 : i32
      %dma_wait3A_194 = arith.constant 0 : i32
      %dma_wait3A_195 = arith.constant 0 : i32
      %dma_wait3A_196 = tpu.memref_slice %arg9[%dma_wait3A_193, %dma_wait3A_194, %dma_wait3A_195] : memref<2x128x64xbf16, #tpu.memory_space<vmem>> -> memref<1x128x64xbf16, #tpu.memory_space<vmem>>
      %dma_wait3A_197 = tpu.memref_squeeze %dma_wait3A_196 : memref<1x128x64xbf16, #tpu.memory_space<vmem>> -> memref<128x64xbf16, #tpu.memory_space<vmem>>
      %dma_wait3A_198 = arith.constant 0 : i32
      %dma_wait3A_199 = tpu.memref_slice %arg7[%add3A_192, %dma_wait3A_198] : memref<80x128xi32, #tpu.memory_space<vmem>> -> memref<1x128xi32, #tpu.memory_space<vmem>>
      %dma_wait3A_200 = tpu.memref_squeeze %dma_wait3A_199 : memref<1x128xi32, #tpu.memory_space<vmem>> -> memref<128xi32, #tpu.memory_space<vmem>>
      %dma_wait3A_201 = arith.constant 0 : i32
      %dma_wait3A_202 = arith.constant 0 : i32
      %dma_wait3A_203 = tpu.memref_slice %arg2[%dma_wait3A_201, %dma_wait3A_202] : memref<10240x64xbf16, #tpu.memory_space<hbm>> -> memref<10240x64xbf16, #tpu.memory_space<hbm>>
      tpu.wait_indirect_dma semaphore(%arg14 : memref<!tpu.dma_semaphore, #tpu.memory_space<semaphore_mem>>) src(%dma_wait3A_203 : memref<10240x64xbf16, #tpu.memory_space<hbm>>) dst(%dma_wait3A_197 : memref<128x64xbf16, #tpu.memory_space<vmem>>)
      %dma_wait3A_204 = arith.constant 1 : i32
      %dma_wait3A_205 = arith.constant 0 : i32
      %dma_wait3A_206 = arith.constant 0 : i32
      %dma_wait3A_207 = tpu.memref_slice %arg10[%dma_wait3A_204, %dma_wait3A_205, %dma_wait3A_206] : memref<2x128x64xbf16, #tpu.memory_space<vmem>> -> memref<1x128x64xbf16, #tpu.memory_space<vmem>>
      %dma_wait3A_208 = tpu.memref_squeeze %dma_wait3A_207 : memref<1x128x64xbf16, #tpu.memory_space<vmem>> -> memref<128x64xbf16, #tpu.memory_space<vmem>>
      %dma_wait3A_209 = arith.constant 0 : i32
      %dma_wait3A_210 = tpu.memref_slice %arg8[%add3A_192, %dma_wait3A_209] : memref<80x128xi32, #tpu.memory_space<vmem>> -> memref<1x128xi32, #tpu.memory_space<vmem>>
      %dma_wait3A_211 = tpu.memref_squeeze %dma_wait3A_210 : memref<1x128xi32, #tpu.memory_space<vmem>> -> memref<128xi32, #tpu.memory_space<vmem>>
      %dma_wait3A_212 = arith.constant 0 : i32
      %dma_wait3A_213 = arith.constant 0 : i32
      %dma_wait3A_214 = tpu.memref_slice %arg3[%dma_wait3A_212, %dma_wait3A_213] : memref<10240x64xbf16, #tpu.memory_space<hbm>> -> memref<10240x64xbf16, #tpu.memory_space<hbm>>
      tpu.wait_indirect_dma semaphore(%arg16 : memref<!tpu.dma_semaphore, #tpu.memory_space<semaphore_mem>>) src(%dma_wait3A_214 : memref<10240x64xbf16, #tpu.memory_space<hbm>>) dst(%dma_wait3A_208 : memref<128x64xbf16, #tpu.memory_space<vmem>>)
      %ge3A_215 = arith.constant 2 : i32
      %ge3A_216 = arith.cmpi sge, %add3A_192, %ge3A_215 : i32
      %convert_element_type3A_217 = arith.extui %ge3A_216 : i1 to i32
      %cond3A_218 = arith.constant 0 : i32
      %cond3A_219 = arith.cmpi ne, %convert_element_type3A_217, %cond3A_218 : i32
      scf.if %cond3A_219 {
        %dma_wait3A_246 = arith.constant 1 : i32
        %dma_wait3A_247 = arith.constant 0 : i32
        %dma_wait3A_248 = arith.constant 0 : i32
        %dma_wait3A_249 = tpu.memref_slice %arg11[%dma_wait3A_246, %dma_wait3A_247, %dma_wait3A_248] : memref<2x128x64xf32, #tpu.memory_space<vmem>> -> memref<1x128x64xf32, #tpu.memory_space<vmem>>
        %dma_wait3A_250 = tpu.memref_squeeze %dma_wait3A_249 : memref<1x128x64xf32, #tpu.memory_space<vmem>> -> memref<128x64xf32, #tpu.memory_space<vmem>>
        %dma_wait3A_251 = arith.constant 0 : i32
        %dma_wait3A_252 = tpu.memref_slice %arg8[%add3A_192, %dma_wait3A_251] : memref<80x128xi32, #tpu.memory_space<vmem>> -> memref<1x128xi32, #tpu.memory_space<vmem>>
        %dma_wait3A_253 = tpu.memref_squeeze %dma_wait3A_252 : memref<1x128xi32, #tpu.memory_space<vmem>> -> memref<128xi32, #tpu.memory_space<vmem>>
        %dma_wait3A_254 = arith.constant 0 : i32
        %dma_wait3A_255 = arith.constant 0 : i32
        %dma_wait3A_256 = tpu.memref_slice %arg12[%dma_wait3A_254, %dma_wait3A_255] : memref<10240x64xf32, #tpu.memory_space<vmem_shared>> -> memref<10240x64xf32, #tpu.memory_space<vmem_shared>>
        tpu.wait_indirect_dma semaphore(%arg18 : memref<!tpu.dma_semaphore, #tpu.memory_space<semaphore_mem>>) src(%dma_wait3A_250 : memref<128x64xf32, #tpu.memory_space<vmem>>) dst(%dma_wait3A_256 : memref<10240x64xf32, #tpu.memory_space<vmem_shared>>)
      } else {
      }
      %scan3A_220 = arith.constant 0 : i32
      %scan3A_221 = arith.constant 0 : i32
      %scan3A_222 = arith.constant 128 : i32
      %scan3A_223 = arith.addi %scan3A_221, %scan3A_222 : i32
      %scan3A_224 = arith.constant 1 : i32
      %scan3A_225 = scf.for %scan3A_246 = %scan3A_221 to %scan3A_223 step %scan3A_224 iter_args(%scan3A_247 = %scan3A_220) -> (i32)  : i32 {
        %get3A = arith.constant 1 : i32
        %get3A_248 = arith.index_cast %get3A : i32 to index
        %get3A_249 = arith.index_cast %scan3A_246 : i32 to index
        %get3A_250 = arith.constant 0 : index
        %get3A_251 = tpu.vector_load %arg9[%get3A_248, %get3A_249, %get3A_250] {strides = array<i32>} : memref<2x128x64xbf16, #tpu.memory_space<vmem>>, vector<32xbf16>,
        %get3A_252 = arith.constant 1 : i32
        %get3A_253 = arith.index_cast %get3A_252 : i32 to index
        %get3A_254 = arith.index_cast %scan3A_246 : i32 to index
        %get3A_255 = arith.constant 0 : index
        %get3A_256 = tpu.vector_load %arg10[%get3A_253, %get3A_254, %get3A_255] {strides = array<i32>} : memref<2x128x64xbf16, #tpu.memory_space<vmem>>, vector<32xbf16>,
        %add3A_257 = arith.addf %get3A_251, %get3A_256 : vector<32xbf16>
        %broadcast_in_dim3A = arith.constant 0.000000e+00 : bf16
        %broadcast_in_dim3A_258 = vector.broadcast %broadcast_in_dim3A : bf16 to vector<32xbf16>
        %max3A = arith.maximumf %add3A_257, %broadcast_in_dim3A_258 : vector<32xbf16>
        %unpack3A = tpu.unpack_subelements %max3A, 0 {pack_format = #tpu.pack_format<interleaved>} : vector<32xbf16> -> vector<16xf32>
        %unpack3A_259 = tpu.unpack_subelements %max3A, 1 {pack_format = #tpu.pack_format<interleaved>} : vector<32xbf16> -> vector<16xf32>
        %swap3A = arith.constant 1 : i32
        %swap3A_260 = arith.index_cast %swap3A : i32 to index
        %swap3A_261 = arith.index_cast %scan3A_246 : i32 to index
        %swap3A_262 = arith.constant 0 : index
        %swap3A_263 = tpu.vector_load %arg11[%swap3A_260, %swap3A_261, %swap3A_262] {strides = array<i32>} : memref<2x128x64xf32, #tpu.memory_space<vmem>>, vector<16xf32>,
        tpu.vector_store %arg11[%swap3A_260, %swap3A_261, %swap3A_262], %unpack3A {strides = array<i32>} : memref<2x128x64xf32, #tpu.memory_space<vmem>>, vector<16xf32>,
        %swap3A_264 = arith.constant 1 : i32
        %swap3A_265 = arith.index_cast %swap3A_264 : i32 to index
        %swap3A_266 = arith.index_cast %scan3A_246 : i32 to index
        %swap3A_267 = arith.constant 16 : index
        %swap3A_268 = tpu.vector_load %arg11[%swap3A_265, %swap3A_266, %swap3A_267] {strides = array<i32>} : memref<2x128x64xf32, #tpu.memory_space<vmem>>, vector<16xf32>,
        tpu.vector_store %arg11[%swap3A_265, %swap3A_266, %swap3A_267], %unpack3A_259 {strides = array<i32>} : memref<2x128x64xf32, #tpu.memory_space<vmem>>, vector<16xf32>,
        %get3A_269 = arith.constant 1 : i32
        %get3A_270 = arith.index_cast %get3A_269 : i32 to index
        %get3A_271 = arith.index_cast %scan3A_246 : i32 to index
        %get3A_272 = arith.constant 32 : index
        %get3A_273 = tpu.vector_load %arg9[%get3A_270, %get3A_271, %get3A_272] {strides = array<i32>} : memref<2x128x64xbf16, #tpu.memory_space<vmem>>, vector<32xbf16>,
        %get3A_274 = arith.constant 1 : i32
        %get3A_275 = arith.index_cast %get3A_274 : i32 to index
        %get3A_276 = arith.index_cast %scan3A_246 : i32 to index
        %get3A_277 = arith.constant 32 : index
        %get3A_278 = tpu.vector_load %arg10[%get3A_275, %get3A_276, %get3A_277] {strides = array<i32>} : memref<2x128x64xbf16, #tpu.memory_space<vmem>>, vector<32xbf16>,
        %add3A_279 = arith.addf %get3A_273, %get3A_278 : vector<32xbf16>
        %broadcast_in_dim3A_280 = arith.constant 0.000000e+00 : bf16
        %broadcast_in_dim3A_281 = vector.broadcast %broadcast_in_dim3A_280 : bf16 to vector<32xbf16>
        %max3A_282 = arith.maximumf %add3A_279, %broadcast_in_dim3A_281 : vector<32xbf16>
        %unpack3A_283 = tpu.unpack_subelements %max3A_282, 0 {pack_format = #tpu.pack_format<interleaved>} : vector<32xbf16> -> vector<16xf32>
        %unpack3A_284 = tpu.unpack_subelements %max3A_282, 1 {pack_format = #tpu.pack_format<interleaved>} : vector<32xbf16> -> vector<16xf32>
        %swap3A_285 = arith.constant 1 : i32
        %swap3A_286 = arith.index_cast %swap3A_285 : i32 to index
        %swap3A_287 = arith.index_cast %scan3A_246 : i32 to index
        %swap3A_288 = arith.constant 32 : index
        %swap3A_289 = tpu.vector_load %arg11[%swap3A_286, %swap3A_287, %swap3A_288] {strides = array<i32>} : memref<2x128x64xf32, #tpu.memory_space<vmem>>, vector<16xf32>,
        tpu.vector_store %arg11[%swap3A_286, %swap3A_287, %swap3A_288], %unpack3A_283 {strides = array<i32>} : memref<2x128x64xf32, #tpu.memory_space<vmem>>, vector<16xf32>,
        %swap3A_290 = arith.constant 1 : i32
        %swap3A_291 = arith.index_cast %swap3A_290 : i32 to index
        %swap3A_292 = arith.index_cast %scan3A_246 : i32 to index
        %swap3A_293 = arith.constant 48 : index
        %swap3A_294 = tpu.vector_load %arg11[%swap3A_291, %swap3A_292, %swap3A_293] {strides = array<i32>} : memref<2x128x64xf32, #tpu.memory_space<vmem>>, vector<16xf32>,
        tpu.vector_store %arg11[%swap3A_291, %swap3A_292, %swap3A_293], %unpack3A_284 {strides = array<i32>} : memref<2x128x64xf32, #tpu.memory_space<vmem>>, vector<16xf32>,
        %scan3A_295 = arith.constant 0 : i32
        scf.yield %scan3A_295 : i32
      }
      %scan3A_226 = arith.constant 128 : i32
      %add3A_227 = arith.constant 2 : i32
      %add3A_228 = arith.addi %add3A_192, %add3A_227 : i32
      %lt3A_229 = arith.constant 80 : i32
      %lt3A_230 = arith.cmpi slt, %add3A_228, %lt3A_229 : i32
      %convert_element_type3A_231 = arith.extui %lt3A_230 : i1 to i32
      %cond3A_232 = arith.constant 0 : i32
      %cond3A_233 = arith.cmpi ne, %convert_element_type3A_231, %cond3A_232 : i32
      scf.if %cond3A_233 {
        %add3A_246 = arith.constant 2 : i32
        %add3A_247 = arith.addi %add3A_192, %add3A_246 : i32
        %dma_start3A_248 = arith.constant 1 : i32
        %dma_start3A_249 = arith.constant 0 : i32
        %dma_start3A_250 = arith.constant 0 : i32
        %dma_start3A_251 = tpu.memref_slice %arg9[%dma_start3A_248, %dma_start3A_249, %dma_start3A_250] : memref<2x128x64xbf16, #tpu.memory_space<vmem>> -> memref<1x128x64xbf16, #tpu.memory_space<vmem>>
        %dma_start3A_252 = tpu.memref_squeeze %dma_start3A_251 : memref<1x128x64xbf16, #tpu.memory_space<vmem>> -> memref<128x64xbf16, #tpu.memory_space<vmem>>
        %dma_start3A_253 = arith.constant 0 : i32
        %dma_start3A_254 = tpu.memref_slice %arg7[%add3A_247, %dma_start3A_253] : memref<80x128xi32, #tpu.memory_space<vmem>> -> memref<1x128xi32, #tpu.memory_space<vmem>>
        %dma_start3A_255 = tpu.memref_squeeze %dma_start3A_254 : memref<1x128xi32, #tpu.memory_space<vmem>> -> memref<128xi32, #tpu.memory_space<vmem>>
        %dma_start3A_256 = arith.constant 0 : i32
        %dma_start3A_257 = arith.constant 0 : i32
        %dma_start3A_258 = tpu.memref_slice %arg2[%dma_start3A_256, %dma_start3A_257] : memref<10240x64xbf16, #tpu.memory_space<hbm>> -> memref<10240x64xbf16, #tpu.memory_space<hbm>>
        tpu.enqueue_indirect_dma source(%dma_start3A_258 : memref<10240x64xbf16, #tpu.memory_space<hbm>>) target(%dma_start3A_252 : memref<128x64xbf16, #tpu.memory_space<vmem>>) offsets(%dma_start3A_255 : memref<128xi32, #tpu.memory_space<vmem>>) semaphore(%arg14 : memref<!tpu.dma_semaphore, #tpu.memory_space<semaphore_mem>>)
        %dma_start3A_259 = arith.constant 1 : i32
        %dma_start3A_260 = arith.constant 0 : i32
        %dma_start3A_261 = arith.constant 0 : i32
        %dma_start3A_262 = tpu.memref_slice %arg10[%dma_start3A_259, %dma_start3A_260, %dma_start3A_261] : memref<2x128x64xbf16, #tpu.memory_space<vmem>> -> memref<1x128x64xbf16, #tpu.memory_space<vmem>>
        %dma_start3A_263 = tpu.memref_squeeze %dma_start3A_262 : memref<1x128x64xbf16, #tpu.memory_space<vmem>> -> memref<128x64xbf16, #tpu.memory_space<vmem>>
        %dma_start3A_264 = arith.constant 0 : i32
        %dma_start3A_265 = tpu.memref_slice %arg8[%add3A_247, %dma_start3A_264] : memref<80x128xi32, #tpu.memory_space<vmem>> -> memref<1x128xi32, #tpu.memory_space<vmem>>
        %dma_start3A_266 = tpu.memref_squeeze %dma_start3A_265 : memref<1x128xi32, #tpu.memory_space<vmem>> -> memref<128xi32, #tpu.memory_space<vmem>>
        %dma_start3A_267 = arith.constant 0 : i32
        %dma_start3A_268 = arith.constant 0 : i32
        %dma_start3A_269 = tpu.memref_slice %arg3[%dma_start3A_267, %dma_start3A_268] : memref<10240x64xbf16, #tpu.memory_space<hbm>> -> memref<10240x64xbf16, #tpu.memory_space<hbm>>
        tpu.enqueue_indirect_dma source(%dma_start3A_269 : memref<10240x64xbf16, #tpu.memory_space<hbm>>) target(%dma_start3A_263 : memref<128x64xbf16, #tpu.memory_space<vmem>>) offsets(%dma_start3A_266 : memref<128xi32, #tpu.memory_space<vmem>>) semaphore(%arg16 : memref<!tpu.dma_semaphore, #tpu.memory_space<semaphore_mem>>)
      } else {
      }
      %dma_start3A_234 = arith.constant 1 : i32
      %dma_start3A_235 = arith.constant 0 : i32
      %dma_start3A_236 = arith.constant 0 : i32
      %dma_start3A_237 = tpu.memref_slice %arg11[%dma_start3A_234, %dma_start3A_235, %dma_start3A_236] : memref<2x128x64xf32, #tpu.memory_space<vmem>> -> memref<1x128x64xf32, #tpu.memory_space<vmem>>
      %dma_start3A_238 = tpu.memref_squeeze %dma_start3A_237 : memref<1x128x64xf32, #tpu.memory_space<vmem>> -> memref<128x64xf32, #tpu.memory_space<vmem>>
      %dma_start3A_239 = arith.constant 0 : i32
      %dma_start3A_240 = tpu.memref_slice %arg8[%add3A_192, %dma_start3A_239] : memref<80x128xi32, #tpu.memory_space<vmem>> -> memref<1x128xi32, #tpu.memory_space<vmem>>
      %dma_start3A_241 = tpu.memref_squeeze %dma_start3A_240 : memref<1x128xi32, #tpu.memory_space<vmem>> -> memref<128xi32, #tpu.memory_space<vmem>>
      %dma_start3A_242 = arith.constant 0 : i32
      %dma_start3A_243 = arith.constant 0 : i32
      %dma_start3A_244 = tpu.memref_slice %arg12[%dma_start3A_242, %dma_start3A_243] : memref<10240x64xf32, #tpu.memory_space<vmem_shared>> -> memref<10240x64xf32, #tpu.memory_space<vmem_shared>>
      tpu.enqueue_indirect_dma source(%dma_start3A_238 : memref<128x64xf32, #tpu.memory_space<vmem>>) target(%dma_start3A_244 : memref<10240x64xf32, #tpu.memory_space<vmem_shared>>) offsets(%dma_start3A_241 : memref<128xi32, #tpu.memory_space<vmem>>) semaphore(%arg18 : memref<!tpu.dma_semaphore, #tpu.memory_space<semaphore_mem>>) {add = true}
      %scan3A_245 = arith.constant 0 : i32
      scf.yield %scan3A_245 : i32
    }
    %scan3A_80 = arith.constant 40 : i32
    %dma_wait3A = arith.constant 0 : i32
    %dma_wait3A_81 = arith.constant 78 : i32
    %dma_wait3A_82 = arith.constant 0 : i32
    %dma_wait3A_83 = arith.constant 0 : i32
    %dma_wait3A_84 = tpu.memref_slice %arg11[%dma_wait3A, %dma_wait3A_82, %dma_wait3A_83] : memref<2x128x64xf32, #tpu.memory_space<vmem>> -> memref<1x128x64xf32, #tpu.memory_space<vmem>>
    %dma_wait3A_85 = tpu.memref_squeeze %dma_wait3A_84 : memref<1x128x64xf32, #tpu.memory_space<vmem>> -> memref<128x64xf32, #tpu.memory_space<vmem>>
    %dma_wait3A_86 = arith.constant 0 : i32
    %dma_wait3A_87 = tpu.memref_slice %arg8[%dma_wait3A_81, %dma_wait3A_86] : memref<80x128xi32, #tpu.memory_space<vmem>> -> memref<1x128xi32, #tpu.memory_space<vmem>>
    %dma_wait3A_88 = tpu.memref_squeeze %dma_wait3A_87 : memref<1x128xi32, #tpu.memory_space<vmem>> -> memref<128xi32, #tpu.memory_space<vmem>>
    %dma_wait3A_89 = arith.constant 0 : i32
    %dma_wait3A_90 = arith.constant 0 : i32
    %dma_wait3A_91 = tpu.memref_slice %arg12[%dma_wait3A_89, %dma_wait3A_90] : memref<10240x64xf32, #tpu.memory_space<vmem_shared>> -> memref<10240x64xf32, #tpu.memory_space<vmem_shared>>
    tpu.wait_indirect_dma semaphore(%arg17 : memref<!tpu.dma_semaphore, #tpu.memory_space<semaphore_mem>>) src(%dma_wait3A_85 : memref<128x64xf32, #tpu.memory_space<vmem>>) dst(%dma_wait3A_91 : memref<10240x64xf32, #tpu.memory_space<vmem_shared>>)
    %dma_wait3A_92 = arith.constant 1 : i32
    %dma_wait3A_93 = arith.constant 79 : i32
    %dma_wait3A_94 = arith.constant 0 : i32
    %dma_wait3A_95 = arith.constant 0 : i32
    %dma_wait3A_96 = tpu.memref_slice %arg11[%dma_wait3A_92, %dma_wait3A_94, %dma_wait3A_95] : memref<2x128x64xf32, #tpu.memory_space<vmem>> -> memref<1x128x64xf32, #tpu.memory_space<vmem>>
    %dma_wait3A_97 = tpu.memref_squeeze %dma_wait3A_96 : memref<1x128x64xf32, #tpu.memory_space<vmem>> -> memref<128x64xf32, #tpu.memory_space<vmem>>
    %dma_wait3A_98 = arith.constant 0 : i32
    %dma_wait3A_99 = tpu.memref_slice %arg8[%dma_wait3A_93, %dma_wait3A_98] : memref<80x128xi32, #tpu.memory_space<vmem>> -> memref<1x128xi32, #tpu.memory_space<vmem>>
    %dma_wait3A_100 = tpu.memref_squeeze %dma_wait3A_99 : memref<1x128xi32, #tpu.memory_space<vmem>> -> memref<128xi32, #tpu.memory_space<vmem>>
    %dma_wait3A_101 = arith.constant 0 : i32
    %dma_wait3A_102 = arith.constant 0 : i32
    %dma_wait3A_103 = tpu.memref_slice %arg12[%dma_wait3A_101, %dma_wait3A_102] : memref<10240x64xf32, #tpu.memory_space<vmem_shared>> -> memref<10240x64xf32, #tpu.memory_space<vmem_shared>>
    tpu.wait_indirect_dma semaphore(%arg18 : memref<!tpu.dma_semaphore, #tpu.memory_space<semaphore_mem>>) src(%dma_wait3A_97 : memref<128x64xf32, #tpu.memory_space<vmem>>) dst(%dma_wait3A_103 : memref<10240x64xf32, #tpu.memory_space<vmem_shared>>)
    %barrier3A_104 = arith.constant 0 : index
    tpu.barrier barrier_id(%barrier3A_104)
    %add3A_105 = arith.constant 0 : i32
    %add3A_106 = arith.addi %mul3A_2, %add3A_105 : i32
    %run_scoped3A_107 = arith.constant 0 : i32
    "tpu.region"() ({
      %run_scoped3A_135 = tpu.sem_alloc : memref<!tpu.dma_semaphore, #tpu.memory_space<semaphore_mem>>
      %dma_start3A_136 = arith.constant 0 : i32
      %dma_start3A_137 = arith.constant 0 : i32
      %dma_start3A_138 = tpu.memref_slice %arg11[%run_scoped3A_107, %dma_start3A_136, %dma_start3A_137] : memref<2x128x64xf32, #tpu.memory_space<vmem>> -> memref<1x128x64xf32, #tpu.memory_space<vmem>>
      %dma_start3A_139 = tpu.memref_squeeze %dma_start3A_138 : memref<1x128x64xf32, #tpu.memory_space<vmem>> -> memref<128x64xf32, #tpu.memory_space<vmem>>
      %dma_start3A_140 = arith.constant 0 : i32
      %dma_start3A_141 = tpu.memref_slice %arg12[%add3A_106, %dma_start3A_140] : memref<10240x64xf32, #tpu.memory_space<vmem_shared>> -> memref<128x64xf32, #tpu.memory_space<vmem_shared>>
      %dma_start3A_142 = arith.constant 0 : i32
      %dma_start3A_143 = arith.constant 0 : i32
      %dma_start3A_144 = tpu.memref_slice %arg11[%run_scoped3A_107, %dma_start3A_142, %dma_start3A_143] : memref<2x128x64xf32, #tpu.memory_space<vmem>> -> memref<1x128x64xf32, #tpu.memory_space<vmem>>
      %dma_start3A_145 = tpu.memref_squeeze %dma_start3A_144 : memref<1x128x64xf32, #tpu.memory_space<vmem>> -> memref<128x64xf32, #tpu.memory_space<vmem>>
      %dma_start3A_146 = arith.constant 0 : i32
      %dma_start3A_147 = tpu.memref_slice %arg12[%add3A_106, %dma_start3A_146] : memref<10240x64xf32, #tpu.memory_space<vmem_shared>> -> memref<128x64xf32, #tpu.memory_space<vmem_shared>>
      tpu.enqueue_dma source(%dma_start3A_147 : memref<128x64xf32, #tpu.memory_space<vmem_shared>>) target(%dma_start3A_145 : memref<128x64xf32, #tpu.memory_space<vmem>>) target_semaphore(%run_scoped3A_135 : memref<!tpu.dma_semaphore, #tpu.memory_space<semaphore_mem>>)
      %dma_wait3A_148 = arith.constant 0 : i32
      %dma_wait3A_149 = arith.constant 0 : i32
      %dma_wait3A_150 = tpu.memref_slice %arg11[%run_scoped3A_107, %dma_wait3A_148, %dma_wait3A_149] : memref<2x128x64xf32, #tpu.memory_space<vmem>> -> memref<1x128x64xf32, #tpu.memory_space<vmem>>
      %dma_wait3A_151 = tpu.memref_squeeze %dma_wait3A_150 : memref<1x128x64xf32, #tpu.memory_space<vmem>> -> memref<128x64xf32, #tpu.memory_space<vmem>>
      %dma_wait3A_152 = arith.constant 0 : i32
      %dma_wait3A_153 = tpu.memref_slice %arg12[%add3A_106, %dma_wait3A_152] : memref<10240x64xf32, #tpu.memory_space<vmem_shared>> -> memref<128x64xf32, #tpu.memory_space<vmem_shared>>
      %dma_wait3A_154 = arith.constant 0 : i32
      %dma_wait3A_155 = arith.constant 0 : i32
      %dma_wait3A_156 = tpu.memref_slice %arg11[%run_scoped3A_107, %dma_wait3A_154, %dma_wait3A_155] : memref<2x128x64xf32, #tpu.memory_space<vmem>> -> memref<1x128x64xf32, #tpu.memory_space<vmem>>
      %dma_wait3A_157 = tpu.memref_squeeze %dma_wait3A_156 : memref<1x128x64xf32, #tpu.memory_space<vmem>> -> memref<128x64xf32, #tpu.memory_space<vmem>>
      %dma_wait3A_158 = arith.constant 0 : i32
      %dma_wait3A_159 = tpu.memref_slice %arg12[%add3A_106, %dma_wait3A_158] : memref<10240x64xf32, #tpu.memory_space<vmem_shared>> -> memref<128x64xf32, #tpu.memory_space<vmem_shared>>
      tpu.wait_dma2 semaphore(%run_scoped3A_135 : memref<!tpu.dma_semaphore, #tpu.memory_space<semaphore_mem>>) src(%dma_wait3A_159 : memref<128x64xf32, #tpu.memory_space<vmem_shared>>) dst(%dma_wait3A_157 : memref<128x64xf32, #tpu.memory_space<vmem>>)
      tpu.yield
    }) : () -> ()
    %add3A_108 = arith.constant 0 : i32
    %add3A_109 = arith.addi %mul3A_2, %add3A_108 : i32
    %run_scoped3A_110 = arith.constant 0 : i32
    "tpu.region"() ({
      %run_scoped3A_135 = tpu.sem_alloc : memref<!tpu.dma_semaphore, #tpu.memory_space<semaphore_mem>>
      %dma_start3A_136 = arith.constant 0 : i32
      %dma_start3A_137 = arith.constant 0 : i32
      %dma_start3A_138 = tpu.memref_slice %arg11[%run_scoped3A_110, %dma_start3A_136, %dma_start3A_137] : memref<2x128x64xf32, #tpu.memory_space<vmem>> -> memref<1x128x64xf32, #tpu.memory_space<vmem>>
      %dma_start3A_139 = tpu.memref_squeeze %dma_start3A_138 : memref<1x128x64xf32, #tpu.memory_space<vmem>> -> memref<128x64xf32, #tpu.memory_space<vmem>>
      %dma_start3A_140 = arith.constant 0 : i32
      %dma_start3A_141 = tpu.memref_slice %arg6[%arg0, %add3A_109, %dma_start3A_140] : memref<2x10240x64xf32, #tpu.memory_space<hbm>> -> memref<1x128x64xf32, #tpu.memory_space<hbm>>
      %dma_start3A_142 = tpu.memref_squeeze %dma_start3A_141 : memref<1x128x64xf32, #tpu.memory_space<hbm>> -> memref<128x64xf32, #tpu.memory_space<hbm>>
      %dma_start3A_143 = arith.constant 0 : i32
      %dma_start3A_144 = tpu.memref_slice %arg6[%arg0, %add3A_109, %dma_start3A_143] : memref<2x10240x64xf32, #tpu.memory_space<hbm>> -> memref<1x128x64xf32, #tpu.memory_space<hbm>>
      %dma_start3A_145 = tpu.memref_squeeze %dma_start3A_144 : memref<1x128x64xf32, #tpu.memory_space<hbm>> -> memref<128x64xf32, #tpu.memory_space<hbm>>
      %dma_start3A_146 = arith.constant 0 : i32
      %dma_start3A_147 = arith.constant 0 : i32
      %dma_start3A_148 = tpu.memref_slice %arg11[%run_scoped3A_110, %dma_start3A_146, %dma_start3A_147] : memref<2x128x64xf32, #tpu.memory_space<vmem>> -> memref<1x128x64xf32, #tpu.memory_space<vmem>>
      %dma_start3A_149 = tpu.memref_squeeze %dma_start3A_148 : memref<1x128x64xf32, #tpu.memory_space<vmem>> -> memref<128x64xf32, #tpu.memory_space<vmem>>
      tpu.enqueue_dma source(%dma_start3A_149 : memref<128x64xf32, #tpu.memory_space<vmem>>) target(%dma_start3A_145 : memref<128x64xf32, #tpu.memory_space<hbm>>) target_semaphore(%run_scoped3A_135 : memref<!tpu.dma_semaphore, #tpu.memory_space<semaphore_mem>>)
      %dma_wait3A_150 = arith.constant 0 : i32
      %dma_wait3A_151 = arith.constant 0 : i32
      %dma_wait3A_152 = tpu.memref_slice %arg11[%run_scoped3A_110, %dma_wait3A_150, %dma_wait3A_151] : memref<2x128x64xf32, #tpu.memory_space<vmem>> -> memref<1x128x64xf32, #tpu.memory_space<vmem>>
      %dma_wait3A_153 = tpu.memref_squeeze %dma_wait3A_152 : memref<1x128x64xf32, #tpu.memory_space<vmem>> -> memref<128x64xf32, #tpu.memory_space<vmem>>
      %dma_wait3A_154 = arith.constant 0 : i32
      %dma_wait3A_155 = tpu.memref_slice %arg6[%arg0, %add3A_109, %dma_wait3A_154] : memref<2x10240x64xf32, #tpu.memory_space<hbm>> -> memref<1x128x64xf32, #tpu.memory_space<hbm>>
      %dma_wait3A_156 = tpu.memref_squeeze %dma_wait3A_155 : memref<1x128x64xf32, #tpu.memory_space<hbm>> -> memref<128x64xf32, #tpu.memory_space<hbm>>
      %dma_wait3A_157 = arith.constant 0 : i32
      %dma_wait3A_158 = tpu.memref_slice %arg6[%arg0, %add3A_109, %dma_wait3A_157] : memref<2x10240x64xf32, #tpu.memory_space<hbm>> -> memref<1x128x64xf32, #tpu.memory_space<hbm>>
      %dma_wait3A_159 = tpu.memref_squeeze %dma_wait3A_158 : memref<1x128x64xf32, #tpu.memory_space<hbm>> -> memref<128x64xf32, #tpu.memory_space<hbm>>
      %dma_wait3A_160 = arith.constant 0 : i32
      %dma_wait3A_161 = arith.constant 0 : i32
      %dma_wait3A_162 = tpu.memref_slice %arg11[%run_scoped3A_110, %dma_wait3A_160, %dma_wait3A_161] : memref<2x128x64xf32, #tpu.memory_space<vmem>> -> memref<1x128x64xf32, #tpu.memory_space<vmem>>
      %dma_wait3A_163 = tpu.memref_squeeze %dma_wait3A_162 : memref<1x128x64xf32, #tpu.memory_space<vmem>> -> memref<128x64xf32, #tpu.memory_space<vmem>>
      tpu.wait_dma2 semaphore(%run_scoped3A_135 : memref<!tpu.dma_semaphore, #tpu.memory_space<semaphore_mem>>) src(%dma_wait3A_163 : memref<128x64xf32, #tpu.memory_space<vmem>>) dst(%dma_wait3A_159 : memref<128x64xf32, #tpu.memory_space<hbm>>)
      tpu.yield
    }) : () -> ()
    %add3A_111 = arith.constant 128 : i32
    %add3A_112 = arith.addi %mul3A_2, %add3A_111 : i32
    %run_scoped3A_113 = arith.constant 0 : i32
    "tpu.region"() ({
      %run_scoped3A_135 = tpu.sem_alloc : memref<!tpu.dma_semaphore, #tpu.memory_space<semaphore_mem>>
      %dma_start3A_136 = arith.constant 0 : i32
      %dma_start3A_137 = arith.constant 0 : i32
      %dma_start3A_138 = tpu.memref_slice %arg11[%run_scoped3A_113, %dma_start3A_136, %dma_start3A_137] : memref<2x128x64xf32, #tpu.memory_space<vmem>> -> memref<1x128x64xf32, #tpu.memory_space<vmem>>
      %dma_start3A_139 = tpu.memref_squeeze %dma_start3A_138 : memref<1x128x64xf32, #tpu.memory_space<vmem>> -> memref<128x64xf32, #tpu.memory_space<vmem>>
      %dma_start3A_140 = arith.constant 0 : i32
      %dma_start3A_141 = tpu.memref_slice %arg12[%add3A_112, %dma_start3A_140] : memref<10240x64xf32, #tpu.memory_space<vmem_shared>> -> memref<128x64xf32, #tpu.memory_space<vmem_shared>>
      %dma_start3A_142 = arith.constant 0 : i32
      %dma_start3A_143 = arith.constant 0 : i32
      %dma_start3A_144 = tpu.memref_slice %arg11[%run_scoped3A_113, %dma_start3A_142, %dma_start3A_143] : memref<2x128x64xf32, #tpu.memory_space<vmem>> -> memref<1x128x64xf32, #tpu.memory_space<vmem>>
      %dma_start3A_145 = tpu.memref_squeeze %dma_start3A_144 : memref<1x128x64xf32, #tpu.memory_space<vmem>> -> memref<128x64xf32, #tpu.memory_space<vmem>>
      %dma_start3A_146 = arith.constant 0 : i32
      %dma_start3A_147 = tpu.memref_slice %arg12[%add3A_112, %dma_start3A_146] : memref<10240x64xf32, #tpu.memory_space<vmem_shared>> -> memref<128x64xf32, #tpu.memory_space<vmem_shared>>
      tpu.enqueue_dma source(%dma_start3A_147 : memref<128x64xf32, #tpu.memory_space<vmem_shared>>) target(%dma_start3A_145 : memref<128x64xf32, #tpu.memory_space<vmem>>) target_semaphore(%run_scoped3A_135 : memref<!tpu.dma_semaphore, #tpu.memory_space<semaphore_mem>>)
      %dma_wait3A_148 = arith.constant 0 : i32
      %dma_wait3A_149 = arith.constant 0 : i32
      %dma_wait3A_150 = tpu.memref_slice %arg11[%run_scoped3A_113, %dma_wait3A_148, %dma_wait3A_149] : memref<2x128x64xf32, #tpu.memory_space<vmem>> -> memref<1x128x64xf32, #tpu.memory_space<vmem>>
      %dma_wait3A_151 = tpu.memref_squeeze %dma_wait3A_150 : memref<1x128x64xf32, #tpu.memory_space<vmem>> -> memref<128x64xf32, #tpu.memory_space<vmem>>
      %dma_wait3A_152 = arith.constant 0 : i32
      %dma_wait3A_153 = tpu.memref_slice %arg12[%add3A_112, %dma_wait3A_152] : memref<10240x64xf32, #tpu.memory_space<vmem_shared>> -> memref<128x64xf32, #tpu.memory_space<vmem_shared>>
      %dma_wait3A_154 = arith.constant 0 : i32
      %dma_wait3A_155 = arith.constant 0 : i32
      %dma_wait3A_156 = tpu.memref_slice %arg11[%run_scoped3A_113, %dma_wait3A_154, %dma_wait3A_155] : memref<2x128x64xf32, #tpu.memory_space<vmem>> -> memref<1x128x64xf32, #tpu.memory_space<vmem>>
      %dma_wait3A_157 = tpu.memref_squeeze %dma_wait3A_156 : memref<1x128x64xf32, #tpu.memory_space<vmem>> -> memref<128x64xf32, #tpu.memory_space<vmem>>
      %dma_wait3A_158 = arith.constant 0 : i32
      %dma_wait3A_159 = tpu.memref_slice %arg12[%add3A_112, %dma_wait3A_158] : memref<10240x64xf32, #tpu.memory_space<vmem_shared>> -> memref<128x64xf32, #tpu.memory_space<vmem_shared>>
      tpu.wait_dma2 semaphore(%run_scoped3A_135 : memref<!tpu.dma_semaphore, #tpu.memory_space<semaphore_mem>>) src(%dma_wait3A_159 : memref<128x64xf32, #tpu.memory_space<vmem_shared>>) dst(%dma_wait3A_157 : memref<128x64xf32, #tpu.memory_space<vmem>>)
      tpu.yield
    }) : () -> ()
    %add3A_114 = arith.constant 128 : i32
    %add3A_115 = arith.addi %mul3A_2, %add3A_114 : i32
    %run_scoped3A_116 = arith.constant 0 : i32
    "tpu.region"() ({
      %run_scoped3A_135 = tpu.sem_alloc : memref<!tpu.dma_semaphore, #tpu.memory_space<semaphore_mem>>
      %dma_start3A_136 = arith.constant 0 : i32
      %dma_start3A_137 = arith.constant 0 : i32
      %dma_start3A_138 = tpu.memref_slice %arg11[%run_scoped3A_116, %dma_start3A_136, %dma_start3A_137] : memref<2x128x64xf32, #tpu.memory_space<vmem>> -> memref<1x128x64xf32, #tpu.memory_space<vmem>>
      %dma_start3A_139 = tpu.memref_squeeze %dma_start3A_138 : memref<1x128x64xf32, #tpu.memory_space<vmem>> -> memref<128x64xf32, #tpu.memory_space<vmem>>
      %dma_start3A_140 = arith.constant 0 : i32
      %dma_start3A_141 = tpu.memref_slice %arg6[%arg0, %add3A_115, %dma_start3A_140] : memref<2x10240x64xf32, #tpu.memory_space<hbm>> -> memref<1x128x64xf32, #tpu.memory_space<hbm>>
      %dma_start3A_142 = tpu.memref_squeeze %dma_start3A_141 : memref<1x128x64xf32, #tpu.memory_space<hbm>> -> memref<128x64xf32, #tpu.memory_space<hbm>>
      %dma_start3A_143 = arith.constant 0 : i32
      %dma_start3A_144 = tpu.memref_slice %arg6[%arg0, %add3A_115, %dma_start3A_143] : memref<2x10240x64xf32, #tpu.memory_space<hbm>> -> memref<1x128x64xf32, #tpu.memory_space<hbm>>
      %dma_start3A_145 = tpu.memref_squeeze %dma_start3A_144 : memref<1x128x64xf32, #tpu.memory_space<hbm>> -> memref<128x64xf32, #tpu.memory_space<hbm>>
      %dma_start3A_146 = arith.constant 0 : i32
      %dma_start3A_147 = arith.constant 0 : i32
      %dma_start3A_148 = tpu.memref_slice %arg11[%run_scoped3A_116, %dma_start3A_146, %dma_start3A_147] : memref<2x128x64xf32, #tpu.memory_space<vmem>> -> memref<1x128x64xf32, #tpu.memory_space<vmem>>
      %dma_start3A_149 = tpu.memref_squeeze %dma_start3A_148 : memref<1x128x64xf32, #tpu.memory_space<vmem>> -> memref<128x64xf32, #tpu.memory_space<vmem>>
      tpu.enqueue_dma source(%dma_start3A_149 : memref<128x64xf32, #tpu.memory_space<vmem>>) target(%dma_start3A_145 : memref<128x64xf32, #tpu.memory_space<hbm>>) target_semaphore(%run_scoped3A_135 : memref<!tpu.dma_semaphore, #tpu.memory_space<semaphore_mem>>)
      %dma_wait3A_150 = arith.constant 0 : i32
      %dma_wait3A_151 = arith.constant 0 : i32
      %dma_wait3A_152 = tpu.memref_slice %arg11[%run_scoped3A_116, %dma_wait3A_150, %dma_wait3A_151] : memref<2x128x64xf32, #tpu.memory_space<vmem>> -> memref<1x128x64xf32, #tpu.memory_space<vmem>>
      %dma_wait3A_153 = tpu.memref_squeeze %dma_wait3A_152 : memref<1x128x64xf32, #tpu.memory_space<vmem>> -> memref<128x64xf32, #tpu.memory_space<vmem>>
      %dma_wait3A_154 = arith.constant 0 : i32
      %dma_wait3A_155 = tpu.memref_slice %arg6[%arg0, %add3A_115, %dma_wait3A_154] : memref<2x10240x64xf32, #tpu.memory_space<hbm>> -> memref<1x128x64xf32, #tpu.memory_space<hbm>>
      %dma_wait3A_156 = tpu.memref_squeeze %dma_wait3A_155 : memref<1x128x64xf32, #tpu.memory_space<hbm>> -> memref<128x64xf32, #tpu.memory_space<hbm>>
      %dma_wait3A_157 = arith.constant 0 : i32
      %dma_wait3A_158 = tpu.memref_slice %arg6[%arg0, %add3A_115, %dma_wait3A_157] : memref<2x10240x64xf32, #tpu.memory_space<hbm>> -> memref<1x128x64xf32, #tpu.memory_space<hbm>>
      %dma_wait3A_159 = tpu.memref_squeeze %dma_wait3A_158 : memref<1x128x64xf32, #tpu.memory_space<hbm>> -> memref<128x64xf32, #tpu.memory_space<hbm>>
      %dma_wait3A_160 = arith.constant 0 : i32
      %dma_wait3A_161 = arith.constant 0 : i32
      %dma_wait3A_162 = tpu.memref_slice %arg11[%run_scoped3A_116, %dma_wait3A_160, %dma_wait3A_161] : memref<2x128x64xf32, #tpu.memory_space<vmem>> -> memref<1x128x64xf32, #tpu.memory_space<vmem>>
      %dma_wait3A_163 = tpu.memref_squeeze %dma_wait3A_162 : memref<1x128x64xf32, #tpu.memory_space<vmem>> -> memref<128x64xf32, #tpu.memory_space<vmem>>
      tpu.wait_dma2 semaphore(%run_scoped3A_135 : memref<!tpu.dma_semaphore, #tpu.memory_space<semaphore_mem>>) src(%dma_wait3A_163 : memref<128x64xf32, #tpu.memory_space<vmem>>) dst(%dma_wait3A_159 : memref<128x64xf32, #tpu.memory_space<hbm>>)
      tpu.yield
    }) : () -> ()
    %add3A_117 = arith.constant 256 : i32
    %add3A_118 = arith.addi %mul3A_2, %add3A_117 : i32
    %run_scoped3A_119 = arith.constant 0 : i32
    "tpu.region"() ({
      %run_scoped3A_135 = tpu.sem_alloc : memref<!tpu.dma_semaphore, #tpu.memory_space<semaphore_mem>>
      %dma_start3A_136 = arith.constant 0 : i32
      %dma_start3A_137 = arith.constant 0 : i32
      %dma_start3A_138 = tpu.memref_slice %arg11[%run_scoped3A_119, %dma_start3A_136, %dma_start3A_137] : memref<2x128x64xf32, #tpu.memory_space<vmem>> -> memref<1x128x64xf32, #tpu.memory_space<vmem>>
      %dma_start3A_139 = tpu.memref_squeeze %dma_start3A_138 : memref<1x128x64xf32, #tpu.memory_space<vmem>> -> memref<128x64xf32, #tpu.memory_space<vmem>>
      %dma_start3A_140 = arith.constant 0 : i32
      %dma_start3A_141 = tpu.memref_slice %arg12[%add3A_118, %dma_start3A_140] : memref<10240x64xf32, #tpu.memory_space<vmem_shared>> -> memref<128x64xf32, #tpu.memory_space<vmem_shared>>
      %dma_start3A_142 = arith.constant 0 : i32
      %dma_start3A_143 = arith.constant 0 : i32
      %dma_start3A_144 = tpu.memref_slice %arg11[%run_scoped3A_119, %dma_start3A_142, %dma_start3A_143] : memref<2x128x64xf32, #tpu.memory_space<vmem>> -> memref<1x128x64xf32, #tpu.memory_space<vmem>>
      %dma_start3A_145 = tpu.memref_squeeze %dma_start3A_144 : memref<1x128x64xf32, #tpu.memory_space<vmem>> -> memref<128x64xf32, #tpu.memory_space<vmem>>
      %dma_start3A_146 = arith.constant 0 : i32
      %dma_start3A_147 = tpu.memref_slice %arg12[%add3A_118, %dma_start3A_146] : memref<10240x64xf32, #tpu.memory_space<vmem_shared>> -> memref<128x64xf32, #tpu.memory_space<vmem_shared>>
      tpu.enqueue_dma source(%dma_start3A_147 : memref<128x64xf32, #tpu.memory_space<vmem_shared>>) target(%dma_start3A_145 : memref<128x64xf32, #tpu.memory_space<vmem>>) target_semaphore(%run_scoped3A_135 : memref<!tpu.dma_semaphore, #tpu.memory_space<semaphore_mem>>)
      %dma_wait3A_148 = arith.constant 0 : i32
      %dma_wait3A_149 = arith.constant 0 : i32
      %dma_wait3A_150 = tpu.memref_slice %arg11[%run_scoped3A_119, %dma_wait3A_148, %dma_wait3A_149] : memref<2x128x64xf32, #tpu.memory_space<vmem>> -> memref<1x128x64xf32, #tpu.memory_space<vmem>>
      %dma_wait3A_151 = tpu.memref_squeeze %dma_wait3A_150 : memref<1x128x64xf32, #tpu.memory_space<vmem>> -> memref<128x64xf32, #tpu.memory_space<vmem>>
      %dma_wait3A_152 = arith.constant 0 : i32
      %dma_wait3A_153 = tpu.memref_slice %arg12[%add3A_118, %dma_wait3A_152] : memref<10240x64xf32, #tpu.memory_space<vmem_shared>> -> memref<128x64xf32, #tpu.memory_space<vmem_shared>>
      %dma_wait3A_154 = arith.constant 0 : i32
      %dma_wait3A_155 = arith.constant 0 : i32
      %dma_wait3A_156 = tpu.memref_slice %arg11[%run_scoped3A_119, %dma_wait3A_154, %dma_wait3A_155] : memref<2x128x64xf32, #tpu.memory_space<vmem>> -> memref<1x128x64xf32, #tpu.memory_space<vmem>>
      %dma_wait3A_157 = tpu.memref_squeeze %dma_wait3A_156 : memref<1x128x64xf32, #tpu.memory_space<vmem>> -> memref<128x64xf32, #tpu.memory_space<vmem>>
      %dma_wait3A_158 = arith.constant 0 : i32
      %dma_wait3A_159 = tpu.memref_slice %arg12[%add3A_118, %dma_wait3A_158] : memref<10240x64xf32, #tpu.memory_space<vmem_shared>> -> memref<128x64xf32, #tpu.memory_space<vmem_shared>>
      tpu.wait_dma2 semaphore(%run_scoped3A_135 : memref<!tpu.dma_semaphore, #tpu.memory_space<semaphore_mem>>) src(%dma_wait3A_159 : memref<128x64xf32, #tpu.memory_space<vmem_shared>>) dst(%dma_wait3A_157 : memref<128x64xf32, #tpu.memory_space<vmem>>)
      tpu.yield
    }) : () -> ()
    %add3A_120 = arith.constant 256 : i32
    %add3A_121 = arith.addi %mul3A_2, %add3A_120 : i32
    %run_scoped3A_122 = arith.constant 0 : i32
    "tpu.region"() ({
      %run_scoped3A_135 = tpu.sem_alloc : memref<!tpu.dma_semaphore, #tpu.memory_space<semaphore_mem>>
      %dma_start3A_136 = arith.constant 0 : i32
      %dma_start3A_137 = arith.constant 0 : i32
      %dma_start3A_138 = tpu.memref_slice %arg11[%run_scoped3A_122, %dma_start3A_136, %dma_start3A_137] : memref<2x128x64xf32, #tpu.memory_space<vmem>> -> memref<1x128x64xf32, #tpu.memory_space<vmem>>
      %dma_start3A_139 = tpu.memref_squeeze %dma_start3A_138 : memref<1x128x64xf32, #tpu.memory_space<vmem>> -> memref<128x64xf32, #tpu.memory_space<vmem>>
      %dma_start3A_140 = arith.constant 0 : i32
      %dma_start3A_141 = tpu.memref_slice %arg6[%arg0, %add3A_121, %dma_start3A_140] : memref<2x10240x64xf32, #tpu.memory_space<hbm>> -> memref<1x128x64xf32, #tpu.memory_space<hbm>>
      %dma_start3A_142 = tpu.memref_squeeze %dma_start3A_141 : memref<1x128x64xf32, #tpu.memory_space<hbm>> -> memref<128x64xf32, #tpu.memory_space<hbm>>
      %dma_start3A_143 = arith.constant 0 : i32
      %dma_start3A_144 = tpu.memref_slice %arg6[%arg0, %add3A_121, %dma_start3A_143] : memref<2x10240x64xf32, #tpu.memory_space<hbm>> -> memref<1x128x64xf32, #tpu.memory_space<hbm>>
      %dma_start3A_145 = tpu.memref_squeeze %dma_start3A_144 : memref<1x128x64xf32, #tpu.memory_space<hbm>> -> memref<128x64xf32, #tpu.memory_space<hbm>>
      %dma_start3A_146 = arith.constant 0 : i32
      %dma_start3A_147 = arith.constant 0 : i32
      %dma_start3A_148 = tpu.memref_slice %arg11[%run_scoped3A_122, %dma_start3A_146, %dma_start3A_147] : memref<2x128x64xf32, #tpu.memory_space<vmem>> -> memref<1x128x64xf32, #tpu.memory_space<vmem>>
      %dma_start3A_149 = tpu.memref_squeeze %dma_start3A_148 : memref<1x128x64xf32, #tpu.memory_space<vmem>> -> memref<128x64xf32, #tpu.memory_space<vmem>>
      tpu.enqueue_dma source(%dma_start3A_149 : memref<128x64xf32, #tpu.memory_space<vmem>>) target(%dma_start3A_145 : memref<128x64xf32, #tpu.memory_space<hbm>>) target_semaphore(%run_scoped3A_135 : memref<!tpu.dma_semaphore, #tpu.memory_space<semaphore_mem>>)
      %dma_wait3A_150 = arith.constant 0 : i32
      %dma_wait3A_151 = arith.constant 0 : i32
      %dma_wait3A_152 = tpu.memref_slice %arg11[%run_scoped3A_122, %dma_wait3A_150, %dma_wait3A_151] : memref<2x128x64xf32, #tpu.memory_space<vmem>> -> memref<1x128x64xf32, #tpu.memory_space<vmem>>
      %dma_wait3A_153 = tpu.memref_squeeze %dma_wait3A_152 : memref<1x128x64xf32, #tpu.memory_space<vmem>> -> memref<128x64xf32, #tpu.memory_space<vmem>>
      %dma_wait3A_154 = arith.constant 0 : i32
      %dma_wait3A_155 = tpu.memref_slice %arg6[%arg0, %add3A_121, %dma_wait3A_154] : memref<2x10240x64xf32, #tpu.memory_space<hbm>> -> memref<1x128x64xf32, #tpu.memory_space<hbm>>
      %dma_wait3A_156 = tpu.memref_squeeze %dma_wait3A_155 : memref<1x128x64xf32, #tpu.memory_space<hbm>> -> memref<128x64xf32, #tpu.memory_space<hbm>>
      %dma_wait3A_157 = arith.constant 0 : i32
      %dma_wait3A_158 = tpu.memref_slice %arg6[%arg0, %add3A_121, %dma_wait3A_157] : memref<2x10240x64xf32, #tpu.memory_space<hbm>> -> memref<1x128x64xf32, #tpu.memory_space<hbm>>
      %dma_wait3A_159 = tpu.memref_squeeze %dma_wait3A_158 : memref<1x128x64xf32, #tpu.memory_space<hbm>> -> memref<128x64xf32, #tpu.memory_space<hbm>>
      %dma_wait3A_160 = arith.constant 0 : i32
      %dma_wait3A_161 = arith.constant 0 : i32
      %dma_wait3A_162 = tpu.memref_slice %arg11[%run_scoped3A_122, %dma_wait3A_160, %dma_wait3A_161] : memref<2x128x64xf32, #tpu.memory_space<vmem>> -> memref<1x128x64xf32, #tpu.memory_space<vmem>>
      %dma_wait3A_163 = tpu.memref_squeeze %dma_wait3A_162 : memref<1x128x64xf32, #tpu.memory_space<vmem>> -> memref<128x64xf32, #tpu.memory_space<vmem>>
      tpu.wait_dma2 semaphore(%run_scoped3A_135 : memref<!tpu.dma_semaphore, #tpu.memory_space<semaphore_mem>>) src(%dma_wait3A_163 : memref<128x64xf32, #tpu.memory_space<vmem>>) dst(%dma_wait3A_159 : memref<128x64xf32, #tpu.memory_space<hbm>>)
      tpu.yield
    }) : () -> ()
    %add3A_123 = arith.constant 384 : i32
    %add3A_124 = arith.addi %mul3A_2, %add3A_123 : i32
    %run_scoped3A_125 = arith.constant 0 : i32
    "tpu.region"() ({
      %run_scoped3A_135 = tpu.sem_alloc : memref<!tpu.dma_semaphore, #tpu.memory_space<semaphore_mem>>
      %dma_start3A_136 = arith.constant 0 : i32
      %dma_start3A_137 = arith.constant 0 : i32
      %dma_start3A_138 = tpu.memref_slice %arg11[%run_scoped3A_125, %dma_start3A_136, %dma_start3A_137] : memref<2x128x64xf32, #tpu.memory_space<vmem>> -> memref<1x128x64xf32, #tpu.memory_space<vmem>>
      %dma_start3A_139 = tpu.memref_squeeze %dma_start3A_138 : memref<1x128x64xf32, #tpu.memory_space<vmem>> -> memref<128x64xf32, #tpu.memory_space<vmem>>
      %dma_start3A_140 = arith.constant 0 : i32
      %dma_start3A_141 = tpu.memref_slice %arg12[%add3A_124, %dma_start3A_140] : memref<10240x64xf32, #tpu.memory_space<vmem_shared>> -> memref<128x64xf32, #tpu.memory_space<vmem_shared>>
      %dma_start3A_142 = arith.constant 0 : i32
      %dma_start3A_143 = arith.constant 0 : i32
      %dma_start3A_144 = tpu.memref_slice %arg11[%run_scoped3A_125, %dma_start3A_142, %dma_start3A_143] : memref<2x128x64xf32, #tpu.memory_space<vmem>> -> memref<1x128x64xf32, #tpu.memory_space<vmem>>
      %dma_start3A_145 = tpu.memref_squeeze %dma_start3A_144 : memref<1x128x64xf32, #tpu.memory_space<vmem>> -> memref<128x64xf32, #tpu.memory_space<vmem>>
      %dma_start3A_146 = arith.constant 0 : i32
      %dma_start3A_147 = tpu.memref_slice %arg12[%add3A_124, %dma_start3A_146] : memref<10240x64xf32, #tpu.memory_space<vmem_shared>> -> memref<128x64xf32, #tpu.memory_space<vmem_shared>>
      tpu.enqueue_dma source(%dma_start3A_147 : memref<128x64xf32, #tpu.memory_space<vmem_shared>>) target(%dma_start3A_145 : memref<128x64xf32, #tpu.memory_space<vmem>>) target_semaphore(%run_scoped3A_135 : memref<!tpu.dma_semaphore, #tpu.memory_space<semaphore_mem>>)
      %dma_wait3A_148 = arith.constant 0 : i32
      %dma_wait3A_149 = arith.constant 0 : i32
      %dma_wait3A_150 = tpu.memref_slice %arg11[%run_scoped3A_125, %dma_wait3A_148, %dma_wait3A_149] : memref<2x128x64xf32, #tpu.memory_space<vmem>> -> memref<1x128x64xf32, #tpu.memory_space<vmem>>
      %dma_wait3A_151 = tpu.memref_squeeze %dma_wait3A_150 : memref<1x128x64xf32, #tpu.memory_space<vmem>> -> memref<128x64xf32, #tpu.memory_space<vmem>>
      %dma_wait3A_152 = arith.constant 0 : i32
      %dma_wait3A_153 = tpu.memref_slice %arg12[%add3A_124, %dma_wait3A_152] : memref<10240x64xf32, #tpu.memory_space<vmem_shared>> -> memref<128x64xf32, #tpu.memory_space<vmem_shared>>
      %dma_wait3A_154 = arith.constant 0 : i32
      %dma_wait3A_155 = arith.constant 0 : i32
      %dma_wait3A_156 = tpu.memref_slice %arg11[%run_scoped3A_125, %dma_wait3A_154, %dma_wait3A_155] : memref<2x128x64xf32, #tpu.memory_space<vmem>> -> memref<1x128x64xf32, #tpu.memory_space<vmem>>
      %dma_wait3A_157 = tpu.memref_squeeze %dma_wait3A_156 : memref<1x128x64xf32, #tpu.memory_space<vmem>> -> memref<128x64xf32, #tpu.memory_space<vmem>>
      %dma_wait3A_158 = arith.constant 0 : i32
      %dma_wait3A_159 = tpu.memref_slice %arg12[%add3A_124, %dma_wait3A_158] : memref<10240x64xf32, #tpu.memory_space<vmem_shared>> -> memref<128x64xf32, #tpu.memory_space<vmem_shared>>
      tpu.wait_dma2 semaphore(%run_scoped3A_135 : memref<!tpu.dma_semaphore, #tpu.memory_space<semaphore_mem>>) src(%dma_wait3A_159 : memref<128x64xf32, #tpu.memory_space<vmem_shared>>) dst(%dma_wait3A_157 : memref<128x64xf32, #tpu.memory_space<vmem>>)
      tpu.yield
    }) : () -> ()
    %add3A_126 = arith.constant 384 : i32
    %add3A_127 = arith.addi %mul3A_2, %add3A_126 : i32
    %run_scoped3A_128 = arith.constant 0 : i32
    "tpu.region"() ({
      %run_scoped3A_135 = tpu.sem_alloc : memref<!tpu.dma_semaphore, #tpu.memory_space<semaphore_mem>>
      %dma_start3A_136 = arith.constant 0 : i32
      %dma_start3A_137 = arith.constant 0 : i32
      %dma_start3A_138 = tpu.memref_slice %arg11[%run_scoped3A_128, %dma_start3A_136, %dma_start3A_137] : memref<2x128x64xf32, #tpu.memory_space<vmem>> -> memref<1x128x64xf32, #tpu.memory_space<vmem>>
      %dma_start3A_139 = tpu.memref_squeeze %dma_start3A_138 : memref<1x128x64xf32, #tpu.memory_space<vmem>> -> memref<128x64xf32, #tpu.memory_space<vmem>>
      %dma_start3A_140 = arith.constant 0 : i32
      %dma_start3A_141 = tpu.memref_slice %arg6[%arg0, %add3A_127, %dma_start3A_140] : memref<2x10240x64xf32, #tpu.memory_space<hbm>> -> memref<1x128x64xf32, #tpu.memory_space<hbm>>
      %dma_start3A_142 = tpu.memref_squeeze %dma_start3A_141 : memref<1x128x64xf32, #tpu.memory_space<hbm>> -> memref<128x64xf32, #tpu.memory_space<hbm>>
      %dma_start3A_143 = arith.constant 0 : i32
      %dma_start3A_144 = tpu.memref_slice %arg6[%arg0, %add3A_127, %dma_start3A_143] : memref<2x10240x64xf32, #tpu.memory_space<hbm>> -> memref<1x128x64xf32, #tpu.memory_space<hbm>>
      %dma_start3A_145 = tpu.memref_squeeze %dma_start3A_144 : memref<1x128x64xf32, #tpu.memory_space<hbm>> -> memref<128x64xf32, #tpu.memory_space<hbm>>
      %dma_start3A_146 = arith.constant 0 : i32
      %dma_start3A_147 = arith.constant 0 : i32
      %dma_start3A_148 = tpu.memref_slice %arg11[%run_scoped3A_128, %dma_start3A_146, %dma_start3A_147] : memref<2x128x64xf32, #tpu.memory_space<vmem>> -> memref<1x128x64xf32, #tpu.memory_space<vmem>>
      %dma_start3A_149 = tpu.memref_squeeze %dma_start3A_148 : memref<1x128x64xf32, #tpu.memory_space<vmem>> -> memref<128x64xf32, #tpu.memory_space<vmem>>
      tpu.enqueue_dma source(%dma_start3A_149 : memref<128x64xf32, #tpu.memory_space<vmem>>) target(%dma_start3A_145 : memref<128x64xf32, #tpu.memory_space<hbm>>) target_semaphore(%run_scoped3A_135 : memref<!tpu.dma_semaphore, #tpu.memory_space<semaphore_mem>>)
      %dma_wait3A_150 = arith.constant 0 : i32
      %dma_wait3A_151 = arith.constant 0 : i32
      %dma_wait3A_152 = tpu.memref_slice %arg11[%run_scoped3A_128, %dma_wait3A_150, %dma_wait3A_151] : memref<2x128x64xf32, #tpu.memory_space<vmem>> -> memref<1x128x64xf32, #tpu.memory_space<vmem>>
      %dma_wait3A_153 = tpu.memref_squeeze %dma_wait3A_152 : memref<1x128x64xf32, #tpu.memory_space<vmem>> -> memref<128x64xf32, #tpu.memory_space<vmem>>
      %dma_wait3A_154 = arith.constant 0 : i32
      %dma_wait3A_155 = tpu.memref_slice %arg6[%arg0, %add3A_127, %dma_wait3A_154] : memref<2x10240x64xf32, #tpu.memory_space<hbm>> -> memref<1x128x64xf32, #tpu.memory_space<hbm>>
      %dma_wait3A_156 = tpu.memref_squeeze %dma_wait3A_155 : memref<1x128x64xf32, #tpu.memory_space<hbm>> -> memref<128x64xf32, #tpu.memory_space<hbm>>
      %dma_wait3A_157 = arith.constant 0 : i32
      %dma_wait3A_158 = tpu.memref_slice %arg6[%arg0, %add3A_127, %dma_wait3A_157] : memref<2x10240x64xf32, #tpu.memory_space<hbm>> -> memref<1x128x64xf32, #tpu.memory_space<hbm>>
      %dma_wait3A_159 = tpu.memref_squeeze %dma_wait3A_158 : memref<1x128x64xf32, #tpu.memory_space<hbm>> -> memref<128x64xf32, #tpu.memory_space<hbm>>
      %dma_wait3A_160 = arith.constant 0 : i32
      %dma_wait3A_161 = arith.constant 0 : i32
      %dma_wait3A_162 = tpu.memref_slice %arg11[%run_scoped3A_128, %dma_wait3A_160, %dma_wait3A_161] : memref<2x128x64xf32, #tpu.memory_space<vmem>> -> memref<1x128x64xf32, #tpu.memory_space<vmem>>
      %dma_wait3A_163 = tpu.memref_squeeze %dma_wait3A_162 : memref<1x128x64xf32, #tpu.memory_space<vmem>> -> memref<128x64xf32, #tpu.memory_space<vmem>>
      tpu.wait_dma2 semaphore(%run_scoped3A_135 : memref<!tpu.dma_semaphore, #tpu.memory_space<semaphore_mem>>) src(%dma_wait3A_163 : memref<128x64xf32, #tpu.memory_space<vmem>>) dst(%dma_wait3A_159 : memref<128x64xf32, #tpu.memory_space<hbm>>)
      tpu.yield
    }) : () -> ()
    %add3A_129 = arith.constant 512 : i32
    %add3A_130 = arith.addi %mul3A_2, %add3A_129 : i32
    %run_scoped3A_131 = arith.constant 0 : i32
    "tpu.region"() ({
      %run_scoped3A_135 = tpu.sem_alloc : memref<!tpu.dma_semaphore, #tpu.memory_space<semaphore_mem>>
      %dma_start3A_136 = arith.constant 0 : i32
      %dma_start3A_137 = arith.constant 0 : i32
      %dma_start3A_138 = tpu.memref_slice %arg11[%run_scoped3A_131, %dma_start3A_136, %dma_start3A_137] : memref<2x128x64xf32, #tpu.memory_space<vmem>> -> memref<1x128x64xf32, #tpu.memory_space<vmem>>
      %dma_start3A_139 = tpu.memref_squeeze %dma_start3A_138 : memref<1x128x64xf32, #tpu.memory_space<vmem>> -> memref<128x64xf32, #tpu.memory_space<vmem>>
      %dma_start3A_140 = arith.constant 0 : i32
      %dma_start3A_141 = tpu.memref_slice %arg12[%add3A_130, %dma_start3A_140] : memref<10240x64xf32, #tpu.memory_space<vmem_shared>> -> memref<128x64xf32, #tpu.memory_space<vmem_shared>>
      %dma_start3A_142 = arith.constant 0 : i32
      %dma_start3A_143 = arith.constant 0 : i32
      %dma_start3A_144 = tpu.memref_slice %arg11[%run_scoped3A_131, %dma_start3A_142, %dma_start3A_143] : memref<2x128x64xf32, #tpu.memory_space<vmem>> -> memref<1x128x64xf32, #tpu.memory_space<vmem>>
      %dma_start3A_145 = tpu.memref_squeeze %dma_start3A_144 : memref<1x128x64xf32, #tpu.memory_space<vmem>> -> memref<128x64xf32, #tpu.memory_space<vmem>>
      %dma_start3A_146 = arith.constant 0 : i32
      %dma_start3A_147 = tpu.memref_slice %arg12[%add3A_130, %dma_start3A_146] : memref<10240x64xf32, #tpu.memory_space<vmem_shared>> -> memref<128x64xf32, #tpu.memory_space<vmem_shared>>
      tpu.enqueue_dma source(%dma_start3A_147 : memref<128x64xf32, #tpu.memory_space<vmem_shared>>) target(%dma_start3A_145 : memref<128x64xf32, #tpu.memory_space<vmem>>) target_semaphore(%run_scoped3A_135 : memref<!tpu.dma_semaphore, #tpu.memory_space<semaphore_mem>>)
      %dma_wait3A_148 = arith.constant 0 : i32
      %dma_wait3A_149 = arith.constant 0 : i32
      %dma_wait3A_150 = tpu.memref_slice %arg11[%run_scoped3A_131, %dma_wait3A_148, %dma_wait3A_149] : memref<2x128x64xf32, #tpu.memory_space<vmem>> -> memref<1x128x64xf32, #tpu.memory_space<vmem>>
      %dma_wait3A_151 = tpu.memref_squeeze %dma_wait3A_150 : memref<1x128x64xf32, #tpu.memory_space<vmem>> -> memref<128x64xf32, #tpu.memory_space<vmem>>
      %dma_wait3A_152 = arith.constant 0 : i32
      %dma_wait3A_153 = tpu.memref_slice %arg12[%add3A_130, %dma_wait3A_152] : memref<10240x64xf32, #tpu.memory_space<vmem_shared>> -> memref<128x64xf32, #tpu.memory_space<vmem_shared>>
      %dma_wait3A_154 = arith.constant 0 : i32
      %dma_wait3A_155 = arith.constant 0 : i32
      %dma_wait3A_156 = tpu.memref_slice %arg11[%run_scoped3A_131, %dma_wait3A_154, %dma_wait3A_155] : memref<2x128x64xf32, #tpu.memory_space<vmem>> -> memref<1x128x64xf32, #tpu.memory_space<vmem>>
      %dma_wait3A_157 = tpu.memref_squeeze %dma_wait3A_156 : memref<1x128x64xf32, #tpu.memory_space<vmem>> -> memref<128x64xf32, #tpu.memory_space<vmem>>
      %dma_wait3A_158 = arith.constant 0 : i32
      %dma_wait3A_159 = tpu.memref_slice %arg12[%add3A_130, %dma_wait3A_158] : memref<10240x64xf32, #tpu.memory_space<vmem_shared>> -> memref<128x64xf32, #tpu.memory_space<vmem_shared>>
      tpu.wait_dma2 semaphore(%run_scoped3A_135 : memref<!tpu.dma_semaphore, #tpu.memory_space<semaphore_mem>>) src(%dma_wait3A_159 : memref<128x64xf32, #tpu.memory_space<vmem_shared>>) dst(%dma_wait3A_157 : memref<128x64xf32, #tpu.memory_space<vmem>>)
      tpu.yield
    }) : () -> ()
    %add3A_132 = arith.constant 512 : i32
    %add3A_133 = arith.addi %mul3A_2, %add3A_132 : i32
    %run_scoped3A_134 = arith.constant 0 : i32
    "tpu.region"() ({
      %run_scoped3A_135 = tpu.sem_alloc : memref<!tpu.dma_semaphore, #tpu.memory_space<semaphore_mem>>
      %dma_start3A_136 = arith.constant 0 : i32
      %dma_start3A_137 = arith.constant 0 : i32
      %dma_start3A_138 = tpu.memref_slice %arg11[%run_scoped3A_134, %dma_start3A_136, %dma_start3A_137] : memref<2x128x64xf32, #tpu.memory_space<vmem>> -> memref<1x128x64xf32, #tpu.memory_space<vmem>>
      %dma_start3A_139 = tpu.memref_squeeze %dma_start3A_138 : memref<1x128x64xf32, #tpu.memory_space<vmem>> -> memref<128x64xf32, #tpu.memory_space<vmem>>
      %dma_start3A_140 = arith.constant 0 : i32
      %dma_start3A_141 = tpu.memref_slice %arg6[%arg0, %add3A_133, %dma_start3A_140] : memref<2x10240x64xf32, #tpu.memory_space<hbm>> -> memref<1x128x64xf32, #tpu.memory_space<hbm>>
      %dma_start3A_142 = tpu.memref_squeeze %dma_start3A_141 : memref<1x128x64xf32, #tpu.memory_space<hbm>> -> memref<128x64xf32, #tpu.memory_space<hbm>>
      %dma_start3A_143 = arith.constant 0 : i32
      %dma_start3A_144 = tpu.memref_slice %arg6[%arg0, %add3A_133, %dma_start3A_143] : memref<2x10240x64xf32, #tpu.memory_space<hbm>> -> memref<1x128x64xf32, #tpu.memory_space<hbm>>
      %dma_start3A_145 = tpu.memref_squeeze %dma_start3A_144 : memref<1x128x64xf32, #tpu.memory_space<hbm>> -> memref<128x64xf32, #tpu.memory_space<hbm>>
      %dma_start3A_146 = arith.constant 0 : i32
      %dma_start3A_147 = arith.constant 0 : i32
      %dma_start3A_148 = tpu.memref_slice %arg11[%run_scoped3A_134, %dma_start3A_146, %dma_start3A_147] : memref<2x128x64xf32, #tpu.memory_space<vmem>> -> memref<1x128x64xf32, #tpu.memory_space<vmem>>
      %dma_start3A_149 = tpu.memref_squeeze %dma_start3A_148 : memref<1x128x64xf32, #tpu.memory_space<vmem>> -> memref<128x64xf32, #tpu.memory_space<vmem>>
      tpu.enqueue_dma source(%dma_start3A_149 : memref<128x64xf32, #tpu.memory_space<vmem>>) target(%dma_start3A_145 : memref<128x64xf32, #tpu.memory_space<hbm>>) target_semaphore(%run_scoped3A_135 : memref<!tpu.dma_semaphore, #tpu.memory_space<semaphore_mem>>)
      %dma_wait3A_150 = arith.constant 0 : i32
      %dma_wait3A_151 = arith.constant 0 : i32
      %dma_wait3A_152 = tpu.memref_slice %arg11[%run_scoped3A_134, %dma_wait3A_150, %dma_wait3A_151] : memref<2x128x64xf32, #tpu.memory_space<vmem>> -> memref<1x128x64xf32, #tpu.memory_space<vmem>>
      %dma_wait3A_153 = tpu.memref_squeeze %dma_wait3A_152 : memref<1x128x64xf32, #tpu.memory_space<vmem>> -> memref<128x64xf32, #tpu.memory_space<vmem>>
      %dma_wait3A_154 = arith.constant 0 : i32
      %dma_wait3A_155 = tpu.memref_slice %arg6[%arg0, %add3A_133, %dma_wait3A_154] : memref<2x10240x64xf32, #tpu.memory_space<hbm>> -> memref<1x128x64xf32, #tpu.memory_space<hbm>>
      %dma_wait3A_156 = tpu.memref_squeeze %dma_wait3A_155 : memref<1x128x64xf32, #tpu.memory_space<hbm>> -> memref<128x64xf32, #tpu.memory_space<hbm>>
      %dma_wait3A_157 = arith.constant 0 : i32
      %dma_wait3A_158 = tpu.memref_slice %arg6[%arg0, %add3A_133, %dma_wait3A_157] : memref<2x10240x64xf32, #tpu.memory_space<hbm>> -> memref<1x128x64xf32, #tpu.memory_space<hbm>>
      %dma_wait3A_159 = tpu.memref_squeeze %dma_wait3A_158 : memref<1x128x64xf32, #tpu.memory_space<hbm>> -> memref<128x64xf32, #tpu.memory_space<hbm>>
      %dma_wait3A_160 = arith.constant 0 : i32
      %dma_wait3A_161 = arith.constant 0 : i32
      %dma_wait3A_162 = tpu.memref_slice %arg11[%run_scoped3A_134, %dma_wait3A_160, %dma_wait3A_161] : memref<2x128x64xf32, #tpu.memory_space<vmem>> -> memref<1x128x64xf32, #tpu.memory_space<vmem>>
      %dma_wait3A_163 = tpu.memref_squeeze %dma_wait3A_162 : memref<1x128x64xf32, #tpu.memory_space<vmem>> -> memref<128x64xf32, #tpu.memory_space<vmem>>
      tpu.wait_dma2 semaphore(%run_scoped3A_135 : memref<!tpu.dma_semaphore, #tpu.memory_space<semaphore_mem>>) src(%dma_wait3A_163 : memref<128x64xf32, #tpu.memory_space<vmem>>) dst(%dma_wait3A_159 : memref<128x64xf32, #tpu.memory_space<hbm>>)
      tpu.yield
    }) : () -> ()
    return
  }
}

#map = affine_map<(d0, d1) -> (0, 0)>
#map1 = affine_map<(d0, d1) -> (0, 0, 0)>
module attributes {stable_mosaic.version = 14 : i64} {
  func.func @_edge_agg(%arg0: i32, %arg1: i32, %arg2: memref<10240x64xbf16, #tpu.memory_space<hbm>>, %arg3: memref<10240x64xbf16, #tpu.memory_space<hbm>>, %arg4: memref<2560x128xi32, #tpu.memory_space<hbm>>, %arg5: memref<2560x128xi32, #tpu.memory_space<hbm>>, %arg6: memref<2x10240x64xf32, #tpu.memory_space<hbm>>, %arg7: memref<80x128xi32, #tpu.memory_space<vmem>>, %arg8: memref<80x128xi32, #tpu.memory_space<vmem>>, %arg9: memref<2x128x64xbf16, #tpu.memory_space<vmem>>, %arg10: memref<2x128x64xbf16, #tpu.memory_space<vmem>>, %arg11: memref<2x128x64xf32, #tpu.memory_space<vmem>>, %arg12: memref<10240x64xf32, #tpu.memory_space<vmem_shared>>, %arg13: memref<!tpu.dma_semaphore, #tpu.memory_space<semaphore_mem>>, %arg14: memref<!tpu.dma_semaphore, #tpu.memory_space<semaphore_mem>>, %arg15: memref<!tpu.dma_semaphore, #tpu.memory_space<semaphore_mem>>, %arg16: memref<!tpu.dma_semaphore, #tpu.memory_space<semaphore_mem>>, %arg17: memref<!tpu.dma_semaphore, #tpu.memory_space<semaphore_mem>>, %arg18: memref<!tpu.dma_semaphore, #tpu.memory_space<semaphore_mem>>) attributes {dimension_semantics = [#tpu.dimension_semantics<core_parallel>, #tpu.dimension_semantics<subcore_parallel>], iteration_bounds = array<i64: 2, 16>, scalar_prefetch = 0 : i64, scratch_operands = 12 : i64, tpu.core_type = #tpu.core_type<sc_vector_subcore>, window_params = [{transform_indices = #map}, {transform_indices = #map}, {transform_indices = #map}, {transform_indices = #map}, {transform_indices = #map1}]} {
    %mul3A = arith.constant 2 : i32
    %mul3A_0 = arith.muli %arg1, %mul3A : i32
    %add3A = arith.addi %mul3A_0, %arg0 : i32
    %mul3A_1 = arith.constant 640 : i32
    %mul3A_2 = arith.muli %arg1, %mul3A_1 : i32
    %scan3A = arith.constant 0 : i32
    %scan3A_3 = arith.constant 0 : i32
    %scan3A_4 = arith.constant 128 : i32
    %scan3A_5 = arith.addi %scan3A_3, %scan3A_4 : i32
    %scan3A_6 = arith.constant 1 : i32
    %scan3A_7 = scf.for %scan3A_135 = %scan3A_3 to %scan3A_5 step %scan3A_6 iter_args(%scan3A_136 = %scan3A) -> (i32)  : i32 {
      %broadcast_in_dim3A = arith.constant 0.000000e+00 : f32
      %broadcast_in_dim3A_137 = vector.broadcast %broadcast_in_dim3A : f32 to vector<16xf32>
      %swap3A = arith.constant 0 : i32
      %swap3A_138 = arith.index_cast %swap3A : i32 to index
      %swap3A_139 = arith.index_cast %scan3A_135 : i32 to index
      %swap3A_140 = arith.constant 0 : index
      %swap3A_141 = tpu.vector_load %arg11[%swap3A_138, %swap3A_139, %swap3A_140] {strides = array<i32>} : memref<2x128x64xf32, #tpu.memory_space<vmem>>, vector<16xf32>,
      tpu.vector_store %arg11[%swap3A_138, %swap3A_139, %swap3A_140], %broadcast_in_dim3A_137 {strides = array<i32>} : memref<2x128x64xf32, #tpu.memory_space<vmem>>, vector<16xf32>,
      %broadcast_in_dim3A_142 = arith.constant 0.000000e+00 : f32
      %broadcast_in_dim3A_143 = vector.broadcast %broadcast_in_dim3A_142 : f32 to vector<16xf32>
      %swap3A_144 = arith.constant 0 : i32
      %swap3A_145 = arith.index_cast %swap3A_144 : i32 to index
      %swap3A_146 = arith.index_cast %scan3A_135 : i32 to index
      %swap3A_147 = arith.constant 16 : index
      %swap3A_148 = tpu.vector_load %arg11[%swap3A_145, %swap3A_146, %swap3A_147] {strides = array<i32>} : memref<2x128x64xf32, #tpu.memory_space<vmem>>, vector<16xf32>,
      tpu.vector_store %arg11[%swap3A_145, %swap3A_146, %swap3A_147], %broadcast_in_dim3A_143 {strides = array<i32>} : memref<2x128x64xf32, #tpu.memory_space<vmem>>, vector<16xf32>,
      %broadcast_in_dim3A_149 = arith.constant 0.000000e+00 : f32
      %broadcast_in_dim3A_150 = vector.broadcast %broadcast_in_dim3A_149 : f32 to vector<16xf32>
      %swap3A_151 = arith.constant 0 : i32
      %swap3A_152 = arith.index_cast %swap3A_151 : i32 to index
      %swap3A_153 = arith.index_cast %scan3A_135 : i32 to index
      %swap3A_154 = arith.constant 32 : index
      %swap3A_155 = tpu.vector_load %arg11[%swap3A_152, %swap3A_153, %swap3A_154] {strides = array<i32>} : memref<2x128x64xf32, #tpu.memory_space<vmem>>, vector<16xf32>,
      tpu.vector_store %arg11[%swap3A_152, %swap3A_153, %swap3A_154], %broadcast_in_dim3A_150 {strides = array<i32>} : memref<2x128x64xf32, #tpu.memory_space<vmem>>, vector<16xf32>,
      %broadcast_in_dim3A_156 = arith.constant 0.000000e+00 : f32
      %broadcast_in_dim3A_157 = vector.broadcast %broadcast_in_dim3A_156 : f32 to vector<16xf32>
      %swap3A_158 = arith.constant 0 : i32
      %swap3A_159 = arith.index_cast %swap3A_158 : i32 to index
      %swap3A_160 = arith.index_cast %scan3A_135 : i32 to index
      %swap3A_161 = arith.constant 48 : index
      %swap3A_162 = tpu.vector_load %arg11[%swap3A_159, %swap3A_160, %swap3A_161] {strides = array<i32>} : memref<2x128x64xf32, #tpu.memory_space<vmem>>, vector<16xf32>,
      tpu.vector_store %arg11[%swap3A_159, %swap3A_160, %swap3A_161], %broadcast_in_dim3A_157 {strides = array<i32>} : memref<2x128x64xf32, #tpu.memory_space<vmem>>, vector<16xf32>,
      %scan3A_163 = arith.constant 0 : i32
      scf.yield %scan3A_163 : i32
    }
    %scan3A_8 = arith.constant 128 : i32
    %add3A_9 = arith.constant 0 : i32
    %add3A_10 = arith.addi %mul3A_2, %add3A_9 : i32
    %run_scoped3A = arith.constant 0 : i32
    "tpu.region"() ({
      %run_scoped3A_135 = tpu.sem_alloc : memref<!tpu.dma_semaphore, #tpu.memory_space<semaphore_mem>>
      %dma_start3A_136 = arith.constant 0 : i32
      %dma_start3A_137 = arith.constant 0 : i32
      %dma_start3A_138 = tpu.memref_slice %arg11[%run_scoped3A, %dma_start3A_136, %dma_start3A_137] : memref<2x128x64xf32, #tpu.memory_space<vmem>> -> memref<1x128x64xf32, #tpu.memory_space<vmem>>
      %dma_start3A_139 = tpu.memref_squeeze %dma_start3A_138 : memref<1x128x64xf32, #tpu.memory_space<vmem>> -> memref<128x64xf32, #tpu.memory_space<vmem>>
      %dma_start3A_140 = arith.constant 0 : i32
      %dma_start3A_141 = tpu.memref_slice %arg12[%add3A_10, %dma_start3A_140] : memref<10240x64xf32, #tpu.memory_space<vmem_shared>> -> memref<128x64xf32, #tpu.memory_space<vmem_shared>>
      %dma_start3A_142 = arith.constant 0 : i32
      %dma_start3A_143 = tpu.memref_slice %arg12[%add3A_10, %dma_start3A_142] : memref<10240x64xf32, #tpu.memory_space<vmem_shared>> -> memref<128x64xf32, #tpu.memory_space<vmem_shared>>
      %dma_start3A_144 = arith.constant 0 : i32
      %dma_start3A_145 = arith.constant 0 : i32
      %dma_start3A_146 = tpu.memref_slice %arg11[%run_scoped3A, %dma_start3A_144, %dma_start3A_145] : memref<2x128x64xf32, #tpu.memory_space<vmem>> -> memref<1x128x64xf32, #tpu.memory_space<vmem>>
      %dma_start3A_147 = tpu.memref_squeeze %dma_start3A_146 : memref<1x128x64xf32, #tpu.memory_space<vmem>> -> memref<128x64xf32, #tpu.memory_space<vmem>>
      tpu.enqueue_dma source(%dma_start3A_147 : memref<128x64xf32, #tpu.memory_space<vmem>>) target(%dma_start3A_143 : memref<128x64xf32, #tpu.memory_space<vmem_shared>>) target_semaphore(%run_scoped3A_135 : memref<!tpu.dma_semaphore, #tpu.memory_space<semaphore_mem>>)
      %dma_wait3A_148 = arith.constant 0 : i32
      %dma_wait3A_149 = arith.constant 0 : i32
      %dma_wait3A_150 = tpu.memref_slice %arg11[%run_scoped3A, %dma_wait3A_148, %dma_wait3A_149] : memref<2x128x64xf32, #tpu.memory_space<vmem>> -> memref<1x128x64xf32, #tpu.memory_space<vmem>>
      %dma_wait3A_151 = tpu.memref_squeeze %dma_wait3A_150 : memref<1x128x64xf32, #tpu.memory_space<vmem>> -> memref<128x64xf32, #tpu.memory_space<vmem>>
      %dma_wait3A_152 = arith.constant 0 : i32
      %dma_wait3A_153 = tpu.memref_slice %arg12[%add3A_10, %dma_wait3A_152] : memref<10240x64xf32, #tpu.memory_space<vmem_shared>> -> memref<128x64xf32, #tpu.memory_space<vmem_shared>>
      %dma_wait3A_154 = arith.constant 0 : i32
      %dma_wait3A_155 = tpu.memref_slice %arg12[%add3A_10, %dma_wait3A_154] : memref<10240x64xf32, #tpu.memory_space<vmem_shared>> -> memref<128x64xf32, #tpu.memory_space<vmem_shared>>
      %dma_wait3A_156 = arith.constant 0 : i32
      %dma_wait3A_157 = arith.constant 0 : i32
      %dma_wait3A_158 = tpu.memref_slice %arg11[%run_scoped3A, %dma_wait3A_156, %dma_wait3A_157] : memref<2x128x64xf32, #tpu.memory_space<vmem>> -> memref<1x128x64xf32, #tpu.memory_space<vmem>>
      %dma_wait3A_159 = tpu.memref_squeeze %dma_wait3A_158 : memref<1x128x64xf32, #tpu.memory_space<vmem>> -> memref<128x64xf32, #tpu.memory_space<vmem>>
      tpu.wait_dma2 semaphore(%run_scoped3A_135 : memref<!tpu.dma_semaphore, #tpu.memory_space<semaphore_mem>>) src(%dma_wait3A_159 : memref<128x64xf32, #tpu.memory_space<vmem>>) dst(%dma_wait3A_155 : memref<128x64xf32, #tpu.memory_space<vmem_shared>>)
      tpu.yield
    }) : () -> ()
    %add3A_11 = arith.constant 128 : i32
    %add3A_12 = arith.addi %mul3A_2, %add3A_11 : i32
    %run_scoped3A_13 = arith.constant 0 : i32
    "tpu.region"() ({
      %run_scoped3A_135 = tpu.sem_alloc : memref<!tpu.dma_semaphore, #tpu.memory_space<semaphore_mem>>
      %dma_start3A_136 = arith.constant 0 : i32
      %dma_start3A_137 = arith.constant 0 : i32
      %dma_start3A_138 = tpu.memref_slice %arg11[%run_scoped3A_13, %dma_start3A_136, %dma_start3A_137] : memref<2x128x64xf32, #tpu.memory_space<vmem>> -> memref<1x128x64xf32, #tpu.memory_space<vmem>>
      %dma_start3A_139 = tpu.memref_squeeze %dma_start3A_138 : memref<1x128x64xf32, #tpu.memory_space<vmem>> -> memref<128x64xf32, #tpu.memory_space<vmem>>
      %dma_start3A_140 = arith.constant 0 : i32
      %dma_start3A_141 = tpu.memref_slice %arg12[%add3A_12, %dma_start3A_140] : memref<10240x64xf32, #tpu.memory_space<vmem_shared>> -> memref<128x64xf32, #tpu.memory_space<vmem_shared>>
      %dma_start3A_142 = arith.constant 0 : i32
      %dma_start3A_143 = tpu.memref_slice %arg12[%add3A_12, %dma_start3A_142] : memref<10240x64xf32, #tpu.memory_space<vmem_shared>> -> memref<128x64xf32, #tpu.memory_space<vmem_shared>>
      %dma_start3A_144 = arith.constant 0 : i32
      %dma_start3A_145 = arith.constant 0 : i32
      %dma_start3A_146 = tpu.memref_slice %arg11[%run_scoped3A_13, %dma_start3A_144, %dma_start3A_145] : memref<2x128x64xf32, #tpu.memory_space<vmem>> -> memref<1x128x64xf32, #tpu.memory_space<vmem>>
      %dma_start3A_147 = tpu.memref_squeeze %dma_start3A_146 : memref<1x128x64xf32, #tpu.memory_space<vmem>> -> memref<128x64xf32, #tpu.memory_space<vmem>>
      tpu.enqueue_dma source(%dma_start3A_147 : memref<128x64xf32, #tpu.memory_space<vmem>>) target(%dma_start3A_143 : memref<128x64xf32, #tpu.memory_space<vmem_shared>>) target_semaphore(%run_scoped3A_135 : memref<!tpu.dma_semaphore, #tpu.memory_space<semaphore_mem>>)
      %dma_wait3A_148 = arith.constant 0 : i32
      %dma_wait3A_149 = arith.constant 0 : i32
      %dma_wait3A_150 = tpu.memref_slice %arg11[%run_scoped3A_13, %dma_wait3A_148, %dma_wait3A_149] : memref<2x128x64xf32, #tpu.memory_space<vmem>> -> memref<1x128x64xf32, #tpu.memory_space<vmem>>
      %dma_wait3A_151 = tpu.memref_squeeze %dma_wait3A_150 : memref<1x128x64xf32, #tpu.memory_space<vmem>> -> memref<128x64xf32, #tpu.memory_space<vmem>>
      %dma_wait3A_152 = arith.constant 0 : i32
      %dma_wait3A_153 = tpu.memref_slice %arg12[%add3A_12, %dma_wait3A_152] : memref<10240x64xf32, #tpu.memory_space<vmem_shared>> -> memref<128x64xf32, #tpu.memory_space<vmem_shared>>
      %dma_wait3A_154 = arith.constant 0 : i32
      %dma_wait3A_155 = tpu.memref_slice %arg12[%add3A_12, %dma_wait3A_154] : memref<10240x64xf32, #tpu.memory_space<vmem_shared>> -> memref<128x64xf32, #tpu.memory_space<vmem_shared>>
      %dma_wait3A_156 = arith.constant 0 : i32
      %dma_wait3A_157 = arith.constant 0 : i32
      %dma_wait3A_158 = tpu.memref_slice %arg11[%run_scoped3A_13, %dma_wait3A_156, %dma_wait3A_157] : memref<2x128x64xf32, #tpu.memory_space<vmem>> -> memref<1x128x64xf32, #tpu.memory_space<vmem>>
      %dma_wait3A_159 = tpu.memref_squeeze %dma_wait3A_158 : memref<1x128x64xf32, #tpu.memory_space<vmem>> -> memref<128x64xf32, #tpu.memory_space<vmem>>
      tpu.wait_dma2 semaphore(%run_scoped3A_135 : memref<!tpu.dma_semaphore, #tpu.memory_space<semaphore_mem>>) src(%dma_wait3A_159 : memref<128x64xf32, #tpu.memory_space<vmem>>) dst(%dma_wait3A_155 : memref<128x64xf32, #tpu.memory_space<vmem_shared>>)
      tpu.yield
    }) : () -> ()
    %add3A_14 = arith.constant 256 : i32
    %add3A_15 = arith.addi %mul3A_2, %add3A_14 : i32
    %run_scoped3A_16 = arith.constant 0 : i32
    "tpu.region"() ({
      %run_scoped3A_135 = tpu.sem_alloc : memref<!tpu.dma_semaphore, #tpu.memory_space<semaphore_mem>>
      %dma_start3A_136 = arith.constant 0 : i32
      %dma_start3A_137 = arith.constant 0 : i32
      %dma_start3A_138 = tpu.memref_slice %arg11[%run_scoped3A_16, %dma_start3A_136, %dma_start3A_137] : memref<2x128x64xf32, #tpu.memory_space<vmem>> -> memref<1x128x64xf32, #tpu.memory_space<vmem>>
      %dma_start3A_139 = tpu.memref_squeeze %dma_start3A_138 : memref<1x128x64xf32, #tpu.memory_space<vmem>> -> memref<128x64xf32, #tpu.memory_space<vmem>>
      %dma_start3A_140 = arith.constant 0 : i32
      %dma_start3A_141 = tpu.memref_slice %arg12[%add3A_15, %dma_start3A_140] : memref<10240x64xf32, #tpu.memory_space<vmem_shared>> -> memref<128x64xf32, #tpu.memory_space<vmem_shared>>
      %dma_start3A_142 = arith.constant 0 : i32
      %dma_start3A_143 = tpu.memref_slice %arg12[%add3A_15, %dma_start3A_142] : memref<10240x64xf32, #tpu.memory_space<vmem_shared>> -> memref<128x64xf32, #tpu.memory_space<vmem_shared>>
      %dma_start3A_144 = arith.constant 0 : i32
      %dma_start3A_145 = arith.constant 0 : i32
      %dma_start3A_146 = tpu.memref_slice %arg11[%run_scoped3A_16, %dma_start3A_144, %dma_start3A_145] : memref<2x128x64xf32, #tpu.memory_space<vmem>> -> memref<1x128x64xf32, #tpu.memory_space<vmem>>
      %dma_start3A_147 = tpu.memref_squeeze %dma_start3A_146 : memref<1x128x64xf32, #tpu.memory_space<vmem>> -> memref<128x64xf32, #tpu.memory_space<vmem>>
      tpu.enqueue_dma source(%dma_start3A_147 : memref<128x64xf32, #tpu.memory_space<vmem>>) target(%dma_start3A_143 : memref<128x64xf32, #tpu.memory_space<vmem_shared>>) target_semaphore(%run_scoped3A_135 : memref<!tpu.dma_semaphore, #tpu.memory_space<semaphore_mem>>)
      %dma_wait3A_148 = arith.constant 0 : i32
      %dma_wait3A_149 = arith.constant 0 : i32
      %dma_wait3A_150 = tpu.memref_slice %arg11[%run_scoped3A_16, %dma_wait3A_148, %dma_wait3A_149] : memref<2x128x64xf32, #tpu.memory_space<vmem>> -> memref<1x128x64xf32, #tpu.memory_space<vmem>>
      %dma_wait3A_151 = tpu.memref_squeeze %dma_wait3A_150 : memref<1x128x64xf32, #tpu.memory_space<vmem>> -> memref<128x64xf32, #tpu.memory_space<vmem>>
      %dma_wait3A_152 = arith.constant 0 : i32
      %dma_wait3A_153 = tpu.memref_slice %arg12[%add3A_15, %dma_wait3A_152] : memref<10240x64xf32, #tpu.memory_space<vmem_shared>> -> memref<128x64xf32, #tpu.memory_space<vmem_shared>>
      %dma_wait3A_154 = arith.constant 0 : i32
      %dma_wait3A_155 = tpu.memref_slice %arg12[%add3A_15, %dma_wait3A_154] : memref<10240x64xf32, #tpu.memory_space<vmem_shared>> -> memref<128x64xf32, #tpu.memory_space<vmem_shared>>
      %dma_wait3A_156 = arith.constant 0 : i32
      %dma_wait3A_157 = arith.constant 0 : i32
      %dma_wait3A_158 = tpu.memref_slice %arg11[%run_scoped3A_16, %dma_wait3A_156, %dma_wait3A_157] : memref<2x128x64xf32, #tpu.memory_space<vmem>> -> memref<1x128x64xf32, #tpu.memory_space<vmem>>
      %dma_wait3A_159 = tpu.memref_squeeze %dma_wait3A_158 : memref<1x128x64xf32, #tpu.memory_space<vmem>> -> memref<128x64xf32, #tpu.memory_space<vmem>>
      tpu.wait_dma2 semaphore(%run_scoped3A_135 : memref<!tpu.dma_semaphore, #tpu.memory_space<semaphore_mem>>) src(%dma_wait3A_159 : memref<128x64xf32, #tpu.memory_space<vmem>>) dst(%dma_wait3A_155 : memref<128x64xf32, #tpu.memory_space<vmem_shared>>)
      tpu.yield
    }) : () -> ()
    %add3A_17 = arith.constant 384 : i32
    %add3A_18 = arith.addi %mul3A_2, %add3A_17 : i32
    %run_scoped3A_19 = arith.constant 0 : i32
    "tpu.region"() ({
      %run_scoped3A_135 = tpu.sem_alloc : memref<!tpu.dma_semaphore, #tpu.memory_space<semaphore_mem>>
      %dma_start3A_136 = arith.constant 0 : i32
      %dma_start3A_137 = arith.constant 0 : i32
      %dma_start3A_138 = tpu.memref_slice %arg11[%run_scoped3A_19, %dma_start3A_136, %dma_start3A_137] : memref<2x128x64xf32, #tpu.memory_space<vmem>> -> memref<1x128x64xf32, #tpu.memory_space<vmem>>
      %dma_start3A_139 = tpu.memref_squeeze %dma_start3A_138 : memref<1x128x64xf32, #tpu.memory_space<vmem>> -> memref<128x64xf32, #tpu.memory_space<vmem>>
      %dma_start3A_140 = arith.constant 0 : i32
      %dma_start3A_141 = tpu.memref_slice %arg12[%add3A_18, %dma_start3A_140] : memref<10240x64xf32, #tpu.memory_space<vmem_shared>> -> memref<128x64xf32, #tpu.memory_space<vmem_shared>>
      %dma_start3A_142 = arith.constant 0 : i32
      %dma_start3A_143 = tpu.memref_slice %arg12[%add3A_18, %dma_start3A_142] : memref<10240x64xf32, #tpu.memory_space<vmem_shared>> -> memref<128x64xf32, #tpu.memory_space<vmem_shared>>
      %dma_start3A_144 = arith.constant 0 : i32
      %dma_start3A_145 = arith.constant 0 : i32
      %dma_start3A_146 = tpu.memref_slice %arg11[%run_scoped3A_19, %dma_start3A_144, %dma_start3A_145] : memref<2x128x64xf32, #tpu.memory_space<vmem>> -> memref<1x128x64xf32, #tpu.memory_space<vmem>>
      %dma_start3A_147 = tpu.memref_squeeze %dma_start3A_146 : memref<1x128x64xf32, #tpu.memory_space<vmem>> -> memref<128x64xf32, #tpu.memory_space<vmem>>
      tpu.enqueue_dma source(%dma_start3A_147 : memref<128x64xf32, #tpu.memory_space<vmem>>) target(%dma_start3A_143 : memref<128x64xf32, #tpu.memory_space<vmem_shared>>) target_semaphore(%run_scoped3A_135 : memref<!tpu.dma_semaphore, #tpu.memory_space<semaphore_mem>>)
      %dma_wait3A_148 = arith.constant 0 : i32
      %dma_wait3A_149 = arith.constant 0 : i32
      %dma_wait3A_150 = tpu.memref_slice %arg11[%run_scoped3A_19, %dma_wait3A_148, %dma_wait3A_149] : memref<2x128x64xf32, #tpu.memory_space<vmem>> -> memref<1x128x64xf32, #tpu.memory_space<vmem>>
      %dma_wait3A_151 = tpu.memref_squeeze %dma_wait3A_150 : memref<1x128x64xf32, #tpu.memory_space<vmem>> -> memref<128x64xf32, #tpu.memory_space<vmem>>
      %dma_wait3A_152 = arith.constant 0 : i32
      %dma_wait3A_153 = tpu.memref_slice %arg12[%add3A_18, %dma_wait3A_152] : memref<10240x64xf32, #tpu.memory_space<vmem_shared>> -> memref<128x64xf32, #tpu.memory_space<vmem_shared>>
      %dma_wait3A_154 = arith.constant 0 : i32
      %dma_wait3A_155 = tpu.memref_slice %arg12[%add3A_18, %dma_wait3A_154] : memref<10240x64xf32, #tpu.memory_space<vmem_shared>> -> memref<128x64xf32, #tpu.memory_space<vmem_shared>>
      %dma_wait3A_156 = arith.constant 0 : i32
      %dma_wait3A_157 = arith.constant 0 : i32
      %dma_wait3A_158 = tpu.memref_slice %arg11[%run_scoped3A_19, %dma_wait3A_156, %dma_wait3A_157] : memref<2x128x64xf32, #tpu.memory_space<vmem>> -> memref<1x128x64xf32, #tpu.memory_space<vmem>>
      %dma_wait3A_159 = tpu.memref_squeeze %dma_wait3A_158 : memref<1x128x64xf32, #tpu.memory_space<vmem>> -> memref<128x64xf32, #tpu.memory_space<vmem>>
      tpu.wait_dma2 semaphore(%run_scoped3A_135 : memref<!tpu.dma_semaphore, #tpu.memory_space<semaphore_mem>>) src(%dma_wait3A_159 : memref<128x64xf32, #tpu.memory_space<vmem>>) dst(%dma_wait3A_155 : memref<128x64xf32, #tpu.memory_space<vmem_shared>>)
      tpu.yield
    }) : () -> ()
    %add3A_20 = arith.constant 512 : i32
    %add3A_21 = arith.addi %mul3A_2, %add3A_20 : i32
    %run_scoped3A_22 = arith.constant 0 : i32
    "tpu.region"() ({
      %run_scoped3A_135 = tpu.sem_alloc : memref<!tpu.dma_semaphore, #tpu.memory_space<semaphore_mem>>
      %dma_start3A_136 = arith.constant 0 : i32
      %dma_start3A_137 = arith.constant 0 : i32
      %dma_start3A_138 = tpu.memref_slice %arg11[%run_scoped3A_22, %dma_start3A_136, %dma_start3A_137] : memref<2x128x64xf32, #tpu.memory_space<vmem>> -> memref<1x128x64xf32, #tpu.memory_space<vmem>>
      %dma_start3A_139 = tpu.memref_squeeze %dma_start3A_138 : memref<1x128x64xf32, #tpu.memory_space<vmem>> -> memref<128x64xf32, #tpu.memory_space<vmem>>
      %dma_start3A_140 = arith.constant 0 : i32
      %dma_start3A_141 = tpu.memref_slice %arg12[%add3A_21, %dma_start3A_140] : memref<10240x64xf32, #tpu.memory_space<vmem_shared>> -> memref<128x64xf32, #tpu.memory_space<vmem_shared>>
      %dma_start3A_142 = arith.constant 0 : i32
      %dma_start3A_143 = tpu.memref_slice %arg12[%add3A_21, %dma_start3A_142] : memref<10240x64xf32, #tpu.memory_space<vmem_shared>> -> memref<128x64xf32, #tpu.memory_space<vmem_shared>>
      %dma_start3A_144 = arith.constant 0 : i32
      %dma_start3A_145 = arith.constant 0 : i32
      %dma_start3A_146 = tpu.memref_slice %arg11[%run_scoped3A_22, %dma_start3A_144, %dma_start3A_145] : memref<2x128x64xf32, #tpu.memory_space<vmem>> -> memref<1x128x64xf32, #tpu.memory_space<vmem>>
      %dma_start3A_147 = tpu.memref_squeeze %dma_start3A_146 : memref<1x128x64xf32, #tpu.memory_space<vmem>> -> memref<128x64xf32, #tpu.memory_space<vmem>>
      tpu.enqueue_dma source(%dma_start3A_147 : memref<128x64xf32, #tpu.memory_space<vmem>>) target(%dma_start3A_143 : memref<128x64xf32, #tpu.memory_space<vmem_shared>>) target_semaphore(%run_scoped3A_135 : memref<!tpu.dma_semaphore, #tpu.memory_space<semaphore_mem>>)
      %dma_wait3A_148 = arith.constant 0 : i32
      %dma_wait3A_149 = arith.constant 0 : i32
      %dma_wait3A_150 = tpu.memref_slice %arg11[%run_scoped3A_22, %dma_wait3A_148, %dma_wait3A_149] : memref<2x128x64xf32, #tpu.memory_space<vmem>> -> memref<1x128x64xf32, #tpu.memory_space<vmem>>
      %dma_wait3A_151 = tpu.memref_squeeze %dma_wait3A_150 : memref<1x128x64xf32, #tpu.memory_space<vmem>> -> memref<128x64xf32, #tpu.memory_space<vmem>>
      %dma_wait3A_152 = arith.constant 0 : i32
      %dma_wait3A_153 = tpu.memref_slice %arg12[%add3A_21, %dma_wait3A_152] : memref<10240x64xf32, #tpu.memory_space<vmem_shared>> -> memref<128x64xf32, #tpu.memory_space<vmem_shared>>
      %dma_wait3A_154 = arith.constant 0 : i32
      %dma_wait3A_155 = tpu.memref_slice %arg12[%add3A_21, %dma_wait3A_154] : memref<10240x64xf32, #tpu.memory_space<vmem_shared>> -> memref<128x64xf32, #tpu.memory_space<vmem_shared>>
      %dma_wait3A_156 = arith.constant 0 : i32
      %dma_wait3A_157 = arith.constant 0 : i32
      %dma_wait3A_158 = tpu.memref_slice %arg11[%run_scoped3A_22, %dma_wait3A_156, %dma_wait3A_157] : memref<2x128x64xf32, #tpu.memory_space<vmem>> -> memref<1x128x64xf32, #tpu.memory_space<vmem>>
      %dma_wait3A_159 = tpu.memref_squeeze %dma_wait3A_158 : memref<1x128x64xf32, #tpu.memory_space<vmem>> -> memref<128x64xf32, #tpu.memory_space<vmem>>
      tpu.wait_dma2 semaphore(%run_scoped3A_135 : memref<!tpu.dma_semaphore, #tpu.memory_space<semaphore_mem>>) src(%dma_wait3A_159 : memref<128x64xf32, #tpu.memory_space<vmem>>) dst(%dma_wait3A_155 : memref<128x64xf32, #tpu.memory_space<vmem_shared>>)
      tpu.yield
    }) : () -> ()
    %mul3A_23 = arith.constant 80 : i32
    %mul3A_24 = arith.muli %add3A, %mul3A_23 : i32
    "tpu.region"() ({
      %run_scoped3A_135 = tpu.sem_alloc : memref<!tpu.dma_semaphore, #tpu.memory_space<semaphore_mem>>
      %dma_start3A_136 = arith.constant 0 : i32
      %dma_start3A_137 = tpu.memref_slice %arg4[%mul3A_24, %dma_start3A_136] : memref<2560x128xi32, #tpu.memory_space<hbm>> -> memref<80x128xi32, #tpu.memory_space<hbm>>
      %dma_start3A_138 = arith.constant 0 : i32
      %dma_start3A_139 = tpu.memref_slice %arg4[%mul3A_24, %dma_start3A_138] : memref<2560x128xi32, #tpu.memory_space<hbm>> -> memref<80x128xi32, #tpu.memory_space<hbm>>
      tpu.enqueue_dma source(%dma_start3A_139 : memref<80x128xi32, #tpu.memory_space<hbm>>) target(%arg7 : memref<80x128xi32, #tpu.memory_space<vmem>>) target_semaphore(%run_scoped3A_135 : memref<!tpu.dma_semaphore, #tpu.memory_space<semaphore_mem>>)
      %dma_wait3A_140 = arith.constant 0 : i32
      %dma_wait3A_141 = tpu.memref_slice %arg4[%mul3A_24, %dma_wait3A_140] : memref<2560x128xi32, #tpu.memory_space<hbm>> -> memref<80x128xi32, #tpu.memory_space<hbm>>
      %dma_wait3A_142 = arith.constant 0 : i32
      %dma_wait3A_143 = tpu.memref_slice %arg4[%mul3A_24, %dma_wait3A_142] : memref<2560x128xi32, #tpu.memory_space<hbm>> -> memref<80x128xi32, #tpu.memory_space<hbm>>
      tpu.wait_dma2 semaphore(%run_scoped3A_135 : memref<!tpu.dma_semaphore, #tpu.memory_space<semaphore_mem>>) src(%dma_wait3A_143 : memref<80x128xi32, #tpu.memory_space<hbm>>) dst(%arg7 : memref<80x128xi32, #tpu.memory_space<vmem>>)
      tpu.yield
    }) : () -> ()
    %mul3A_25 = arith.constant 80 : i32
    %mul3A_26 = arith.muli %add3A, %mul3A_25 : i32
    "tpu.region"() ({
      %run_scoped3A_135 = tpu.sem_alloc : memref<!tpu.dma_semaphore, #tpu.memory_space<semaphore_mem>>
      %dma_start3A_136 = arith.constant 0 : i32
      %dma_start3A_137 = tpu.memref_slice %arg5[%mul3A_26, %dma_start3A_136] : memref<2560x128xi32, #tpu.memory_space<hbm>> -> memref<80x128xi32, #tpu.memory_space<hbm>>
      %dma_start3A_138 = arith.constant 0 : i32
      %dma_start3A_139 = tpu.memref_slice %arg5[%mul3A_26, %dma_start3A_138] : memref<2560x128xi32, #tpu.memory_space<hbm>> -> memref<80x128xi32, #tpu.memory_space<hbm>>
      tpu.enqueue_dma source(%dma_start3A_139 : memref<80x128xi32, #tpu.memory_space<hbm>>) target(%arg8 : memref<80x128xi32, #tpu.memory_space<vmem>>) target_semaphore(%run_scoped3A_135 : memref<!tpu.dma_semaphore, #tpu.memory_space<semaphore_mem>>)
      %dma_wait3A_140 = arith.constant 0 : i32
      %dma_wait3A_141 = tpu.memref_slice %arg5[%mul3A_26, %dma_wait3A_140] : memref<2560x128xi32, #tpu.memory_space<hbm>> -> memref<80x128xi32, #tpu.memory_space<hbm>>
      %dma_wait3A_142 = arith.constant 0 : i32
      %dma_wait3A_143 = tpu.memref_slice %arg5[%mul3A_26, %dma_wait3A_142] : memref<2560x128xi32, #tpu.memory_space<hbm>> -> memref<80x128xi32, #tpu.memory_space<hbm>>
      tpu.wait_dma2 semaphore(%run_scoped3A_135 : memref<!tpu.dma_semaphore, #tpu.memory_space<semaphore_mem>>) src(%dma_wait3A_143 : memref<80x128xi32, #tpu.memory_space<hbm>>) dst(%arg8 : memref<80x128xi32, #tpu.memory_space<vmem>>)
      tpu.yield
    }) : () -> ()
    %barrier3A = arith.constant 0 : index
    tpu.barrier barrier_id(%barrier3A)
    %dma_start3A = arith.constant 0 : i32
    %dma_start3A_27 = arith.constant 0 : i32
    %dma_start3A_28 = arith.constant 0 : i32
    %dma_start3A_29 = arith.constant 0 : i32
    %dma_start3A_30 = tpu.memref_slice %arg9[%dma_start3A_27, %dma_start3A_28, %dma_start3A_29] : memref<2x128x64xbf16, #tpu.memory_space<vmem>> -> memref<1x128x64xbf16, #tpu.memory_space<vmem>>
    %dma_start3A_31 = tpu.memref_squeeze %dma_start3A_30 : memref<1x128x64xbf16, #tpu.memory_space<vmem>> -> memref<128x64xbf16, #tpu.memory_space<vmem>>
    %dma_start3A_32 = arith.constant 0 : i32
    %dma_start3A_33 = tpu.memref_slice %arg7[%dma_start3A, %dma_start3A_32] : memref<80x128xi32, #tpu.memory_space<vmem>> -> memref<1x128xi32, #tpu.memory_space<vmem>>
    %dma_start3A_34 = tpu.memref_squeeze %dma_start3A_33 : memref<1x128xi32, #tpu.memory_space<vmem>> -> memref<128xi32, #tpu.memory_space<vmem>>
    %dma_start3A_35 = arith.constant 0 : i32
    %dma_start3A_36 = arith.constant 0 : i32
    %dma_start3A_37 = tpu.memref_slice %arg2[%dma_start3A_35, %dma_start3A_36] : memref<10240x64xbf16, #tpu.memory_space<hbm>> -> memref<10240x64xbf16, #tpu.memory_space<hbm>>
    tpu.enqueue_indirect_dma source(%dma_start3A_37 : memref<10240x64xbf16, #tpu.memory_space<hbm>>) target(%dma_start3A_31 : memref<128x64xbf16, #tpu.memory_space<vmem>>) offsets(%dma_start3A_34 : memref<128xi32, #tpu.memory_space<vmem>>) semaphore(%arg13 : memref<!tpu.dma_semaphore, #tpu.memory_space<semaphore_mem>>)
    %dma_start3A_38 = arith.constant 0 : i32
    %dma_start3A_39 = arith.constant 0 : i32
    %dma_start3A_40 = arith.constant 0 : i32
    %dma_start3A_41 = arith.constant 0 : i32
    %dma_start3A_42 = tpu.memref_slice %arg10[%dma_start3A_39, %dma_start3A_40, %dma_start3A_41] : memref<2x128x64xbf16, #tpu.memory_space<vmem>> -> memref<1x128x64xbf16, #tpu.memory_space<vmem>>
    %dma_start3A_43 = tpu.memref_squeeze %dma_start3A_42 : memref<1x128x64xbf16, #tpu.memory_space<vmem>> -> memref<128x64xbf16, #tpu.memory_space<vmem>>
    %dma_start3A_44 = arith.constant 0 : i32
    %dma_start3A_45 = tpu.memref_slice %arg8[%dma_start3A_38, %dma_start3A_44] : memref<80x128xi32, #tpu.memory_space<vmem>> -> memref<1x128xi32, #tpu.memory_space<vmem>>
    %dma_start3A_46 = tpu.memref_squeeze %dma_start3A_45 : memref<1x128xi32, #tpu.memory_space<vmem>> -> memref<128xi32, #tpu.memory_space<vmem>>
    %dma_start3A_47 = arith.constant 0 : i32
    %dma_start3A_48 = arith.constant 0 : i32
    %dma_start3A_49 = tpu.memref_slice %arg3[%dma_start3A_47, %dma_start3A_48] : memref<10240x64xbf16, #tpu.memory_space<hbm>> -> memref<10240x64xbf16, #tpu.memory_space<hbm>>
    tpu.enqueue_indirect_dma source(%dma_start3A_49 : memref<10240x64xbf16, #tpu.memory_space<hbm>>) target(%dma_start3A_43 : memref<128x64xbf16, #tpu.memory_space<vmem>>) offsets(%dma_start3A_46 : memref<128xi32, #tpu.memory_space<vmem>>) semaphore(%arg15 : memref<!tpu.dma_semaphore, #tpu.memory_space<semaphore_mem>>)
    %dma_start3A_50 = arith.constant 1 : i32
    %dma_start3A_51 = arith.constant 1 : i32
    %dma_start3A_52 = arith.constant 0 : i32
    %dma_start3A_53 = arith.constant 0 : i32
    %dma_start3A_54 = tpu.memref_slice %arg9[%dma_start3A_51, %dma_start3A_52, %dma_start3A_53] : memref<2x128x64xbf16, #tpu.memory_space<vmem>> -> memref<1x128x64xbf16, #tpu.memory_space<vmem>>
    %dma_start3A_55 = tpu.memref_squeeze %dma_start3A_54 : memref<1x128x64xbf16, #tpu.memory_space<vmem>> -> memref<128x64xbf16, #tpu.memory_space<vmem>>
    %dma_start3A_56 = arith.constant 0 : i32
    %dma_start3A_57 = tpu.memref_slice %arg7[%dma_start3A_50, %dma_start3A_56] : memref<80x128xi32, #tpu.memory_space<vmem>> -> memref<1x128xi32, #tpu.memory_space<vmem>>
    %dma_start3A_58 = tpu.memref_squeeze %dma_start3A_57 : memref<1x128xi32, #tpu.memory_space<vmem>> -> memref<128xi32, #tpu.memory_space<vmem>>
    %dma_start3A_59 = arith.constant 0 : i32
    %dma_start3A_60 = arith.constant 0 : i32
    %dma_start3A_61 = tpu.memref_slice %arg2[%dma_start3A_59, %dma_start3A_60] : memref<10240x64xbf16, #tpu.memory_space<hbm>> -> memref<10240x64xbf16, #tpu.memory_space<hbm>>
    tpu.enqueue_indirect_dma source(%dma_start3A_61 : memref<10240x64xbf16, #tpu.memory_space<hbm>>) target(%dma_start3A_55 : memref<128x64xbf16, #tpu.memory_space<vmem>>) offsets(%dma_start3A_58 : memref<128xi32, #tpu.memory_space<vmem>>) semaphore(%arg14 : memref<!tpu.dma_semaphore, #tpu.memory_space<semaphore_mem>>)
    %dma_start3A_62 = arith.constant 1 : i32
    %dma_start3A_63 = arith.constant 1 : i32
    %dma_start3A_64 = arith.constant 0 : i32
    %dma_start3A_65 = arith.constant 0 : i32
    %dma_start3A_66 = tpu.memref_slice %arg10[%dma_start3A_63, %dma_start3A_64, %dma_start3A_65] : memref<2x128x64xbf16, #tpu.memory_space<vmem>> -> memref<1x128x64xbf16, #tpu.memory_space<vmem>>
    %dma_start3A_67 = tpu.memref_squeeze %dma_start3A_66 : memref<1x128x64xbf16, #tpu.memory_space<vmem>> -> memref<128x64xbf16, #tpu.memory_space<vmem>>
    %dma_start3A_68 = arith.constant 0 : i32
    %dma_start3A_69 = tpu.memref_slice %arg8[%dma_start3A_62, %dma_start3A_68] : memref<80x128xi32, #tpu.memory_space<vmem>> -> memref<1x128xi32, #tpu.memory_space<vmem>>
    %dma_start3A_70 = tpu.memref_squeeze %dma_start3A_69 : memref<1x128xi32, #tpu.memory_space<vmem>> -> memref<128xi32, #tpu.memory_space<vmem>>
    %dma_start3A_71 = arith.constant 0 : i32
    %dma_start3A_72 = arith.constant 0 : i32
    %dma_start3A_73 = tpu.memref_slice %arg3[%dma_start3A_71, %dma_start3A_72] : memref<10240x64xbf16, #tpu.memory_space<hbm>> -> memref<10240x64xbf16, #tpu.memory_space<hbm>>
    tpu.enqueue_indirect_dma source(%dma_start3A_73 : memref<10240x64xbf16, #tpu.memory_space<hbm>>) target(%dma_start3A_67 : memref<128x64xbf16, #tpu.memory_space<vmem>>) offsets(%dma_start3A_70 : memref<128xi32, #tpu.memory_space<vmem>>) semaphore(%arg16 : memref<!tpu.dma_semaphore, #tpu.memory_space<semaphore_mem>>)
    %scan3A_74 = arith.constant 0 : i32
    %scan3A_75 = arith.constant 0 : i32
    %scan3A_76 = arith.constant 40 : i32
    %scan3A_77 = arith.addi %scan3A_75, %scan3A_76 : i32
    %scan3A_78 = arith.constant 1 : i32
    %scan3A_79 = scf.for %scan3A_135 = %scan3A_75 to %scan3A_77 step %scan3A_78 iter_args(%scan3A_136 = %scan3A_74) -> (i32)  : i32 {
      %mul3A_137 = arith.constant 2 : i32
      %mul3A_138 = arith.muli %mul3A_137, %scan3A_135 : i32
      %add3A_139 = arith.constant 0 : i32
      %add3A_140 = arith.addi %mul3A_138, %add3A_139 : i32
      %dma_wait3A_141 = arith.constant 0 : i32
      %dma_wait3A_142 = arith.constant 0 : i32
      %dma_wait3A_143 = arith.constant 0 : i32
      %dma_wait3A_144 = tpu.memref_slice %arg9[%dma_wait3A_141, %dma_wait3A_142, %dma_wait3A_143] : memref<2x128x64xbf16, #tpu.memory_space<vmem>> -> memref<1x128x64xbf16, #tpu.memory_space<vmem>>
      %dma_wait3A_145 = tpu.memref_squeeze %dma_wait3A_144 : memref<1x128x64xbf16, #tpu.memory_space<vmem>> -> memref<128x64xbf16, #tpu.memory_space<vmem>>
      %dma_wait3A_146 = arith.constant 0 : i32
      %dma_wait3A_147 = tpu.memref_slice %arg7[%add3A_140, %dma_wait3A_146] : memref<80x128xi32, #tpu.memory_space<vmem>> -> memref<1x128xi32, #tpu.memory_space<vmem>>
      %dma_wait3A_148 = tpu.memref_squeeze %dma_wait3A_147 : memref<1x128xi32, #tpu.memory_space<vmem>> -> memref<128xi32, #tpu.memory_space<vmem>>
      %dma_wait3A_149 = arith.constant 0 : i32
      %dma_wait3A_150 = arith.constant 0 : i32
      %dma_wait3A_151 = tpu.memref_slice %arg2[%dma_wait3A_149, %dma_wait3A_150] : memref<10240x64xbf16, #tpu.memory_space<hbm>> -> memref<10240x64xbf16, #tpu.memory_space<hbm>>
      tpu.wait_indirect_dma semaphore(%arg13 : memref<!tpu.dma_semaphore, #tpu.memory_space<semaphore_mem>>) src(%dma_wait3A_151 : memref<10240x64xbf16, #tpu.memory_space<hbm>>) dst(%dma_wait3A_145 : memref<128x64xbf16, #tpu.memory_space<vmem>>)
      %dma_wait3A_152 = arith.constant 0 : i32
      %dma_wait3A_153 = arith.constant 0 : i32
      %dma_wait3A_154 = arith.constant 0 : i32
      %dma_wait3A_155 = tpu.memref_slice %arg10[%dma_wait3A_152, %dma_wait3A_153, %dma_wait3A_154] : memref<2x128x64xbf16, #tpu.memory_space<vmem>> -> memref<1x128x64xbf16, #tpu.memory_space<vmem>>
      %dma_wait3A_156 = tpu.memref_squeeze %dma_wait3A_155 : memref<1x128x64xbf16, #tpu.memory_space<vmem>> -> memref<128x64xbf16, #tpu.memory_space<vmem>>
      %dma_wait3A_157 = arith.constant 0 : i32
      %dma_wait3A_158 = tpu.memref_slice %arg8[%add3A_140, %dma_wait3A_157] : memref<80x128xi32, #tpu.memory_space<vmem>> -> memref<1x128xi32, #tpu.memory_space<vmem>>
      %dma_wait3A_159 = tpu.memref_squeeze %dma_wait3A_158 : memref<1x128xi32, #tpu.memory_space<vmem>> -> memref<128xi32, #tpu.memory_space<vmem>>
      %dma_wait3A_160 = arith.constant 0 : i32
      %dma_wait3A_161 = arith.constant 0 : i32
      %dma_wait3A_162 = tpu.memref_slice %arg3[%dma_wait3A_160, %dma_wait3A_161] : memref<10240x64xbf16, #tpu.memory_space<hbm>> -> memref<10240x64xbf16, #tpu.memory_space<hbm>>
      tpu.wait_indirect_dma semaphore(%arg15 : memref<!tpu.dma_semaphore, #tpu.memory_space<semaphore_mem>>) src(%dma_wait3A_162 : memref<10240x64xbf16, #tpu.memory_space<hbm>>) dst(%dma_wait3A_156 : memref<128x64xbf16, #tpu.memory_space<vmem>>)
      %ge3A = arith.constant 2 : i32
      %ge3A_163 = arith.cmpi sge, %add3A_140, %ge3A : i32
      %convert_element_type3A = arith.extui %ge3A_163 : i1 to i32
      %cond3A = arith.constant 0 : i32
      %cond3A_164 = arith.cmpi ne, %convert_element_type3A, %cond3A : i32
      scf.if %cond3A_164 {
        %dma_wait3A_246 = arith.constant 0 : i32
        %dma_wait3A_247 = arith.constant 0 : i32
        %dma_wait3A_248 = arith.constant 0 : i32
        %dma_wait3A_249 = tpu.memref_slice %arg11[%dma_wait3A_246, %dma_wait3A_247, %dma_wait3A_248] : memref<2x128x64xf32, #tpu.memory_space<vmem>> -> memref<1x128x64xf32, #tpu.memory_space<vmem>>
        %dma_wait3A_250 = tpu.memref_squeeze %dma_wait3A_249 : memref<1x128x64xf32, #tpu.memory_space<vmem>> -> memref<128x64xf32, #tpu.memory_space<vmem>>
        %dma_wait3A_251 = arith.constant 0 : i32
        %dma_wait3A_252 = tpu.memref_slice %arg8[%add3A_140, %dma_wait3A_251] : memref<80x128xi32, #tpu.memory_space<vmem>> -> memref<1x128xi32, #tpu.memory_space<vmem>>
        %dma_wait3A_253 = tpu.memref_squeeze %dma_wait3A_252 : memref<1x128xi32, #tpu.memory_space<vmem>> -> memref<128xi32, #tpu.memory_space<vmem>>
        %dma_wait3A_254 = arith.constant 0 : i32
        %dma_wait3A_255 = arith.constant 0 : i32
        %dma_wait3A_256 = tpu.memref_slice %arg12[%dma_wait3A_254, %dma_wait3A_255] : memref<10240x64xf32, #tpu.memory_space<vmem_shared>> -> memref<10240x64xf32, #tpu.memory_space<vmem_shared>>
        tpu.wait_indirect_dma semaphore(%arg17 : memref<!tpu.dma_semaphore, #tpu.memory_space<semaphore_mem>>) src(%dma_wait3A_250 : memref<128x64xf32, #tpu.memory_space<vmem>>) dst(%dma_wait3A_256 : memref<10240x64xf32, #tpu.memory_space<vmem_shared>>)
      } else {
      }
      %scan3A_165 = arith.constant 0 : i32
      %scan3A_166 = arith.constant 0 : i32
      %scan3A_167 = arith.constant 128 : i32
      %scan3A_168 = arith.addi %scan3A_166, %scan3A_167 : i32
      %scan3A_169 = arith.constant 1 : i32
      %scan3A_170 = scf.for %scan3A_246 = %scan3A_166 to %scan3A_168 step %scan3A_169 iter_args(%scan3A_247 = %scan3A_165) -> (i32)  : i32 {
        %get3A = arith.constant 0 : i32
        %get3A_248 = arith.index_cast %get3A : i32 to index
        %get3A_249 = arith.index_cast %scan3A_246 : i32 to index
        %get3A_250 = arith.constant 0 : index
        %get3A_251 = tpu.vector_load %arg9[%get3A_248, %get3A_249, %get3A_250] {strides = array<i32>} : memref<2x128x64xbf16, #tpu.memory_space<vmem>>, vector<32xbf16>,
        %get3A_252 = arith.constant 0 : i32
        %get3A_253 = arith.index_cast %get3A_252 : i32 to index
        %get3A_254 = arith.index_cast %scan3A_246 : i32 to index
        %get3A_255 = arith.constant 0 : index
        %get3A_256 = tpu.vector_load %arg10[%get3A_253, %get3A_254, %get3A_255] {strides = array<i32>} : memref<2x128x64xbf16, #tpu.memory_space<vmem>>, vector<32xbf16>,
        %add3A_257 = arith.addf %get3A_251, %get3A_256 : vector<32xbf16>
        %broadcast_in_dim3A = arith.constant 0.000000e+00 : bf16
        %broadcast_in_dim3A_258 = vector.broadcast %broadcast_in_dim3A : bf16 to vector<32xbf16>
        %max3A = arith.maximumf %add3A_257, %broadcast_in_dim3A_258 : vector<32xbf16>
        %unpack3A = tpu.unpack_subelements %max3A, 0 {pack_format = #tpu.pack_format<interleaved>} : vector<32xbf16> -> vector<16xf32>
        %unpack3A_259 = tpu.unpack_subelements %max3A, 1 {pack_format = #tpu.pack_format<interleaved>} : vector<32xbf16> -> vector<16xf32>
        %swap3A = arith.constant 0 : i32
        %swap3A_260 = arith.index_cast %swap3A : i32 to index
        %swap3A_261 = arith.index_cast %scan3A_246 : i32 to index
        %swap3A_262 = arith.constant 0 : index
        %swap3A_263 = tpu.vector_load %arg11[%swap3A_260, %swap3A_261, %swap3A_262] {strides = array<i32>} : memref<2x128x64xf32, #tpu.memory_space<vmem>>, vector<16xf32>,
        tpu.vector_store %arg11[%swap3A_260, %swap3A_261, %swap3A_262], %unpack3A {strides = array<i32>} : memref<2x128x64xf32, #tpu.memory_space<vmem>>, vector<16xf32>,
        %swap3A_264 = arith.constant 0 : i32
        %swap3A_265 = arith.index_cast %swap3A_264 : i32 to index
        %swap3A_266 = arith.index_cast %scan3A_246 : i32 to index
        %swap3A_267 = arith.constant 16 : index
        %swap3A_268 = tpu.vector_load %arg11[%swap3A_265, %swap3A_266, %swap3A_267] {strides = array<i32>} : memref<2x128x64xf32, #tpu.memory_space<vmem>>, vector<16xf32>,
        tpu.vector_store %arg11[%swap3A_265, %swap3A_266, %swap3A_267], %unpack3A_259 {strides = array<i32>} : memref<2x128x64xf32, #tpu.memory_space<vmem>>, vector<16xf32>,
        %get3A_269 = arith.constant 0 : i32
        %get3A_270 = arith.index_cast %get3A_269 : i32 to index
        %get3A_271 = arith.index_cast %scan3A_246 : i32 to index
        %get3A_272 = arith.constant 32 : index
        %get3A_273 = tpu.vector_load %arg9[%get3A_270, %get3A_271, %get3A_272] {strides = array<i32>} : memref<2x128x64xbf16, #tpu.memory_space<vmem>>, vector<32xbf16>,
        %get3A_274 = arith.constant 0 : i32
        %get3A_275 = arith.index_cast %get3A_274 : i32 to index
        %get3A_276 = arith.index_cast %scan3A_246 : i32 to index
        %get3A_277 = arith.constant 32 : index
        %get3A_278 = tpu.vector_load %arg10[%get3A_275, %get3A_276, %get3A_277] {strides = array<i32>} : memref<2x128x64xbf16, #tpu.memory_space<vmem>>, vector<32xbf16>,
        %add3A_279 = arith.addf %get3A_273, %get3A_278 : vector<32xbf16>
        %broadcast_in_dim3A_280 = arith.constant 0.000000e+00 : bf16
        %broadcast_in_dim3A_281 = vector.broadcast %broadcast_in_dim3A_280 : bf16 to vector<32xbf16>
        %max3A_282 = arith.maximumf %add3A_279, %broadcast_in_dim3A_281 : vector<32xbf16>
        %unpack3A_283 = tpu.unpack_subelements %max3A_282, 0 {pack_format = #tpu.pack_format<interleaved>} : vector<32xbf16> -> vector<16xf32>
        %unpack3A_284 = tpu.unpack_subelements %max3A_282, 1 {pack_format = #tpu.pack_format<interleaved>} : vector<32xbf16> -> vector<16xf32>
        %swap3A_285 = arith.constant 0 : i32
        %swap3A_286 = arith.index_cast %swap3A_285 : i32 to index
        %swap3A_287 = arith.index_cast %scan3A_246 : i32 to index
        %swap3A_288 = arith.constant 32 : index
        %swap3A_289 = tpu.vector_load %arg11[%swap3A_286, %swap3A_287, %swap3A_288] {strides = array<i32>} : memref<2x128x64xf32, #tpu.memory_space<vmem>>, vector<16xf32>,
        tpu.vector_store %arg11[%swap3A_286, %swap3A_287, %swap3A_288], %unpack3A_283 {strides = array<i32>} : memref<2x128x64xf32, #tpu.memory_space<vmem>>, vector<16xf32>,
        %swap3A_290 = arith.constant 0 : i32
        %swap3A_291 = arith.index_cast %swap3A_290 : i32 to index
        %swap3A_292 = arith.index_cast %scan3A_246 : i32 to index
        %swap3A_293 = arith.constant 48 : index
        %swap3A_294 = tpu.vector_load %arg11[%swap3A_291, %swap3A_292, %swap3A_293] {strides = array<i32>} : memref<2x128x64xf32, #tpu.memory_space<vmem>>, vector<16xf32>,
        tpu.vector_store %arg11[%swap3A_291, %swap3A_292, %swap3A_293], %unpack3A_284 {strides = array<i32>} : memref<2x128x64xf32, #tpu.memory_space<vmem>>, vector<16xf32>,
        %scan3A_295 = arith.constant 0 : i32
        scf.yield %scan3A_295 : i32
      }
      %scan3A_171 = arith.constant 128 : i32
      %add3A_172 = arith.constant 2 : i32
      %add3A_173 = arith.addi %add3A_140, %add3A_172 : i32
      %lt3A = arith.constant 80 : i32
      %lt3A_174 = arith.cmpi slt, %add3A_173, %lt3A : i32
      %convert_element_type3A_175 = arith.extui %lt3A_174 : i1 to i32
      %cond3A_176 = arith.constant 0 : i32
      %cond3A_177 = arith.cmpi ne, %convert_element_type3A_175, %cond3A_176 : i32
      scf.if %cond3A_177 {
        %add3A_246 = arith.constant 2 : i32
        %add3A_247 = arith.addi %add3A_140, %add3A_246 : i32
        %dma_start3A_248 = arith.constant 0 : i32
        %dma_start3A_249 = arith.constant 0 : i32
        %dma_start3A_250 = arith.constant 0 : i32
        %dma_start3A_251 = tpu.memref_slice %arg9[%dma_start3A_248, %dma_start3A_249, %dma_start3A_250] : memref<2x128x64xbf16, #tpu.memory_space<vmem>> -> memref<1x128x64xbf16, #tpu.memory_space<vmem>>
        %dma_start3A_252 = tpu.memref_squeeze %dma_start3A_251 : memref<1x128x64xbf16, #tpu.memory_space<vmem>> -> memref<128x64xbf16, #tpu.memory_space<vmem>>
        %dma_start3A_253 = arith.constant 0 : i32
        %dma_start3A_254 = tpu.memref_slice %arg7[%add3A_247, %dma_start3A_253] : memref<80x128xi32, #tpu.memory_space<vmem>> -> memref<1x128xi32, #tpu.memory_space<vmem>>
        %dma_start3A_255 = tpu.memref_squeeze %dma_start3A_254 : memref<1x128xi32, #tpu.memory_space<vmem>> -> memref<128xi32, #tpu.memory_space<vmem>>
        %dma_start3A_256 = arith.constant 0 : i32
        %dma_start3A_257 = arith.constant 0 : i32
        %dma_start3A_258 = tpu.memref_slice %arg2[%dma_start3A_256, %dma_start3A_257] : memref<10240x64xbf16, #tpu.memory_space<hbm>> -> memref<10240x64xbf16, #tpu.memory_space<hbm>>
        tpu.enqueue_indirect_dma source(%dma_start3A_258 : memref<10240x64xbf16, #tpu.memory_space<hbm>>) target(%dma_start3A_252 : memref<128x64xbf16, #tpu.memory_space<vmem>>) offsets(%dma_start3A_255 : memref<128xi32, #tpu.memory_space<vmem>>) semaphore(%arg13 : memref<!tpu.dma_semaphore, #tpu.memory_space<semaphore_mem>>)
        %dma_start3A_259 = arith.constant 0 : i32
        %dma_start3A_260 = arith.constant 0 : i32
        %dma_start3A_261 = arith.constant 0 : i32
        %dma_start3A_262 = tpu.memref_slice %arg10[%dma_start3A_259, %dma_start3A_260, %dma_start3A_261] : memref<2x128x64xbf16, #tpu.memory_space<vmem>> -> memref<1x128x64xbf16, #tpu.memory_space<vmem>>
        %dma_start3A_263 = tpu.memref_squeeze %dma_start3A_262 : memref<1x128x64xbf16, #tpu.memory_space<vmem>> -> memref<128x64xbf16, #tpu.memory_space<vmem>>
        %dma_start3A_264 = arith.constant 0 : i32
        %dma_start3A_265 = tpu.memref_slice %arg8[%add3A_247, %dma_start3A_264] : memref<80x128xi32, #tpu.memory_space<vmem>> -> memref<1x128xi32, #tpu.memory_space<vmem>>
        %dma_start3A_266 = tpu.memref_squeeze %dma_start3A_265 : memref<1x128xi32, #tpu.memory_space<vmem>> -> memref<128xi32, #tpu.memory_space<vmem>>
        %dma_start3A_267 = arith.constant 0 : i32
        %dma_start3A_268 = arith.constant 0 : i32
        %dma_start3A_269 = tpu.memref_slice %arg3[%dma_start3A_267, %dma_start3A_268] : memref<10240x64xbf16, #tpu.memory_space<hbm>> -> memref<10240x64xbf16, #tpu.memory_space<hbm>>
        tpu.enqueue_indirect_dma source(%dma_start3A_269 : memref<10240x64xbf16, #tpu.memory_space<hbm>>) target(%dma_start3A_263 : memref<128x64xbf16, #tpu.memory_space<vmem>>) offsets(%dma_start3A_266 : memref<128xi32, #tpu.memory_space<vmem>>) semaphore(%arg15 : memref<!tpu.dma_semaphore, #tpu.memory_space<semaphore_mem>>)
      } else {
      }
      %dma_start3A_178 = arith.constant 0 : i32
      %dma_start3A_179 = arith.constant 0 : i32
      %dma_start3A_180 = arith.constant 0 : i32
      %dma_start3A_181 = tpu.memref_slice %arg11[%dma_start3A_178, %dma_start3A_179, %dma_start3A_180] : memref<2x128x64xf32, #tpu.memory_space<vmem>> -> memref<1x128x64xf32, #tpu.memory_space<vmem>>
      %dma_start3A_182 = tpu.memref_squeeze %dma_start3A_181 : memref<1x128x64xf32, #tpu.memory_space<vmem>> -> memref<128x64xf32, #tpu.memory_space<vmem>>
      %dma_start3A_183 = arith.constant 0 : i32
      %dma_start3A_184 = tpu.memref_slice %arg8[%add3A_140, %dma_start3A_183] : memref<80x128xi32, #tpu.memory_space<vmem>> -> memref<1x128xi32, #tpu.memory_space<vmem>>
      %dma_start3A_185 = tpu.memref_squeeze %dma_start3A_184 : memref<1x128xi32, #tpu.memory_space<vmem>> -> memref<128xi32, #tpu.memory_space<vmem>>
      %dma_start3A_186 = arith.constant 0 : i32
      %dma_start3A_187 = arith.constant 0 : i32
      %dma_start3A_188 = tpu.memref_slice %arg12[%dma_start3A_186, %dma_start3A_187] : memref<10240x64xf32, #tpu.memory_space<vmem_shared>> -> memref<10240x64xf32, #tpu.memory_space<vmem_shared>>
      tpu.enqueue_indirect_dma source(%dma_start3A_182 : memref<128x64xf32, #tpu.memory_space<vmem>>) target(%dma_start3A_188 : memref<10240x64xf32, #tpu.memory_space<vmem_shared>>) offsets(%dma_start3A_185 : memref<128xi32, #tpu.memory_space<vmem>>) semaphore(%arg17 : memref<!tpu.dma_semaphore, #tpu.memory_space<semaphore_mem>>) {add = true}
      %mul3A_189 = arith.constant 2 : i32
      %mul3A_190 = arith.muli %mul3A_189, %scan3A_135 : i32
      %add3A_191 = arith.constant 1 : i32
      %add3A_192 = arith.addi %mul3A_190, %add3A_191 : i32
      %dma_wait3A_193 = arith.constant 1 : i32
      %dma_wait3A_194 = arith.constant 0 : i32
      %dma_wait3A_195 = arith.constant 0 : i32
      %dma_wait3A_196 = tpu.memref_slice %arg9[%dma_wait3A_193, %dma_wait3A_194, %dma_wait3A_195] : memref<2x128x64xbf16, #tpu.memory_space<vmem>> -> memref<1x128x64xbf16, #tpu.memory_space<vmem>>
      %dma_wait3A_197 = tpu.memref_squeeze %dma_wait3A_196 : memref<1x128x64xbf16, #tpu.memory_space<vmem>> -> memref<128x64xbf16, #tpu.memory_space<vmem>>
      %dma_wait3A_198 = arith.constant 0 : i32
      %dma_wait3A_199 = tpu.memref_slice %arg7[%add3A_192, %dma_wait3A_198] : memref<80x128xi32, #tpu.memory_space<vmem>> -> memref<1x128xi32, #tpu.memory_space<vmem>>
      %dma_wait3A_200 = tpu.memref_squeeze %dma_wait3A_199 : memref<1x128xi32, #tpu.memory_space<vmem>> -> memref<128xi32, #tpu.memory_space<vmem>>
      %dma_wait3A_201 = arith.constant 0 : i32
      %dma_wait3A_202 = arith.constant 0 : i32
      %dma_wait3A_203 = tpu.memref_slice %arg2[%dma_wait3A_201, %dma_wait3A_202] : memref<10240x64xbf16, #tpu.memory_space<hbm>> -> memref<10240x64xbf16, #tpu.memory_space<hbm>>
      tpu.wait_indirect_dma semaphore(%arg14 : memref<!tpu.dma_semaphore, #tpu.memory_space<semaphore_mem>>) src(%dma_wait3A_203 : memref<10240x64xbf16, #tpu.memory_space<hbm>>) dst(%dma_wait3A_197 : memref<128x64xbf16, #tpu.memory_space<vmem>>)
      %dma_wait3A_204 = arith.constant 1 : i32
      %dma_wait3A_205 = arith.constant 0 : i32
      %dma_wait3A_206 = arith.constant 0 : i32
      %dma_wait3A_207 = tpu.memref_slice %arg10[%dma_wait3A_204, %dma_wait3A_205, %dma_wait3A_206] : memref<2x128x64xbf16, #tpu.memory_space<vmem>> -> memref<1x128x64xbf16, #tpu.memory_space<vmem>>
      %dma_wait3A_208 = tpu.memref_squeeze %dma_wait3A_207 : memref<1x128x64xbf16, #tpu.memory_space<vmem>> -> memref<128x64xbf16, #tpu.memory_space<vmem>>
      %dma_wait3A_209 = arith.constant 0 : i32
      %dma_wait3A_210 = tpu.memref_slice %arg8[%add3A_192, %dma_wait3A_209] : memref<80x128xi32, #tpu.memory_space<vmem>> -> memref<1x128xi32, #tpu.memory_space<vmem>>
      %dma_wait3A_211 = tpu.memref_squeeze %dma_wait3A_210 : memref<1x128xi32, #tpu.memory_space<vmem>> -> memref<128xi32, #tpu.memory_space<vmem>>
      %dma_wait3A_212 = arith.constant 0 : i32
      %dma_wait3A_213 = arith.constant 0 : i32
      %dma_wait3A_214 = tpu.memref_slice %arg3[%dma_wait3A_212, %dma_wait3A_213] : memref<10240x64xbf16, #tpu.memory_space<hbm>> -> memref<10240x64xbf16, #tpu.memory_space<hbm>>
      tpu.wait_indirect_dma semaphore(%arg16 : memref<!tpu.dma_semaphore, #tpu.memory_space<semaphore_mem>>) src(%dma_wait3A_214 : memref<10240x64xbf16, #tpu.memory_space<hbm>>) dst(%dma_wait3A_208 : memref<128x64xbf16, #tpu.memory_space<vmem>>)
      %ge3A_215 = arith.constant 2 : i32
      %ge3A_216 = arith.cmpi sge, %add3A_192, %ge3A_215 : i32
      %convert_element_type3A_217 = arith.extui %ge3A_216 : i1 to i32
      %cond3A_218 = arith.constant 0 : i32
      %cond3A_219 = arith.cmpi ne, %convert_element_type3A_217, %cond3A_218 : i32
      scf.if %cond3A_219 {
        %dma_wait3A_246 = arith.constant 1 : i32
        %dma_wait3A_247 = arith.constant 0 : i32
        %dma_wait3A_248 = arith.constant 0 : i32
        %dma_wait3A_249 = tpu.memref_slice %arg11[%dma_wait3A_246, %dma_wait3A_247, %dma_wait3A_248] : memref<2x128x64xf32, #tpu.memory_space<vmem>> -> memref<1x128x64xf32, #tpu.memory_space<vmem>>
        %dma_wait3A_250 = tpu.memref_squeeze %dma_wait3A_249 : memref<1x128x64xf32, #tpu.memory_space<vmem>> -> memref<128x64xf32, #tpu.memory_space<vmem>>
        %dma_wait3A_251 = arith.constant 0 : i32
        %dma_wait3A_252 = tpu.memref_slice %arg8[%add3A_192, %dma_wait3A_251] : memref<80x128xi32, #tpu.memory_space<vmem>> -> memref<1x128xi32, #tpu.memory_space<vmem>>
        %dma_wait3A_253 = tpu.memref_squeeze %dma_wait3A_252 : memref<1x128xi32, #tpu.memory_space<vmem>> -> memref<128xi32, #tpu.memory_space<vmem>>
        %dma_wait3A_254 = arith.constant 0 : i32
        %dma_wait3A_255 = arith.constant 0 : i32
        %dma_wait3A_256 = tpu.memref_slice %arg12[%dma_wait3A_254, %dma_wait3A_255] : memref<10240x64xf32, #tpu.memory_space<vmem_shared>> -> memref<10240x64xf32, #tpu.memory_space<vmem_shared>>
        tpu.wait_indirect_dma semaphore(%arg18 : memref<!tpu.dma_semaphore, #tpu.memory_space<semaphore_mem>>) src(%dma_wait3A_250 : memref<128x64xf32, #tpu.memory_space<vmem>>) dst(%dma_wait3A_256 : memref<10240x64xf32, #tpu.memory_space<vmem_shared>>)
      } else {
      }
      %scan3A_220 = arith.constant 0 : i32
      %scan3A_221 = arith.constant 0 : i32
      %scan3A_222 = arith.constant 128 : i32
      %scan3A_223 = arith.addi %scan3A_221, %scan3A_222 : i32
      %scan3A_224 = arith.constant 1 : i32
      %scan3A_225 = scf.for %scan3A_246 = %scan3A_221 to %scan3A_223 step %scan3A_224 iter_args(%scan3A_247 = %scan3A_220) -> (i32)  : i32 {
        %get3A = arith.constant 1 : i32
        %get3A_248 = arith.index_cast %get3A : i32 to index
        %get3A_249 = arith.index_cast %scan3A_246 : i32 to index
        %get3A_250 = arith.constant 0 : index
        %get3A_251 = tpu.vector_load %arg9[%get3A_248, %get3A_249, %get3A_250] {strides = array<i32>} : memref<2x128x64xbf16, #tpu.memory_space<vmem>>, vector<32xbf16>,
        %get3A_252 = arith.constant 1 : i32
        %get3A_253 = arith.index_cast %get3A_252 : i32 to index
        %get3A_254 = arith.index_cast %scan3A_246 : i32 to index
        %get3A_255 = arith.constant 0 : index
        %get3A_256 = tpu.vector_load %arg10[%get3A_253, %get3A_254, %get3A_255] {strides = array<i32>} : memref<2x128x64xbf16, #tpu.memory_space<vmem>>, vector<32xbf16>,
        %add3A_257 = arith.addf %get3A_251, %get3A_256 : vector<32xbf16>
        %broadcast_in_dim3A = arith.constant 0.000000e+00 : bf16
        %broadcast_in_dim3A_258 = vector.broadcast %broadcast_in_dim3A : bf16 to vector<32xbf16>
        %max3A = arith.maximumf %add3A_257, %broadcast_in_dim3A_258 : vector<32xbf16>
        %unpack3A = tpu.unpack_subelements %max3A, 0 {pack_format = #tpu.pack_format<interleaved>} : vector<32xbf16> -> vector<16xf32>
        %unpack3A_259 = tpu.unpack_subelements %max3A, 1 {pack_format = #tpu.pack_format<interleaved>} : vector<32xbf16> -> vector<16xf32>
        %swap3A = arith.constant 1 : i32
        %swap3A_260 = arith.index_cast %swap3A : i32 to index
        %swap3A_261 = arith.index_cast %scan3A_246 : i32 to index
        %swap3A_262 = arith.constant 0 : index
        %swap3A_263 = tpu.vector_load %arg11[%swap3A_260, %swap3A_261, %swap3A_262] {strides = array<i32>} : memref<2x128x64xf32, #tpu.memory_space<vmem>>, vector<16xf32>,
        tpu.vector_store %arg11[%swap3A_260, %swap3A_261, %swap3A_262], %unpack3A {strides = array<i32>} : memref<2x128x64xf32, #tpu.memory_space<vmem>>, vector<16xf32>,
        %swap3A_264 = arith.constant 1 : i32
        %swap3A_265 = arith.index_cast %swap3A_264 : i32 to index
        %swap3A_266 = arith.index_cast %scan3A_246 : i32 to index
        %swap3A_267 = arith.constant 16 : index
        %swap3A_268 = tpu.vector_load %arg11[%swap3A_265, %swap3A_266, %swap3A_267] {strides = array<i32>} : memref<2x128x64xf32, #tpu.memory_space<vmem>>, vector<16xf32>,
        tpu.vector_store %arg11[%swap3A_265, %swap3A_266, %swap3A_267], %unpack3A_259 {strides = array<i32>} : memref<2x128x64xf32, #tpu.memory_space<vmem>>, vector<16xf32>,
        %get3A_269 = arith.constant 1 : i32
        %get3A_270 = arith.index_cast %get3A_269 : i32 to index
        %get3A_271 = arith.index_cast %scan3A_246 : i32 to index
        %get3A_272 = arith.constant 32 : index
        %get3A_273 = tpu.vector_load %arg9[%get3A_270, %get3A_271, %get3A_272] {strides = array<i32>} : memref<2x128x64xbf16, #tpu.memory_space<vmem>>, vector<32xbf16>,
        %get3A_274 = arith.constant 1 : i32
        %get3A_275 = arith.index_cast %get3A_274 : i32 to index
        %get3A_276 = arith.index_cast %scan3A_246 : i32 to index
        %get3A_277 = arith.constant 32 : index
        %get3A_278 = tpu.vector_load %arg10[%get3A_275, %get3A_276, %get3A_277] {strides = array<i32>} : memref<2x128x64xbf16, #tpu.memory_space<vmem>>, vector<32xbf16>,
        %add3A_279 = arith.addf %get3A_273, %get3A_278 : vector<32xbf16>
        %broadcast_in_dim3A_280 = arith.constant 0.000000e+00 : bf16
        %broadcast_in_dim3A_281 = vector.broadcast %broadcast_in_dim3A_280 : bf16 to vector<32xbf16>
        %max3A_282 = arith.maximumf %add3A_279, %broadcast_in_dim3A_281 : vector<32xbf16>
        %unpack3A_283 = tpu.unpack_subelements %max3A_282, 0 {pack_format = #tpu.pack_format<interleaved>} : vector<32xbf16> -> vector<16xf32>
        %unpack3A_284 = tpu.unpack_subelements %max3A_282, 1 {pack_format = #tpu.pack_format<interleaved>} : vector<32xbf16> -> vector<16xf32>
        %swap3A_285 = arith.constant 1 : i32
        %swap3A_286 = arith.index_cast %swap3A_285 : i32 to index
        %swap3A_287 = arith.index_cast %scan3A_246 : i32 to index
        %swap3A_288 = arith.constant 32 : index
        %swap3A_289 = tpu.vector_load %arg11[%swap3A_286, %swap3A_287, %swap3A_288] {strides = array<i32>} : memref<2x128x64xf32, #tpu.memory_space<vmem>>, vector<16xf32>,
        tpu.vector_store %arg11[%swap3A_286, %swap3A_287, %swap3A_288], %unpack3A_283 {strides = array<i32>} : memref<2x128x64xf32, #tpu.memory_space<vmem>>, vector<16xf32>,
        %swap3A_290 = arith.constant 1 : i32
        %swap3A_291 = arith.index_cast %swap3A_290 : i32 to index
        %swap3A_292 = arith.index_cast %scan3A_246 : i32 to index
        %swap3A_293 = arith.constant 48 : index
        %swap3A_294 = tpu.vector_load %arg11[%swap3A_291, %swap3A_292, %swap3A_293] {strides = array<i32>} : memref<2x128x64xf32, #tpu.memory_space<vmem>>, vector<16xf32>,
        tpu.vector_store %arg11[%swap3A_291, %swap3A_292, %swap3A_293], %unpack3A_284 {strides = array<i32>} : memref<2x128x64xf32, #tpu.memory_space<vmem>>, vector<16xf32>,
        %scan3A_295 = arith.constant 0 : i32
        scf.yield %scan3A_295 : i32
      }
      %scan3A_226 = arith.constant 128 : i32
      %add3A_227 = arith.constant 2 : i32
      %add3A_228 = arith.addi %add3A_192, %add3A_227 : i32
      %lt3A_229 = arith.constant 80 : i32
      %lt3A_230 = arith.cmpi slt, %add3A_228, %lt3A_229 : i32
      %convert_element_type3A_231 = arith.extui %lt3A_230 : i1 to i32
      %cond3A_232 = arith.constant 0 : i32
      %cond3A_233 = arith.cmpi ne, %convert_element_type3A_231, %cond3A_232 : i32
      scf.if %cond3A_233 {
        %add3A_246 = arith.constant 2 : i32
        %add3A_247 = arith.addi %add3A_192, %add3A_246 : i32
        %dma_start3A_248 = arith.constant 1 : i32
        %dma_start3A_249 = arith.constant 0 : i32
        %dma_start3A_250 = arith.constant 0 : i32
        %dma_start3A_251 = tpu.memref_slice %arg9[%dma_start3A_248, %dma_start3A_249, %dma_start3A_250] : memref<2x128x64xbf16, #tpu.memory_space<vmem>> -> memref<1x128x64xbf16, #tpu.memory_space<vmem>>
        %dma_start3A_252 = tpu.memref_squeeze %dma_start3A_251 : memref<1x128x64xbf16, #tpu.memory_space<vmem>> -> memref<128x64xbf16, #tpu.memory_space<vmem>>
        %dma_start3A_253 = arith.constant 0 : i32
        %dma_start3A_254 = tpu.memref_slice %arg7[%add3A_247, %dma_start3A_253] : memref<80x128xi32, #tpu.memory_space<vmem>> -> memref<1x128xi32, #tpu.memory_space<vmem>>
        %dma_start3A_255 = tpu.memref_squeeze %dma_start3A_254 : memref<1x128xi32, #tpu.memory_space<vmem>> -> memref<128xi32, #tpu.memory_space<vmem>>
        %dma_start3A_256 = arith.constant 0 : i32
        %dma_start3A_257 = arith.constant 0 : i32
        %dma_start3A_258 = tpu.memref_slice %arg2[%dma_start3A_256, %dma_start3A_257] : memref<10240x64xbf16, #tpu.memory_space<hbm>> -> memref<10240x64xbf16, #tpu.memory_space<hbm>>
        tpu.enqueue_indirect_dma source(%dma_start3A_258 : memref<10240x64xbf16, #tpu.memory_space<hbm>>) target(%dma_start3A_252 : memref<128x64xbf16, #tpu.memory_space<vmem>>) offsets(%dma_start3A_255 : memref<128xi32, #tpu.memory_space<vmem>>) semaphore(%arg14 : memref<!tpu.dma_semaphore, #tpu.memory_space<semaphore_mem>>)
        %dma_start3A_259 = arith.constant 1 : i32
        %dma_start3A_260 = arith.constant 0 : i32
        %dma_start3A_261 = arith.constant 0 : i32
        %dma_start3A_262 = tpu.memref_slice %arg10[%dma_start3A_259, %dma_start3A_260, %dma_start3A_261] : memref<2x128x64xbf16, #tpu.memory_space<vmem>> -> memref<1x128x64xbf16, #tpu.memory_space<vmem>>
        %dma_start3A_263 = tpu.memref_squeeze %dma_start3A_262 : memref<1x128x64xbf16, #tpu.memory_space<vmem>> -> memref<128x64xbf16, #tpu.memory_space<vmem>>
        %dma_start3A_264 = arith.constant 0 : i32
        %dma_start3A_265 = tpu.memref_slice %arg8[%add3A_247, %dma_start3A_264] : memref<80x128xi32, #tpu.memory_space<vmem>> -> memref<1x128xi32, #tpu.memory_space<vmem>>
        %dma_start3A_266 = tpu.memref_squeeze %dma_start3A_265 : memref<1x128xi32, #tpu.memory_space<vmem>> -> memref<128xi32, #tpu.memory_space<vmem>>
        %dma_start3A_267 = arith.constant 0 : i32
        %dma_start3A_268 = arith.constant 0 : i32
        %dma_start3A_269 = tpu.memref_slice %arg3[%dma_start3A_267, %dma_start3A_268] : memref<10240x64xbf16, #tpu.memory_space<hbm>> -> memref<10240x64xbf16, #tpu.memory_space<hbm>>
        tpu.enqueue_indirect_dma source(%dma_start3A_269 : memref<10240x64xbf16, #tpu.memory_space<hbm>>) target(%dma_start3A_263 : memref<128x64xbf16, #tpu.memory_space<vmem>>) offsets(%dma_start3A_266 : memref<128xi32, #tpu.memory_space<vmem>>) semaphore(%arg16 : memref<!tpu.dma_semaphore, #tpu.memory_space<semaphore_mem>>)
      } else {
      }
      %dma_start3A_234 = arith.constant 1 : i32
      %dma_start3A_235 = arith.constant 0 : i32
      %dma_start3A_236 = arith.constant 0 : i32
      %dma_start3A_237 = tpu.memref_slice %arg11[%dma_start3A_234, %dma_start3A_235, %dma_start3A_236] : memref<2x128x64xf32, #tpu.memory_space<vmem>> -> memref<1x128x64xf32, #tpu.memory_space<vmem>>
      %dma_start3A_238 = tpu.memref_squeeze %dma_start3A_237 : memref<1x128x64xf32, #tpu.memory_space<vmem>> -> memref<128x64xf32, #tpu.memory_space<vmem>>
      %dma_start3A_239 = arith.constant 0 : i32
      %dma_start3A_240 = tpu.memref_slice %arg8[%add3A_192, %dma_start3A_239] : memref<80x128xi32, #tpu.memory_space<vmem>> -> memref<1x128xi32, #tpu.memory_space<vmem>>
      %dma_start3A_241 = tpu.memref_squeeze %dma_start3A_240 : memref<1x128xi32, #tpu.memory_space<vmem>> -> memref<128xi32, #tpu.memory_space<vmem>>
      %dma_start3A_242 = arith.constant 0 : i32
      %dma_start3A_243 = arith.constant 0 : i32
      %dma_start3A_244 = tpu.memref_slice %arg12[%dma_start3A_242, %dma_start3A_243] : memref<10240x64xf32, #tpu.memory_space<vmem_shared>> -> memref<10240x64xf32, #tpu.memory_space<vmem_shared>>
      tpu.enqueue_indirect_dma source(%dma_start3A_238 : memref<128x64xf32, #tpu.memory_space<vmem>>) target(%dma_start3A_244 : memref<10240x64xf32, #tpu.memory_space<vmem_shared>>) offsets(%dma_start3A_241 : memref<128xi32, #tpu.memory_space<vmem>>) semaphore(%arg18 : memref<!tpu.dma_semaphore, #tpu.memory_space<semaphore_mem>>) {add = true}
      %scan3A_245 = arith.constant 0 : i32
      scf.yield %scan3A_245 : i32
    }
    %scan3A_80 = arith.constant 40 : i32
    %dma_wait3A = arith.constant 0 : i32
    %dma_wait3A_81 = arith.constant 78 : i32
    %dma_wait3A_82 = arith.constant 0 : i32
    %dma_wait3A_83 = arith.constant 0 : i32
    %dma_wait3A_84 = tpu.memref_slice %arg11[%dma_wait3A, %dma_wait3A_82, %dma_wait3A_83] : memref<2x128x64xf32, #tpu.memory_space<vmem>> -> memref<1x128x64xf32, #tpu.memory_space<vmem>>
    %dma_wait3A_85 = tpu.memref_squeeze %dma_wait3A_84 : memref<1x128x64xf32, #tpu.memory_space<vmem>> -> memref<128x64xf32, #tpu.memory_space<vmem>>
    %dma_wait3A_86 = arith.constant 0 : i32
    %dma_wait3A_87 = tpu.memref_slice %arg8[%dma_wait3A_81, %dma_wait3A_86] : memref<80x128xi32, #tpu.memory_space<vmem>> -> memref<1x128xi32, #tpu.memory_space<vmem>>
    %dma_wait3A_88 = tpu.memref_squeeze %dma_wait3A_87 : memref<1x128xi32, #tpu.memory_space<vmem>> -> memref<128xi32, #tpu.memory_space<vmem>>
    %dma_wait3A_89 = arith.constant 0 : i32
    %dma_wait3A_90 = arith.constant 0 : i32
    %dma_wait3A_91 = tpu.memref_slice %arg12[%dma_wait3A_89, %dma_wait3A_90] : memref<10240x64xf32, #tpu.memory_space<vmem_shared>> -> memref<10240x64xf32, #tpu.memory_space<vmem_shared>>
    tpu.wait_indirect_dma semaphore(%arg17 : memref<!tpu.dma_semaphore, #tpu.memory_space<semaphore_mem>>) src(%dma_wait3A_85 : memref<128x64xf32, #tpu.memory_space<vmem>>) dst(%dma_wait3A_91 : memref<10240x64xf32, #tpu.memory_space<vmem_shared>>)
    %dma_wait3A_92 = arith.constant 1 : i32
    %dma_wait3A_93 = arith.constant 79 : i32
    %dma_wait3A_94 = arith.constant 0 : i32
    %dma_wait3A_95 = arith.constant 0 : i32
    %dma_wait3A_96 = tpu.memref_slice %arg11[%dma_wait3A_92, %dma_wait3A_94, %dma_wait3A_95] : memref<2x128x64xf32, #tpu.memory_space<vmem>> -> memref<1x128x64xf32, #tpu.memory_space<vmem>>
    %dma_wait3A_97 = tpu.memref_squeeze %dma_wait3A_96 : memref<1x128x64xf32, #tpu.memory_space<vmem>> -> memref<128x64xf32, #tpu.memory_space<vmem>>
    %dma_wait3A_98 = arith.constant 0 : i32
    %dma_wait3A_99 = tpu.memref_slice %arg8[%dma_wait3A_93, %dma_wait3A_98] : memref<80x128xi32, #tpu.memory_space<vmem>> -> memref<1x128xi32, #tpu.memory_space<vmem>>
    %dma_wait3A_100 = tpu.memref_squeeze %dma_wait3A_99 : memref<1x128xi32, #tpu.memory_space<vmem>> -> memref<128xi32, #tpu.memory_space<vmem>>
    %dma_wait3A_101 = arith.constant 0 : i32
    %dma_wait3A_102 = arith.constant 0 : i32
    %dma_wait3A_103 = tpu.memref_slice %arg12[%dma_wait3A_101, %dma_wait3A_102] : memref<10240x64xf32, #tpu.memory_space<vmem_shared>> -> memref<10240x64xf32, #tpu.memory_space<vmem_shared>>
    tpu.wait_indirect_dma semaphore(%arg18 : memref<!tpu.dma_semaphore, #tpu.memory_space<semaphore_mem>>) src(%dma_wait3A_97 : memref<128x64xf32, #tpu.memory_space<vmem>>) dst(%dma_wait3A_103 : memref<10240x64xf32, #tpu.memory_space<vmem_shared>>)
    %barrier3A_104 = arith.constant 0 : index
    tpu.barrier barrier_id(%barrier3A_104)
    %add3A_105 = arith.constant 0 : i32
    %add3A_106 = arith.addi %mul3A_2, %add3A_105 : i32
    %run_scoped3A_107 = arith.constant 0 : i32
    "tpu.region"() ({
      %run_scoped3A_135 = tpu.sem_alloc : memref<!tpu.dma_semaphore, #tpu.memory_space<semaphore_mem>>
      %dma_start3A_136 = arith.constant 0 : i32
      %dma_start3A_137 = arith.constant 0 : i32
      %dma_start3A_138 = tpu.memref_slice %arg11[%run_scoped3A_107, %dma_start3A_136, %dma_start3A_137] : memref<2x128x64xf32, #tpu.memory_space<vmem>> -> memref<1x128x64xf32, #tpu.memory_space<vmem>>
      %dma_start3A_139 = tpu.memref_squeeze %dma_start3A_138 : memref<1x128x64xf32, #tpu.memory_space<vmem>> -> memref<128x64xf32, #tpu.memory_space<vmem>>
      %dma_start3A_140 = arith.constant 0 : i32
      %dma_start3A_141 = tpu.memref_slice %arg12[%add3A_106, %dma_start3A_140] : memref<10240x64xf32, #tpu.memory_space<vmem_shared>> -> memref<128x64xf32, #tpu.memory_space<vmem_shared>>
      %dma_start3A_142 = arith.constant 0 : i32
      %dma_start3A_143 = arith.constant 0 : i32
      %dma_start3A_144 = tpu.memref_slice %arg11[%run_scoped3A_107, %dma_start3A_142, %dma_start3A_143] : memref<2x128x64xf32, #tpu.memory_space<vmem>> -> memref<1x128x64xf32, #tpu.memory_space<vmem>>
      %dma_start3A_145 = tpu.memref_squeeze %dma_start3A_144 : memref<1x128x64xf32, #tpu.memory_space<vmem>> -> memref<128x64xf32, #tpu.memory_space<vmem>>
      %dma_start3A_146 = arith.constant 0 : i32
      %dma_start3A_147 = tpu.memref_slice %arg12[%add3A_106, %dma_start3A_146] : memref<10240x64xf32, #tpu.memory_space<vmem_shared>> -> memref<128x64xf32, #tpu.memory_space<vmem_shared>>
      tpu.enqueue_dma source(%dma_start3A_147 : memref<128x64xf32, #tpu.memory_space<vmem_shared>>) target(%dma_start3A_145 : memref<128x64xf32, #tpu.memory_space<vmem>>) target_semaphore(%run_scoped3A_135 : memref<!tpu.dma_semaphore, #tpu.memory_space<semaphore_mem>>)
      %dma_wait3A_148 = arith.constant 0 : i32
      %dma_wait3A_149 = arith.constant 0 : i32
      %dma_wait3A_150 = tpu.memref_slice %arg11[%run_scoped3A_107, %dma_wait3A_148, %dma_wait3A_149] : memref<2x128x64xf32, #tpu.memory_space<vmem>> -> memref<1x128x64xf32, #tpu.memory_space<vmem>>
      %dma_wait3A_151 = tpu.memref_squeeze %dma_wait3A_150 : memref<1x128x64xf32, #tpu.memory_space<vmem>> -> memref<128x64xf32, #tpu.memory_space<vmem>>
      %dma_wait3A_152 = arith.constant 0 : i32
      %dma_wait3A_153 = tpu.memref_slice %arg12[%add3A_106, %dma_wait3A_152] : memref<10240x64xf32, #tpu.memory_space<vmem_shared>> -> memref<128x64xf32, #tpu.memory_space<vmem_shared>>
      %dma_wait3A_154 = arith.constant 0 : i32
      %dma_wait3A_155 = arith.constant 0 : i32
      %dma_wait3A_156 = tpu.memref_slice %arg11[%run_scoped3A_107, %dma_wait3A_154, %dma_wait3A_155] : memref<2x128x64xf32, #tpu.memory_space<vmem>> -> memref<1x128x64xf32, #tpu.memory_space<vmem>>
      %dma_wait3A_157 = tpu.memref_squeeze %dma_wait3A_156 : memref<1x128x64xf32, #tpu.memory_space<vmem>> -> memref<128x64xf32, #tpu.memory_space<vmem>>
      %dma_wait3A_158 = arith.constant 0 : i32
      %dma_wait3A_159 = tpu.memref_slice %arg12[%add3A_106, %dma_wait3A_158] : memref<10240x64xf32, #tpu.memory_space<vmem_shared>> -> memref<128x64xf32, #tpu.memory_space<vmem_shared>>
      tpu.wait_dma2 semaphore(%run_scoped3A_135 : memref<!tpu.dma_semaphore, #tpu.memory_space<semaphore_mem>>) src(%dma_wait3A_159 : memref<128x64xf32, #tpu.memory_space<vmem_shared>>) dst(%dma_wait3A_157 : memref<128x64xf32, #tpu.memory_space<vmem>>)
      tpu.yield
    }) : () -> ()
    %add3A_108 = arith.constant 0 : i32
    %add3A_109 = arith.addi %mul3A_2, %add3A_108 : i32
    %run_scoped3A_110 = arith.constant 0 : i32
    "tpu.region"() ({
      %run_scoped3A_135 = tpu.sem_alloc : memref<!tpu.dma_semaphore, #tpu.memory_space<semaphore_mem>>
      %dma_start3A_136 = arith.constant 0 : i32
      %dma_start3A_137 = arith.constant 0 : i32
      %dma_start3A_138 = tpu.memref_slice %arg11[%run_scoped3A_110, %dma_start3A_136, %dma_start3A_137] : memref<2x128x64xf32, #tpu.memory_space<vmem>> -> memref<1x128x64xf32, #tpu.memory_space<vmem>>
      %dma_start3A_139 = tpu.memref_squeeze %dma_start3A_138 : memref<1x128x64xf32, #tpu.memory_space<vmem>> -> memref<128x64xf32, #tpu.memory_space<vmem>>
      %dma_start3A_140 = arith.constant 0 : i32
      %dma_start3A_141 = tpu.memref_slice %arg6[%arg0, %add3A_109, %dma_start3A_140] : memref<2x10240x64xf32, #tpu.memory_space<hbm>> -> memref<1x128x64xf32, #tpu.memory_space<hbm>>
      %dma_start3A_142 = tpu.memref_squeeze %dma_start3A_141 : memref<1x128x64xf32, #tpu.memory_space<hbm>> -> memref<128x64xf32, #tpu.memory_space<hbm>>
      %dma_start3A_143 = arith.constant 0 : i32
      %dma_start3A_144 = tpu.memref_slice %arg6[%arg0, %add3A_109, %dma_start3A_143] : memref<2x10240x64xf32, #tpu.memory_space<hbm>> -> memref<1x128x64xf32, #tpu.memory_space<hbm>>
      %dma_start3A_145 = tpu.memref_squeeze %dma_start3A_144 : memref<1x128x64xf32, #tpu.memory_space<hbm>> -> memref<128x64xf32, #tpu.memory_space<hbm>>
      %dma_start3A_146 = arith.constant 0 : i32
      %dma_start3A_147 = arith.constant 0 : i32
      %dma_start3A_148 = tpu.memref_slice %arg11[%run_scoped3A_110, %dma_start3A_146, %dma_start3A_147] : memref<2x128x64xf32, #tpu.memory_space<vmem>> -> memref<1x128x64xf32, #tpu.memory_space<vmem>>
      %dma_start3A_149 = tpu.memref_squeeze %dma_start3A_148 : memref<1x128x64xf32, #tpu.memory_space<vmem>> -> memref<128x64xf32, #tpu.memory_space<vmem>>
      tpu.enqueue_dma source(%dma_start3A_149 : memref<128x64xf32, #tpu.memory_space<vmem>>) target(%dma_start3A_145 : memref<128x64xf32, #tpu.memory_space<hbm>>) target_semaphore(%run_scoped3A_135 : memref<!tpu.dma_semaphore, #tpu.memory_space<semaphore_mem>>)
      %dma_wait3A_150 = arith.constant 0 : i32
      %dma_wait3A_151 = arith.constant 0 : i32
      %dma_wait3A_152 = tpu.memref_slice %arg11[%run_scoped3A_110, %dma_wait3A_150, %dma_wait3A_151] : memref<2x128x64xf32, #tpu.memory_space<vmem>> -> memref<1x128x64xf32, #tpu.memory_space<vmem>>
      %dma_wait3A_153 = tpu.memref_squeeze %dma_wait3A_152 : memref<1x128x64xf32, #tpu.memory_space<vmem>> -> memref<128x64xf32, #tpu.memory_space<vmem>>
      %dma_wait3A_154 = arith.constant 0 : i32
      %dma_wait3A_155 = tpu.memref_slice %arg6[%arg0, %add3A_109, %dma_wait3A_154] : memref<2x10240x64xf32, #tpu.memory_space<hbm>> -> memref<1x128x64xf32, #tpu.memory_space<hbm>>
      %dma_wait3A_156 = tpu.memref_squeeze %dma_wait3A_155 : memref<1x128x64xf32, #tpu.memory_space<hbm>> -> memref<128x64xf32, #tpu.memory_space<hbm>>
      %dma_wait3A_157 = arith.constant 0 : i32
      %dma_wait3A_158 = tpu.memref_slice %arg6[%arg0, %add3A_109, %dma_wait3A_157] : memref<2x10240x64xf32, #tpu.memory_space<hbm>> -> memref<1x128x64xf32, #tpu.memory_space<hbm>>
      %dma_wait3A_159 = tpu.memref_squeeze %dma_wait3A_158 : memref<1x128x64xf32, #tpu.memory_space<hbm>> -> memref<128x64xf32, #tpu.memory_space<hbm>>
      %dma_wait3A_160 = arith.constant 0 : i32
      %dma_wait3A_161 = arith.constant 0 : i32
      %dma_wait3A_162 = tpu.memref_slice %arg11[%run_scoped3A_110, %dma_wait3A_160, %dma_wait3A_161] : memref<2x128x64xf32, #tpu.memory_space<vmem>> -> memref<1x128x64xf32, #tpu.memory_space<vmem>>
      %dma_wait3A_163 = tpu.memref_squeeze %dma_wait3A_162 : memref<1x128x64xf32, #tpu.memory_space<vmem>> -> memref<128x64xf32, #tpu.memory_space<vmem>>
      tpu.wait_dma2 semaphore(%run_scoped3A_135 : memref<!tpu.dma_semaphore, #tpu.memory_space<semaphore_mem>>) src(%dma_wait3A_163 : memref<128x64xf32, #tpu.memory_space<vmem>>) dst(%dma_wait3A_159 : memref<128x64xf32, #tpu.memory_space<hbm>>)
      tpu.yield
    }) : () -> ()
    %add3A_111 = arith.constant 128 : i32
    %add3A_112 = arith.addi %mul3A_2, %add3A_111 : i32
    %run_scoped3A_113 = arith.constant 0 : i32
    "tpu.region"() ({
      %run_scoped3A_135 = tpu.sem_alloc : memref<!tpu.dma_semaphore, #tpu.memory_space<semaphore_mem>>
      %dma_start3A_136 = arith.constant 0 : i32
      %dma_start3A_137 = arith.constant 0 : i32
      %dma_start3A_138 = tpu.memref_slice %arg11[%run_scoped3A_113, %dma_start3A_136, %dma_start3A_137] : memref<2x128x64xf32, #tpu.memory_space<vmem>> -> memref<1x128x64xf32, #tpu.memory_space<vmem>>
      %dma_start3A_139 = tpu.memref_squeeze %dma_start3A_138 : memref<1x128x64xf32, #tpu.memory_space<vmem>> -> memref<128x64xf32, #tpu.memory_space<vmem>>
      %dma_start3A_140 = arith.constant 0 : i32
      %dma_start3A_141 = tpu.memref_slice %arg12[%add3A_112, %dma_start3A_140] : memref<10240x64xf32, #tpu.memory_space<vmem_shared>> -> memref<128x64xf32, #tpu.memory_space<vmem_shared>>
      %dma_start3A_142 = arith.constant 0 : i32
      %dma_start3A_143 = arith.constant 0 : i32
      %dma_start3A_144 = tpu.memref_slice %arg11[%run_scoped3A_113, %dma_start3A_142, %dma_start3A_143] : memref<2x128x64xf32, #tpu.memory_space<vmem>> -> memref<1x128x64xf32, #tpu.memory_space<vmem>>
      %dma_start3A_145 = tpu.memref_squeeze %dma_start3A_144 : memref<1x128x64xf32, #tpu.memory_space<vmem>> -> memref<128x64xf32, #tpu.memory_space<vmem>>
      %dma_start3A_146 = arith.constant 0 : i32
      %dma_start3A_147 = tpu.memref_slice %arg12[%add3A_112, %dma_start3A_146] : memref<10240x64xf32, #tpu.memory_space<vmem_shared>> -> memref<128x64xf32, #tpu.memory_space<vmem_shared>>
      tpu.enqueue_dma source(%dma_start3A_147 : memref<128x64xf32, #tpu.memory_space<vmem_shared>>) target(%dma_start3A_145 : memref<128x64xf32, #tpu.memory_space<vmem>>) target_semaphore(%run_scoped3A_135 : memref<!tpu.dma_semaphore, #tpu.memory_space<semaphore_mem>>)
      %dma_wait3A_148 = arith.constant 0 : i32
      %dma_wait3A_149 = arith.constant 0 : i32
      %dma_wait3A_150 = tpu.memref_slice %arg11[%run_scoped3A_113, %dma_wait3A_148, %dma_wait3A_149] : memref<2x128x64xf32, #tpu.memory_space<vmem>> -> memref<1x128x64xf32, #tpu.memory_space<vmem>>
      %dma_wait3A_151 = tpu.memref_squeeze %dma_wait3A_150 : memref<1x128x64xf32, #tpu.memory_space<vmem>> -> memref<128x64xf32, #tpu.memory_space<vmem>>
      %dma_wait3A_152 = arith.constant 0 : i32
      %dma_wait3A_153 = tpu.memref_slice %arg12[%add3A_112, %dma_wait3A_152] : memref<10240x64xf32, #tpu.memory_space<vmem_shared>> -> memref<128x64xf32, #tpu.memory_space<vmem_shared>>
      %dma_wait3A_154 = arith.constant 0 : i32
      %dma_wait3A_155 = arith.constant 0 : i32
      %dma_wait3A_156 = tpu.memref_slice %arg11[%run_scoped3A_113, %dma_wait3A_154, %dma_wait3A_155] : memref<2x128x64xf32, #tpu.memory_space<vmem>> -> memref<1x128x64xf32, #tpu.memory_space<vmem>>
      %dma_wait3A_157 = tpu.memref_squeeze %dma_wait3A_156 : memref<1x128x64xf32, #tpu.memory_space<vmem>> -> memref<128x64xf32, #tpu.memory_space<vmem>>
      %dma_wait3A_158 = arith.constant 0 : i32
      %dma_wait3A_159 = tpu.memref_slice %arg12[%add3A_112, %dma_wait3A_158] : memref<10240x64xf32, #tpu.memory_space<vmem_shared>> -> memref<128x64xf32, #tpu.memory_space<vmem_shared>>
      tpu.wait_dma2 semaphore(%run_scoped3A_135 : memref<!tpu.dma_semaphore, #tpu.memory_space<semaphore_mem>>) src(%dma_wait3A_159 : memref<128x64xf32, #tpu.memory_space<vmem_shared>>) dst(%dma_wait3A_157 : memref<128x64xf32, #tpu.memory_space<vmem>>)
      tpu.yield
    }) : () -> ()
    %add3A_114 = arith.constant 128 : i32
    %add3A_115 = arith.addi %mul3A_2, %add3A_114 : i32
    %run_scoped3A_116 = arith.constant 0 : i32
    "tpu.region"() ({
      %run_scoped3A_135 = tpu.sem_alloc : memref<!tpu.dma_semaphore, #tpu.memory_space<semaphore_mem>>
      %dma_start3A_136 = arith.constant 0 : i32
      %dma_start3A_137 = arith.constant 0 : i32
      %dma_start3A_138 = tpu.memref_slice %arg11[%run_scoped3A_116, %dma_start3A_136, %dma_start3A_137] : memref<2x128x64xf32, #tpu.memory_space<vmem>> -> memref<1x128x64xf32, #tpu.memory_space<vmem>>
      %dma_start3A_139 = tpu.memref_squeeze %dma_start3A_138 : memref<1x128x64xf32, #tpu.memory_space<vmem>> -> memref<128x64xf32, #tpu.memory_space<vmem>>
      %dma_start3A_140 = arith.constant 0 : i32
      %dma_start3A_141 = tpu.memref_slice %arg6[%arg0, %add3A_115, %dma_start3A_140] : memref<2x10240x64xf32, #tpu.memory_space<hbm>> -> memref<1x128x64xf32, #tpu.memory_space<hbm>>
      %dma_start3A_142 = tpu.memref_squeeze %dma_start3A_141 : memref<1x128x64xf32, #tpu.memory_space<hbm>> -> memref<128x64xf32, #tpu.memory_space<hbm>>
      %dma_start3A_143 = arith.constant 0 : i32
      %dma_start3A_144 = tpu.memref_slice %arg6[%arg0, %add3A_115, %dma_start3A_143] : memref<2x10240x64xf32, #tpu.memory_space<hbm>> -> memref<1x128x64xf32, #tpu.memory_space<hbm>>
      %dma_start3A_145 = tpu.memref_squeeze %dma_start3A_144 : memref<1x128x64xf32, #tpu.memory_space<hbm>> -> memref<128x64xf32, #tpu.memory_space<hbm>>
      %dma_start3A_146 = arith.constant 0 : i32
      %dma_start3A_147 = arith.constant 0 : i32
      %dma_start3A_148 = tpu.memref_slice %arg11[%run_scoped3A_116, %dma_start3A_146, %dma_start3A_147] : memref<2x128x64xf32, #tpu.memory_space<vmem>> -> memref<1x128x64xf32, #tpu.memory_space<vmem>>
      %dma_start3A_149 = tpu.memref_squeeze %dma_start3A_148 : memref<1x128x64xf32, #tpu.memory_space<vmem>> -> memref<128x64xf32, #tpu.memory_space<vmem>>
      tpu.enqueue_dma source(%dma_start3A_149 : memref<128x64xf32, #tpu.memory_space<vmem>>) target(%dma_start3A_145 : memref<128x64xf32, #tpu.memory_space<hbm>>) target_semaphore(%run_scoped3A_135 : memref<!tpu.dma_semaphore, #tpu.memory_space<semaphore_mem>>)
      %dma_wait3A_150 = arith.constant 0 : i32
      %dma_wait3A_151 = arith.constant 0 : i32
      %dma_wait3A_152 = tpu.memref_slice %arg11[%run_scoped3A_116, %dma_wait3A_150, %dma_wait3A_151] : memref<2x128x64xf32, #tpu.memory_space<vmem>> -> memref<1x128x64xf32, #tpu.memory_space<vmem>>
      %dma_wait3A_153 = tpu.memref_squeeze %dma_wait3A_152 : memref<1x128x64xf32, #tpu.memory_space<vmem>> -> memref<128x64xf32, #tpu.memory_space<vmem>>
      %dma_wait3A_154 = arith.constant 0 : i32
      %dma_wait3A_155 = tpu.memref_slice %arg6[%arg0, %add3A_115, %dma_wait3A_154] : memref<2x10240x64xf32, #tpu.memory_space<hbm>> -> memref<1x128x64xf32, #tpu.memory_space<hbm>>
      %dma_wait3A_156 = tpu.memref_squeeze %dma_wait3A_155 : memref<1x128x64xf32, #tpu.memory_space<hbm>> -> memref<128x64xf32, #tpu.memory_space<hbm>>
      %dma_wait3A_157 = arith.constant 0 : i32
      %dma_wait3A_158 = tpu.memref_slice %arg6[%arg0, %add3A_115, %dma_wait3A_157] : memref<2x10240x64xf32, #tpu.memory_space<hbm>> -> memref<1x128x64xf32, #tpu.memory_space<hbm>>
      %dma_wait3A_159 = tpu.memref_squeeze %dma_wait3A_158 : memref<1x128x64xf32, #tpu.memory_space<hbm>> -> memref<128x64xf32, #tpu.memory_space<hbm>>
      %dma_wait3A_160 = arith.constant 0 : i32
      %dma_wait3A_161 = arith.constant 0 : i32
      %dma_wait3A_162 = tpu.memref_slice %arg11[%run_scoped3A_116, %dma_wait3A_160, %dma_wait3A_161] : memref<2x128x64xf32, #tpu.memory_space<vmem>> -> memref<1x128x64xf32, #tpu.memory_space<vmem>>
      %dma_wait3A_163 = tpu.memref_squeeze %dma_wait3A_162 : memref<1x128x64xf32, #tpu.memory_space<vmem>> -> memref<128x64xf32, #tpu.memory_space<vmem>>
      tpu.wait_dma2 semaphore(%run_scoped3A_135 : memref<!tpu.dma_semaphore, #tpu.memory_space<semaphore_mem>>) src(%dma_wait3A_163 : memref<128x64xf32, #tpu.memory_space<vmem>>) dst(%dma_wait3A_159 : memref<128x64xf32, #tpu.memory_space<hbm>>)
      tpu.yield
    }) : () -> ()
    %add3A_117 = arith.constant 256 : i32
    %add3A_118 = arith.addi %mul3A_2, %add3A_117 : i32
    %run_scoped3A_119 = arith.constant 0 : i32
    "tpu.region"() ({
      %run_scoped3A_135 = tpu.sem_alloc : memref<!tpu.dma_semaphore, #tpu.memory_space<semaphore_mem>>
      %dma_start3A_136 = arith.constant 0 : i32
      %dma_start3A_137 = arith.constant 0 : i32
      %dma_start3A_138 = tpu.memref_slice %arg11[%run_scoped3A_119, %dma_start3A_136, %dma_start3A_137] : memref<2x128x64xf32, #tpu.memory_space<vmem>> -> memref<1x128x64xf32, #tpu.memory_space<vmem>>
      %dma_start3A_139 = tpu.memref_squeeze %dma_start3A_138 : memref<1x128x64xf32, #tpu.memory_space<vmem>> -> memref<128x64xf32, #tpu.memory_space<vmem>>
      %dma_start3A_140 = arith.constant 0 : i32
      %dma_start3A_141 = tpu.memref_slice %arg12[%add3A_118, %dma_start3A_140] : memref<10240x64xf32, #tpu.memory_space<vmem_shared>> -> memref<128x64xf32, #tpu.memory_space<vmem_shared>>
      %dma_start3A_142 = arith.constant 0 : i32
      %dma_start3A_143 = arith.constant 0 : i32
      %dma_start3A_144 = tpu.memref_slice %arg11[%run_scoped3A_119, %dma_start3A_142, %dma_start3A_143] : memref<2x128x64xf32, #tpu.memory_space<vmem>> -> memref<1x128x64xf32, #tpu.memory_space<vmem>>
      %dma_start3A_145 = tpu.memref_squeeze %dma_start3A_144 : memref<1x128x64xf32, #tpu.memory_space<vmem>> -> memref<128x64xf32, #tpu.memory_space<vmem>>
      %dma_start3A_146 = arith.constant 0 : i32
      %dma_start3A_147 = tpu.memref_slice %arg12[%add3A_118, %dma_start3A_146] : memref<10240x64xf32, #tpu.memory_space<vmem_shared>> -> memref<128x64xf32, #tpu.memory_space<vmem_shared>>
      tpu.enqueue_dma source(%dma_start3A_147 : memref<128x64xf32, #tpu.memory_space<vmem_shared>>) target(%dma_start3A_145 : memref<128x64xf32, #tpu.memory_space<vmem>>) target_semaphore(%run_scoped3A_135 : memref<!tpu.dma_semaphore, #tpu.memory_space<semaphore_mem>>)
      %dma_wait3A_148 = arith.constant 0 : i32
      %dma_wait3A_149 = arith.constant 0 : i32
      %dma_wait3A_150 = tpu.memref_slice %arg11[%run_scoped3A_119, %dma_wait3A_148, %dma_wait3A_149] : memref<2x128x64xf32, #tpu.memory_space<vmem>> -> memref<1x128x64xf32, #tpu.memory_space<vmem>>
      %dma_wait3A_151 = tpu.memref_squeeze %dma_wait3A_150 : memref<1x128x64xf32, #tpu.memory_space<vmem>> -> memref<128x64xf32, #tpu.memory_space<vmem>>
      %dma_wait3A_152 = arith.constant 0 : i32
      %dma_wait3A_153 = tpu.memref_slice %arg12[%add3A_118, %dma_wait3A_152] : memref<10240x64xf32, #tpu.memory_space<vmem_shared>> -> memref<128x64xf32, #tpu.memory_space<vmem_shared>>
      %dma_wait3A_154 = arith.constant 0 : i32
      %dma_wait3A_155 = arith.constant 0 : i32
      %dma_wait3A_156 = tpu.memref_slice %arg11[%run_scoped3A_119, %dma_wait3A_154, %dma_wait3A_155] : memref<2x128x64xf32, #tpu.memory_space<vmem>> -> memref<1x128x64xf32, #tpu.memory_space<vmem>>
      %dma_wait3A_157 = tpu.memref_squeeze %dma_wait3A_156 : memref<1x128x64xf32, #tpu.memory_space<vmem>> -> memref<128x64xf32, #tpu.memory_space<vmem>>
      %dma_wait3A_158 = arith.constant 0 : i32
      %dma_wait3A_159 = tpu.memref_slice %arg12[%add3A_118, %dma_wait3A_158] : memref<10240x64xf32, #tpu.memory_space<vmem_shared>> -> memref<128x64xf32, #tpu.memory_space<vmem_shared>>
      tpu.wait_dma2 semaphore(%run_scoped3A_135 : memref<!tpu.dma_semaphore, #tpu.memory_space<semaphore_mem>>) src(%dma_wait3A_159 : memref<128x64xf32, #tpu.memory_space<vmem_shared>>) dst(%dma_wait3A_157 : memref<128x64xf32, #tpu.memory_space<vmem>>)
      tpu.yield
    }) : () -> ()
    %add3A_120 = arith.constant 256 : i32
    %add3A_121 = arith.addi %mul3A_2, %add3A_120 : i32
    %run_scoped3A_122 = arith.constant 0 : i32
    "tpu.region"() ({
      %run_scoped3A_135 = tpu.sem_alloc : memref<!tpu.dma_semaphore, #tpu.memory_space<semaphore_mem>>
      %dma_start3A_136 = arith.constant 0 : i32
      %dma_start3A_137 = arith.constant 0 : i32
      %dma_start3A_138 = tpu.memref_slice %arg11[%run_scoped3A_122, %dma_start3A_136, %dma_start3A_137] : memref<2x128x64xf32, #tpu.memory_space<vmem>> -> memref<1x128x64xf32, #tpu.memory_space<vmem>>
      %dma_start3A_139 = tpu.memref_squeeze %dma_start3A_138 : memref<1x128x64xf32, #tpu.memory_space<vmem>> -> memref<128x64xf32, #tpu.memory_space<vmem>>
      %dma_start3A_140 = arith.constant 0 : i32
      %dma_start3A_141 = tpu.memref_slice %arg6[%arg0, %add3A_121, %dma_start3A_140] : memref<2x10240x64xf32, #tpu.memory_space<hbm>> -> memref<1x128x64xf32, #tpu.memory_space<hbm>>
      %dma_start3A_142 = tpu.memref_squeeze %dma_start3A_141 : memref<1x128x64xf32, #tpu.memory_space<hbm>> -> memref<128x64xf32, #tpu.memory_space<hbm>>
      %dma_start3A_143 = arith.constant 0 : i32
      %dma_start3A_144 = tpu.memref_slice %arg6[%arg0, %add3A_121, %dma_start3A_143] : memref<2x10240x64xf32, #tpu.memory_space<hbm>> -> memref<1x128x64xf32, #tpu.memory_space<hbm>>
      %dma_start3A_145 = tpu.memref_squeeze %dma_start3A_144 : memref<1x128x64xf32, #tpu.memory_space<hbm>> -> memref<128x64xf32, #tpu.memory_space<hbm>>
      %dma_start3A_146 = arith.constant 0 : i32
      %dma_start3A_147 = arith.constant 0 : i32
      %dma_start3A_148 = tpu.memref_slice %arg11[%run_scoped3A_122, %dma_start3A_146, %dma_start3A_147] : memref<2x128x64xf32, #tpu.memory_space<vmem>> -> memref<1x128x64xf32, #tpu.memory_space<vmem>>
      %dma_start3A_149 = tpu.memref_squeeze %dma_start3A_148 : memref<1x128x64xf32, #tpu.memory_space<vmem>> -> memref<128x64xf32, #tpu.memory_space<vmem>>
      tpu.enqueue_dma source(%dma_start3A_149 : memref<128x64xf32, #tpu.memory_space<vmem>>) target(%dma_start3A_145 : memref<128x64xf32, #tpu.memory_space<hbm>>) target_semaphore(%run_scoped3A_135 : memref<!tpu.dma_semaphore, #tpu.memory_space<semaphore_mem>>)
      %dma_wait3A_150 = arith.constant 0 : i32
      %dma_wait3A_151 = arith.constant 0 : i32
      %dma_wait3A_152 = tpu.memref_slice %arg11[%run_scoped3A_122, %dma_wait3A_150, %dma_wait3A_151] : memref<2x128x64xf32, #tpu.memory_space<vmem>> -> memref<1x128x64xf32, #tpu.memory_space<vmem>>
      %dma_wait3A_153 = tpu.memref_squeeze %dma_wait3A_152 : memref<1x128x64xf32, #tpu.memory_space<vmem>> -> memref<128x64xf32, #tpu.memory_space<vmem>>
      %dma_wait3A_154 = arith.constant 0 : i32
      %dma_wait3A_155 = tpu.memref_slice %arg6[%arg0, %add3A_121, %dma_wait3A_154] : memref<2x10240x64xf32, #tpu.memory_space<hbm>> -> memref<1x128x64xf32, #tpu.memory_space<hbm>>
      %dma_wait3A_156 = tpu.memref_squeeze %dma_wait3A_155 : memref<1x128x64xf32, #tpu.memory_space<hbm>> -> memref<128x64xf32, #tpu.memory_space<hbm>>
      %dma_wait3A_157 = arith.constant 0 : i32
      %dma_wait3A_158 = tpu.memref_slice %arg6[%arg0, %add3A_121, %dma_wait3A_157] : memref<2x10240x64xf32, #tpu.memory_space<hbm>> -> memref<1x128x64xf32, #tpu.memory_space<hbm>>
      %dma_wait3A_159 = tpu.memref_squeeze %dma_wait3A_158 : memref<1x128x64xf32, #tpu.memory_space<hbm>> -> memref<128x64xf32, #tpu.memory_space<hbm>>
      %dma_wait3A_160 = arith.constant 0 : i32
      %dma_wait3A_161 = arith.constant 0 : i32
      %dma_wait3A_162 = tpu.memref_slice %arg11[%run_scoped3A_122, %dma_wait3A_160, %dma_wait3A_161] : memref<2x128x64xf32, #tpu.memory_space<vmem>> -> memref<1x128x64xf32, #tpu.memory_space<vmem>>
      %dma_wait3A_163 = tpu.memref_squeeze %dma_wait3A_162 : memref<1x128x64xf32, #tpu.memory_space<vmem>> -> memref<128x64xf32, #tpu.memory_space<vmem>>
      tpu.wait_dma2 semaphore(%run_scoped3A_135 : memref<!tpu.dma_semaphore, #tpu.memory_space<semaphore_mem>>) src(%dma_wait3A_163 : memref<128x64xf32, #tpu.memory_space<vmem>>) dst(%dma_wait3A_159 : memref<128x64xf32, #tpu.memory_space<hbm>>)
      tpu.yield
    }) : () -> ()
    %add3A_123 = arith.constant 384 : i32
    %add3A_124 = arith.addi %mul3A_2, %add3A_123 : i32
    %run_scoped3A_125 = arith.constant 0 : i32
    "tpu.region"() ({
      %run_scoped3A_135 = tpu.sem_alloc : memref<!tpu.dma_semaphore, #tpu.memory_space<semaphore_mem>>
      %dma_start3A_136 = arith.constant 0 : i32
      %dma_start3A_137 = arith.constant 0 : i32
      %dma_start3A_138 = tpu.memref_slice %arg11[%run_scoped3A_125, %dma_start3A_136, %dma_start3A_137] : memref<2x128x64xf32, #tpu.memory_space<vmem>> -> memref<1x128x64xf32, #tpu.memory_space<vmem>>
      %dma_start3A_139 = tpu.memref_squeeze %dma_start3A_138 : memref<1x128x64xf32, #tpu.memory_space<vmem>> -> memref<128x64xf32, #tpu.memory_space<vmem>>
      %dma_start3A_140 = arith.constant 0 : i32
      %dma_start3A_141 = tpu.memref_slice %arg12[%add3A_124, %dma_start3A_140] : memref<10240x64xf32, #tpu.memory_space<vmem_shared>> -> memref<128x64xf32, #tpu.memory_space<vmem_shared>>
      %dma_start3A_142 = arith.constant 0 : i32
      %dma_start3A_143 = arith.constant 0 : i32
      %dma_start3A_144 = tpu.memref_slice %arg11[%run_scoped3A_125, %dma_start3A_142, %dma_start3A_143] : memref<2x128x64xf32, #tpu.memory_space<vmem>> -> memref<1x128x64xf32, #tpu.memory_space<vmem>>
      %dma_start3A_145 = tpu.memref_squeeze %dma_start3A_144 : memref<1x128x64xf32, #tpu.memory_space<vmem>> -> memref<128x64xf32, #tpu.memory_space<vmem>>
      %dma_start3A_146 = arith.constant 0 : i32
      %dma_start3A_147 = tpu.memref_slice %arg12[%add3A_124, %dma_start3A_146] : memref<10240x64xf32, #tpu.memory_space<vmem_shared>> -> memref<128x64xf32, #tpu.memory_space<vmem_shared>>
      tpu.enqueue_dma source(%dma_start3A_147 : memref<128x64xf32, #tpu.memory_space<vmem_shared>>) target(%dma_start3A_145 : memref<128x64xf32, #tpu.memory_space<vmem>>) target_semaphore(%run_scoped3A_135 : memref<!tpu.dma_semaphore, #tpu.memory_space<semaphore_mem>>)
      %dma_wait3A_148 = arith.constant 0 : i32
      %dma_wait3A_149 = arith.constant 0 : i32
      %dma_wait3A_150 = tpu.memref_slice %arg11[%run_scoped3A_125, %dma_wait3A_148, %dma_wait3A_149] : memref<2x128x64xf32, #tpu.memory_space<vmem>> -> memref<1x128x64xf32, #tpu.memory_space<vmem>>
      %dma_wait3A_151 = tpu.memref_squeeze %dma_wait3A_150 : memref<1x128x64xf32, #tpu.memory_space<vmem>> -> memref<128x64xf32, #tpu.memory_space<vmem>>
      %dma_wait3A_152 = arith.constant 0 : i32
      %dma_wait3A_153 = tpu.memref_slice %arg12[%add3A_124, %dma_wait3A_152] : memref<10240x64xf32, #tpu.memory_space<vmem_shared>> -> memref<128x64xf32, #tpu.memory_space<vmem_shared>>
      %dma_wait3A_154 = arith.constant 0 : i32
      %dma_wait3A_155 = arith.constant 0 : i32
      %dma_wait3A_156 = tpu.memref_slice %arg11[%run_scoped3A_125, %dma_wait3A_154, %dma_wait3A_155] : memref<2x128x64xf32, #tpu.memory_space<vmem>> -> memref<1x128x64xf32, #tpu.memory_space<vmem>>
      %dma_wait3A_157 = tpu.memref_squeeze %dma_wait3A_156 : memref<1x128x64xf32, #tpu.memory_space<vmem>> -> memref<128x64xf32, #tpu.memory_space<vmem>>
      %dma_wait3A_158 = arith.constant 0 : i32
      %dma_wait3A_159 = tpu.memref_slice %arg12[%add3A_124, %dma_wait3A_158] : memref<10240x64xf32, #tpu.memory_space<vmem_shared>> -> memref<128x64xf32, #tpu.memory_space<vmem_shared>>
      tpu.wait_dma2 semaphore(%run_scoped3A_135 : memref<!tpu.dma_semaphore, #tpu.memory_space<semaphore_mem>>) src(%dma_wait3A_159 : memref<128x64xf32, #tpu.memory_space<vmem_shared>>) dst(%dma_wait3A_157 : memref<128x64xf32, #tpu.memory_space<vmem>>)
      tpu.yield
    }) : () -> ()
    %add3A_126 = arith.constant 384 : i32
    %add3A_127 = arith.addi %mul3A_2, %add3A_126 : i32
    %run_scoped3A_128 = arith.constant 0 : i32
    "tpu.region"() ({
      %run_scoped3A_135 = tpu.sem_alloc : memref<!tpu.dma_semaphore, #tpu.memory_space<semaphore_mem>>
      %dma_start3A_136 = arith.constant 0 : i32
      %dma_start3A_137 = arith.constant 0 : i32
      %dma_start3A_138 = tpu.memref_slice %arg11[%run_scoped3A_128, %dma_start3A_136, %dma_start3A_137] : memref<2x128x64xf32, #tpu.memory_space<vmem>> -> memref<1x128x64xf32, #tpu.memory_space<vmem>>
      %dma_start3A_139 = tpu.memref_squeeze %dma_start3A_138 : memref<1x128x64xf32, #tpu.memory_space<vmem>> -> memref<128x64xf32, #tpu.memory_space<vmem>>
      %dma_start3A_140 = arith.constant 0 : i32
      %dma_start3A_141 = tpu.memref_slice %arg6[%arg0, %add3A_127, %dma_start3A_140] : memref<2x10240x64xf32, #tpu.memory_space<hbm>> -> memref<1x128x64xf32, #tpu.memory_space<hbm>>
      %dma_start3A_142 = tpu.memref_squeeze %dma_start3A_141 : memref<1x128x64xf32, #tpu.memory_space<hbm>> -> memref<128x64xf32, #tpu.memory_space<hbm>>
      %dma_start3A_143 = arith.constant 0 : i32
      %dma_start3A_144 = tpu.memref_slice %arg6[%arg0, %add3A_127, %dma_start3A_143] : memref<2x10240x64xf32, #tpu.memory_space<hbm>> -> memref<1x128x64xf32, #tpu.memory_space<hbm>>
      %dma_start3A_145 = tpu.memref_squeeze %dma_start3A_144 : memref<1x128x64xf32, #tpu.memory_space<hbm>> -> memref<128x64xf32, #tpu.memory_space<hbm>>
      %dma_start3A_146 = arith.constant 0 : i32
      %dma_start3A_147 = arith.constant 0 : i32
      %dma_start3A_148 = tpu.memref_slice %arg11[%run_scoped3A_128, %dma_start3A_146, %dma_start3A_147] : memref<2x128x64xf32, #tpu.memory_space<vmem>> -> memref<1x128x64xf32, #tpu.memory_space<vmem>>
      %dma_start3A_149 = tpu.memref_squeeze %dma_start3A_148 : memref<1x128x64xf32, #tpu.memory_space<vmem>> -> memref<128x64xf32, #tpu.memory_space<vmem>>
      tpu.enqueue_dma source(%dma_start3A_149 : memref<128x64xf32, #tpu.memory_space<vmem>>) target(%dma_start3A_145 : memref<128x64xf32, #tpu.memory_space<hbm>>) target_semaphore(%run_scoped3A_135 : memref<!tpu.dma_semaphore, #tpu.memory_space<semaphore_mem>>)
      %dma_wait3A_150 = arith.constant 0 : i32
      %dma_wait3A_151 = arith.constant 0 : i32
      %dma_wait3A_152 = tpu.memref_slice %arg11[%run_scoped3A_128, %dma_wait3A_150, %dma_wait3A_151] : memref<2x128x64xf32, #tpu.memory_space<vmem>> -> memref<1x128x64xf32, #tpu.memory_space<vmem>>
      %dma_wait3A_153 = tpu.memref_squeeze %dma_wait3A_152 : memref<1x128x64xf32, #tpu.memory_space<vmem>> -> memref<128x64xf32, #tpu.memory_space<vmem>>
      %dma_wait3A_154 = arith.constant 0 : i32
      %dma_wait3A_155 = tpu.memref_slice %arg6[%arg0, %add3A_127, %dma_wait3A_154] : memref<2x10240x64xf32, #tpu.memory_space<hbm>> -> memref<1x128x64xf32, #tpu.memory_space<hbm>>
      %dma_wait3A_156 = tpu.memref_squeeze %dma_wait3A_155 : memref<1x128x64xf32, #tpu.memory_space<hbm>> -> memref<128x64xf32, #tpu.memory_space<hbm>>
      %dma_wait3A_157 = arith.constant 0 : i32
      %dma_wait3A_158 = tpu.memref_slice %arg6[%arg0, %add3A_127, %dma_wait3A_157] : memref<2x10240x64xf32, #tpu.memory_space<hbm>> -> memref<1x128x64xf32, #tpu.memory_space<hbm>>
      %dma_wait3A_159 = tpu.memref_squeeze %dma_wait3A_158 : memref<1x128x64xf32, #tpu.memory_space<hbm>> -> memref<128x64xf32, #tpu.memory_space<hbm>>
      %dma_wait3A_160 = arith.constant 0 : i32
      %dma_wait3A_161 = arith.constant 0 : i32
      %dma_wait3A_162 = tpu.memref_slice %arg11[%run_scoped3A_128, %dma_wait3A_160, %dma_wait3A_161] : memref<2x128x64xf32, #tpu.memory_space<vmem>> -> memref<1x128x64xf32, #tpu.memory_space<vmem>>
      %dma_wait3A_163 = tpu.memref_squeeze %dma_wait3A_162 : memref<1x128x64xf32, #tpu.memory_space<vmem>> -> memref<128x64xf32, #tpu.memory_space<vmem>>
      tpu.wait_dma2 semaphore(%run_scoped3A_135 : memref<!tpu.dma_semaphore, #tpu.memory_space<semaphore_mem>>) src(%dma_wait3A_163 : memref<128x64xf32, #tpu.memory_space<vmem>>) dst(%dma_wait3A_159 : memref<128x64xf32, #tpu.memory_space<hbm>>)
      tpu.yield
    }) : () -> ()
    %add3A_129 = arith.constant 512 : i32
    %add3A_130 = arith.addi %mul3A_2, %add3A_129 : i32
    %run_scoped3A_131 = arith.constant 0 : i32
    "tpu.region"() ({
      %run_scoped3A_135 = tpu.sem_alloc : memref<!tpu.dma_semaphore, #tpu.memory_space<semaphore_mem>>
      %dma_start3A_136 = arith.constant 0 : i32
      %dma_start3A_137 = arith.constant 0 : i32
      %dma_start3A_138 = tpu.memref_slice %arg11[%run_scoped3A_131, %dma_start3A_136, %dma_start3A_137] : memref<2x128x64xf32, #tpu.memory_space<vmem>> -> memref<1x128x64xf32, #tpu.memory_space<vmem>>
      %dma_start3A_139 = tpu.memref_squeeze %dma_start3A_138 : memref<1x128x64xf32, #tpu.memory_space<vmem>> -> memref<128x64xf32, #tpu.memory_space<vmem>>
      %dma_start3A_140 = arith.constant 0 : i32
      %dma_start3A_141 = tpu.memref_slice %arg12[%add3A_130, %dma_start3A_140] : memref<10240x64xf32, #tpu.memory_space<vmem_shared>> -> memref<128x64xf32, #tpu.memory_space<vmem_shared>>
      %dma_start3A_142 = arith.constant 0 : i32
      %dma_start3A_143 = arith.constant 0 : i32
      %dma_start3A_144 = tpu.memref_slice %arg11[%run_scoped3A_131, %dma_start3A_142, %dma_start3A_143] : memref<2x128x64xf32, #tpu.memory_space<vmem>> -> memref<1x128x64xf32, #tpu.memory_space<vmem>>
      %dma_start3A_145 = tpu.memref_squeeze %dma_start3A_144 : memref<1x128x64xf32, #tpu.memory_space<vmem>> -> memref<128x64xf32, #tpu.memory_space<vmem>>
      %dma_start3A_146 = arith.constant 0 : i32
      %dma_start3A_147 = tpu.memref_slice %arg12[%add3A_130, %dma_start3A_146] : memref<10240x64xf32, #tpu.memory_space<vmem_shared>> -> memref<128x64xf32, #tpu.memory_space<vmem_shared>>
      tpu.enqueue_dma source(%dma_start3A_147 : memref<128x64xf32, #tpu.memory_space<vmem_shared>>) target(%dma_start3A_145 : memref<128x64xf32, #tpu.memory_space<vmem>>) target_semaphore(%run_scoped3A_135 : memref<!tpu.dma_semaphore, #tpu.memory_space<semaphore_mem>>)
      %dma_wait3A_148 = arith.constant 0 : i32
      %dma_wait3A_149 = arith.constant 0 : i32
      %dma_wait3A_150 = tpu.memref_slice %arg11[%run_scoped3A_131, %dma_wait3A_148, %dma_wait3A_149] : memref<2x128x64xf32, #tpu.memory_space<vmem>> -> memref<1x128x64xf32, #tpu.memory_space<vmem>>
      %dma_wait3A_151 = tpu.memref_squeeze %dma_wait3A_150 : memref<1x128x64xf32, #tpu.memory_space<vmem>> -> memref<128x64xf32, #tpu.memory_space<vmem>>
      %dma_wait3A_152 = arith.constant 0 : i32
      %dma_wait3A_153 = tpu.memref_slice %arg12[%add3A_130, %dma_wait3A_152] : memref<10240x64xf32, #tpu.memory_space<vmem_shared>> -> memref<128x64xf32, #tpu.memory_space<vmem_shared>>
      %dma_wait3A_154 = arith.constant 0 : i32
      %dma_wait3A_155 = arith.constant 0 : i32
      %dma_wait3A_156 = tpu.memref_slice %arg11[%run_scoped3A_131, %dma_wait3A_154, %dma_wait3A_155] : memref<2x128x64xf32, #tpu.memory_space<vmem>> -> memref<1x128x64xf32, #tpu.memory_space<vmem>>
      %dma_wait3A_157 = tpu.memref_squeeze %dma_wait3A_156 : memref<1x128x64xf32, #tpu.memory_space<vmem>> -> memref<128x64xf32, #tpu.memory_space<vmem>>
      %dma_wait3A_158 = arith.constant 0 : i32
      %dma_wait3A_159 = tpu.memref_slice %arg12[%add3A_130, %dma_wait3A_158] : memref<10240x64xf32, #tpu.memory_space<vmem_shared>> -> memref<128x64xf32, #tpu.memory_space<vmem_shared>>
      tpu.wait_dma2 semaphore(%run_scoped3A_135 : memref<!tpu.dma_semaphore, #tpu.memory_space<semaphore_mem>>) src(%dma_wait3A_159 : memref<128x64xf32, #tpu.memory_space<vmem_shared>>) dst(%dma_wait3A_157 : memref<128x64xf32, #tpu.memory_space<vmem>>)
      tpu.yield
    }) : () -> ()
    %add3A_132 = arith.constant 512 : i32
    %add3A_133 = arith.addi %mul3A_2, %add3A_132 : i32
    %run_scoped3A_134 = arith.constant 0 : i32
    "tpu.region"() ({
      %run_scoped3A_135 = tpu.sem_alloc : memref<!tpu.dma_semaphore, #tpu.memory_space<semaphore_mem>>
      %dma_start3A_136 = arith.constant 0 : i32
      %dma_start3A_137 = arith.constant 0 : i32
      %dma_start3A_138 = tpu.memref_slice %arg11[%run_scoped3A_134, %dma_start3A_136, %dma_start3A_137] : memref<2x128x64xf32, #tpu.memory_space<vmem>> -> memref<1x128x64xf32, #tpu.memory_space<vmem>>
      %dma_start3A_139 = tpu.memref_squeeze %dma_start3A_138 : memref<1x128x64xf32, #tpu.memory_space<vmem>> -> memref<128x64xf32, #tpu.memory_space<vmem>>
      %dma_start3A_140 = arith.constant 0 : i32
      %dma_start3A_141 = tpu.memref_slice %arg6[%arg0, %add3A_133, %dma_start3A_140] : memref<2x10240x64xf32, #tpu.memory_space<hbm>> -> memref<1x128x64xf32, #tpu.memory_space<hbm>>
      %dma_start3A_142 = tpu.memref_squeeze %dma_start3A_141 : memref<1x128x64xf32, #tpu.memory_space<hbm>> -> memref<128x64xf32, #tpu.memory_space<hbm>>
      %dma_start3A_143 = arith.constant 0 : i32
      %dma_start3A_144 = tpu.memref_slice %arg6[%arg0, %add3A_133, %dma_start3A_143] : memref<2x10240x64xf32, #tpu.memory_space<hbm>> -> memref<1x128x64xf32, #tpu.memory_space<hbm>>
      %dma_start3A_145 = tpu.memref_squeeze %dma_start3A_144 : memref<1x128x64xf32, #tpu.memory_space<hbm>> -> memref<128x64xf32, #tpu.memory_space<hbm>>
      %dma_start3A_146 = arith.constant 0 : i32
      %dma_start3A_147 = arith.constant 0 : i32
      %dma_start3A_148 = tpu.memref_slice %arg11[%run_scoped3A_134, %dma_start3A_146, %dma_start3A_147] : memref<2x128x64xf32, #tpu.memory_space<vmem>> -> memref<1x128x64xf32, #tpu.memory_space<vmem>>
      %dma_start3A_149 = tpu.memref_squeeze %dma_start3A_148 : memref<1x128x64xf32, #tpu.memory_space<vmem>> -> memref<128x64xf32, #tpu.memory_space<vmem>>
      tpu.enqueue_dma source(%dma_start3A_149 : memref<128x64xf32, #tpu.memory_space<vmem>>) target(%dma_start3A_145 : memref<128x64xf32, #tpu.memory_space<hbm>>) target_semaphore(%run_scoped3A_135 : memref<!tpu.dma_semaphore, #tpu.memory_space<semaphore_mem>>)
      %dma_wait3A_150 = arith.constant 0 : i32
      %dma_wait3A_151 = arith.constant 0 : i32
      %dma_wait3A_152 = tpu.memref_slice %arg11[%run_scoped3A_134, %dma_wait3A_150, %dma_wait3A_151] : memref<2x128x64xf32, #tpu.memory_space<vmem>> -> memref<1x128x64xf32, #tpu.memory_space<vmem>>
      %dma_wait3A_153 = tpu.memref_squeeze %dma_wait3A_152 : memref<1x128x64xf32, #tpu.memory_space<vmem>> -> memref<128x64xf32, #tpu.memory_space<vmem>>
      %dma_wait3A_154 = arith.constant 0 : i32
      %dma_wait3A_155 = tpu.memref_slice %arg6[%arg0, %add3A_133, %dma_wait3A_154] : memref<2x10240x64xf32, #tpu.memory_space<hbm>> -> memref<1x128x64xf32, #tpu.memory_space<hbm>>
      %dma_wait3A_156 = tpu.memref_squeeze %dma_wait3A_155 : memref<1x128x64xf32, #tpu.memory_space<hbm>> -> memref<128x64xf32, #tpu.memory_space<hbm>>
      %dma_wait3A_157 = arith.constant 0 : i32
      %dma_wait3A_158 = tpu.memref_slice %arg6[%arg0, %add3A_133, %dma_wait3A_157] : memref<2x10240x64xf32, #tpu.memory_space<hbm>> -> memref<1x128x64xf32, #tpu.memory_space<hbm>>
      %dma_wait3A_159 = tpu.memref_squeeze %dma_wait3A_158 : memref<1x128x64xf32, #tpu.memory_space<hbm>> -> memref<128x64xf32, #tpu.memory_space<hbm>>
      %dma_wait3A_160 = arith.constant 0 : i32
      %dma_wait3A_161 = arith.constant 0 : i32
      %dma_wait3A_162 = tpu.memref_slice %arg11[%run_scoped3A_134, %dma_wait3A_160, %dma_wait3A_161] : memref<2x128x64xf32, #tpu.memory_space<vmem>> -> memref<1x128x64xf32, #tpu.memory_space<vmem>>
      %dma_wait3A_163 = tpu.memref_squeeze %dma_wait3A_162 : memref<1x128x64xf32, #tpu.memory_space<vmem>> -> memref<128x64xf32, #tpu.memory_space<vmem>>
      tpu.wait_dma2 semaphore(%run_scoped3A_135 : memref<!tpu.dma_semaphore, #tpu.memory_space<semaphore_mem>>) src(%dma_wait3A_163 : memref<128x64xf32, #tpu.memory_space<vmem>>) dst(%dma_wait3A_159 : memref<128x64xf32, #tpu.memory_space<hbm>>)
      tpu.yield
    }) : () -> ()
    return
  }
}

module attributes {stable_mosaic.version = 14 : i64} {
  func.func @_pq_body(%arg0: i32, %arg1: memref<1024x128xf32, #tpu.memory_space<vmem>>, %arg2: memref<128x64xf32, #tpu.memory_space<vmem>>, %arg3: memref<128x64xf32, #tpu.memory_space<vmem>>, %arg4: memref<1x64xf32, #tpu.memory_space<vmem>>, %arg5: memref<1024x64xbf16, #tpu.memory_space<vmem>>, %arg6: memref<1024x64xbf16, #tpu.memory_space<vmem>>) attributes {dimension_semantics = [#tpu.dimension_semantics<arbitrary>], iteration_bounds = array<i64: 10>, scalar_prefetch = 0 : i64, scratch_operands = 0 : i64, tpu.core_type = #tpu.core_type<tc>, window_params = [{transform_indices = @transform_0, window_bounds = array<i64: 1024, 128>}, {pipeline_mode = #tpu.pipeline_mode<synchronous>, transform_indices = @transform_1, window_bounds = array<i64: 128, 64>}, {pipeline_mode = #tpu.pipeline_mode<synchronous>, transform_indices = @transform_2, window_bounds = array<i64: 128, 64>}, {pipeline_mode = #tpu.pipeline_mode<synchronous>, transform_indices = @transform_3, window_bounds = array<i64: 1, 64>}, {transform_indices = @transform_4, window_bounds = array<i64: 1024, 64>}, {transform_indices = @transform_5, window_bounds = array<i64: 1024, 64>}]} {
    %get3A = arith.constant 0 : index
    %get3A_0 = arith.constant 0 : index
    %get3A_1 = vector.load %arg1[%get3A, %get3A_0] : memref<1024x128xf32, #tpu.memory_space<vmem>>, vector<1024x128xf32>
    %get3A_2 = arith.constant 0 : index
    %get3A_3 = arith.constant 0 : index
    %get3A_4 = vector.load %arg2[%get3A_2, %get3A_3] : memref<128x64xf32, #tpu.memory_space<vmem>>, vector<128x64xf32>
    %dot_general3A = arith.constant dense<0.000000e+00> : vector<1024x64xf32>
    %dot_general3A_5 = tpu.matmul %get3A_1, %get3A_4, %dot_general3A {dimension_numbers = #tpu.dot_dimension_numbers<[1], [0], [0], [1], [0, 0, 1, 1], [], []>, transpose_lhs_hint = false} : vector<1024x128xf32>, vector<128x64xf32>, vector<1024x64xf32> -> vector<1024x64xf32>
    %convert_element_type3A = arith.truncf %dot_general3A_5 : vector<1024x64xf32> to vector<1024x64xbf16>
    %swap3A = arith.constant 0 : index
    %swap3A_6 = arith.constant 0 : index
    %swap3A_7 = vector.load %arg5[%swap3A, %swap3A_6] : memref<1024x64xbf16, #tpu.memory_space<vmem>>, vector<1024x64xbf16>
    tpu.vector_store %arg5[%swap3A, %swap3A_6], %convert_element_type3A {strides = array<i32>} : memref<1024x64xbf16, #tpu.memory_space<vmem>>, vector<1024x64xbf16>,
    %get3A_8 = arith.constant 0 : index
    %get3A_9 = arith.constant 0 : index
    %get3A_10 = vector.load %arg3[%get3A_8, %get3A_9] : memref<128x64xf32, #tpu.memory_space<vmem>>, vector<128x64xf32>
    %dot_general3A_11 = arith.constant dense<0.000000e+00> : vector<1024x64xf32>
    %dot_general3A_12 = tpu.matmul %get3A_1, %get3A_10, %dot_general3A_11 {dimension_numbers = #tpu.dot_dimension_numbers<[1], [0], [0], [1], [0, 0, 1, 1], [], []>, transpose_lhs_hint = false} : vector<1024x128xf32>, vector<128x64xf32>, vector<1024x64xf32> -> vector<1024x64xf32>
    %get3A_13 = arith.constant 0 : index
    %get3A_14 = arith.constant 0 : index
    %get3A_15 = vector.load %arg4[%get3A_13, %get3A_14] : memref<1x64xf32, #tpu.memory_space<vmem>>, vector<1x64xf32>
    %add3A = vector.broadcast %get3A_15 : vector<1x64xf32> to vector<1024x64xf32>
    %add3A_16 = arith.addf %dot_general3A_12, %add3A : vector<1024x64xf32>
    %convert_element_type3A_17 = arith.truncf %add3A_16 : vector<1024x64xf32> to vector<1024x64xbf16>
    %swap3A_18 = arith.constant 0 : index
    %swap3A_19 = arith.constant 0 : index
    %swap3A_20 = vector.load %arg6[%swap3A_18, %swap3A_19] : memref<1024x64xbf16, #tpu.memory_space<vmem>>, vector<1024x64xbf16>
    tpu.vector_store %arg6[%swap3A_18, %swap3A_19], %convert_element_type3A_17 {strides = array<i32>} : memref<1024x64xbf16, #tpu.memory_space<vmem>>, vector<1024x64xbf16>,
    return
  }
  func.func @transform_0(%arg0: i32) -> (i32, i32) {
    %c0_i32 = arith.constant 0 : i32
    %c0_i32_0 = arith.constant 0 : i32
    return %arg0, %c0_i32 : i32, i32
  }
  func.func @transform_1(%arg0: i32) -> (i32, i32) {
    %c0_i32 = arith.constant 0 : i32
    %c0_i32_0 = arith.constant 0 : i32
    %c0_i32_1 = arith.constant 0 : i32
    return %c0_i32, %c0_i32_0 : i32, i32
  }
  func.func @transform_2(%arg0: i32) -> (i32, i32) {
    %c0_i32 = arith.constant 0 : i32
    %c0_i32_0 = arith.constant 0 : i32
    %c0_i32_1 = arith.constant 0 : i32
    return %c0_i32, %c0_i32_0 : i32, i32
  }
  func.func @transform_3(%arg0: i32) -> (i32, i32) {
    %c0_i32 = arith.constant 0 : i32
    %c0_i32_0 = arith.constant 0 : i32
    %c0_i32_1 = arith.constant 0 : i32
    return %c0_i32, %c0_i32_0 : i32, i32
  }
  func.func @transform_4(%arg0: i32) -> (i32, i32) {
    %c0_i32 = arith.constant 0 : i32
    %c0_i32_0 = arith.constant 0 : i32
    return %arg0, %c0_i32 : i32, i32
  }
  func.func @transform_5(%arg0: i32) -> (i32, i32) {
    %c0_i32 = arith.constant 0 : i32
    %c0_i32_0 = arith.constant 0 : i32
    return %arg0, %c0_i32 : i32, i32
  }
}

module attributes {stable_mosaic.version = 14 : i64} {
  func.func @_step_body(%arg0: i32, %arg1: memref<1024x128xf32, #tpu.memory_space<vmem>>, %arg2: memref<2x1024x64xf32, #tpu.memory_space<vmem>>, %arg3: memref<128x64xf32, #tpu.memory_space<vmem>>, %arg4: memref<64x64xf32, #tpu.memory_space<vmem>>, %arg5: memref<1x64xf32, #tpu.memory_space<vmem>>, %arg6: memref<64x128xf32, #tpu.memory_space<vmem>>, %arg7: memref<1x128xf32, #tpu.memory_space<vmem>>, %arg8: memref<128x64xf32, #tpu.memory_space<vmem>>, %arg9: memref<128x64xf32, #tpu.memory_space<vmem>>, %arg10: memref<1x64xf32, #tpu.memory_space<vmem>>, %arg11: memref<1024x128xf32, #tpu.memory_space<vmem>>, %arg12: memref<1024x64xbf16, #tpu.memory_space<vmem>>, %arg13: memref<1024x64xbf16, #tpu.memory_space<vmem>>) attributes {dimension_semantics = [#tpu.dimension_semantics<arbitrary>], iteration_bounds = array<i64: 10>, scalar_prefetch = 0 : i64, scratch_operands = 0 : i64, tpu.core_type = #tpu.core_type<tc>, window_params = [{transform_indices = @transform_0, window_bounds = array<i64: 1024, 128>}, {transform_indices = @transform_1, window_bounds = array<i64: 2, 1024, 64>}, {pipeline_mode = #tpu.pipeline_mode<synchronous>, transform_indices = @transform_2, window_bounds = array<i64: 128, 64>}, {pipeline_mode = #tpu.pipeline_mode<synchronous>, transform_indices = @transform_3, window_bounds = array<i64: 64, 64>}, {pipeline_mode = #tpu.pipeline_mode<synchronous>, transform_indices = @transform_4, window_bounds = array<i64: 1, 64>}, {pipeline_mode = #tpu.pipeline_mode<synchronous>, transform_indices = @transform_5, window_bounds = array<i64: 64, 128>}, {pipeline_mode = #tpu.pipeline_mode<synchronous>, transform_indices = @transform_6, window_bounds = array<i64: 1, 128>}, {pipeline_mode = #tpu.pipeline_mode<synchronous>, transform_indices = @transform_7, window_bounds = array<i64: 128, 64>}, {pipeline_mode = #tpu.pipeline_mode<synchronous>, transform_indices = @transform_8, window_bounds = array<i64: 128, 64>}, {pipeline_mode = #tpu.pipeline_mode<synchronous>, transform_indices = @transform_9, window_bounds = array<i64: 1, 64>}, {transform_indices = @transform_10, window_bounds = array<i64: 1024, 128>}, {transform_indices = @transform_11, window_bounds = array<i64: 1024, 64>}, {transform_indices = @transform_12, window_bounds = array<i64: 1024, 64>}]} {
    %get3A = arith.constant 0 : index
    %get3A_0 = arith.constant 0 : index
    %get3A_1 = vector.load %arg1[%get3A, %get3A_0] : memref<1024x128xf32, #tpu.memory_space<vmem>>, vector<1024x128xf32>
    %get3A_2 = arith.constant 0 : index
    %get3A_3 = arith.constant 0 : index
    %get3A_4 = arith.constant 0 : index
    %get3A_5 = vector.load %arg2[%get3A_2, %get3A_3, %get3A_4] : memref<2x1024x64xf32, #tpu.memory_space<vmem>>, vector<1x1024x64xf32>
    %get3A_6 = vector.shape_cast %get3A_5 : vector<1x1024x64xf32> to vector<1024x64xf32>
    %get3A_7 = arith.constant 1 : index
    %get3A_8 = arith.constant 0 : index
    %get3A_9 = arith.constant 0 : index
    %get3A_10 = vector.load %arg2[%get3A_7, %get3A_8, %get3A_9] : memref<2x1024x64xf32, #tpu.memory_space<vmem>>, vector<1x1024x64xf32>
    %get3A_11 = vector.shape_cast %get3A_10 : vector<1x1024x64xf32> to vector<1024x64xf32>
    %add3A = arith.addf %get3A_6, %get3A_11 : vector<1024x64xf32>
    %get3A_12 = arith.constant 0 : index
    %get3A_13 = arith.constant 0 : index
    %get3A_14 = vector.load %arg3[%get3A_12, %get3A_13] : memref<128x64xf32, #tpu.memory_space<vmem>>, vector<128x64xf32>
    %dot_general3A = arith.constant dense<0.000000e+00> : vector<1024x64xf32>
    %dot_general3A_15 = tpu.matmul %get3A_1, %get3A_14, %dot_general3A {dimension_numbers = #tpu.dot_dimension_numbers<[1], [0], [0], [1], [0, 0, 1, 1], [], []>, transpose_lhs_hint = false} : vector<1024x128xf32>, vector<128x64xf32>, vector<1024x64xf32> -> vector<1024x64xf32>
    %get3A_16 = arith.constant 0 : index
    %get3A_17 = arith.constant 0 : index
    %get3A_18 = vector.load %arg4[%get3A_16, %get3A_17] : memref<64x64xf32, #tpu.memory_space<vmem>>, vector<64x64xf32>
    %dot_general3A_19 = arith.constant dense<0.000000e+00> : vector<1024x64xf32>
    %dot_general3A_20 = tpu.matmul %add3A, %get3A_18, %dot_general3A_19 {dimension_numbers = #tpu.dot_dimension_numbers<[1], [0], [0], [1], [0, 0, 1, 1], [], []>, transpose_lhs_hint = false} : vector<1024x64xf32>, vector<64x64xf32>, vector<1024x64xf32> -> vector<1024x64xf32>
    %add3A_21 = arith.addf %dot_general3A_15, %dot_general3A_20 : vector<1024x64xf32>
    %get3A_22 = arith.constant 0 : index
    %get3A_23 = arith.constant 0 : index
    %get3A_24 = vector.load %arg5[%get3A_22, %get3A_23] : memref<1x64xf32, #tpu.memory_space<vmem>>, vector<1x64xf32>
    %add3A_25 = vector.broadcast %get3A_24 : vector<1x64xf32> to vector<1024x64xf32>
    %add3A_26 = arith.addf %add3A_21, %add3A_25 : vector<1024x64xf32>
    %max3A = arith.constant 0.000000e+00 : f32
    %max3A_27 = vector.broadcast %max3A : f32 to vector<1024x64xf32>
    %max3A_28 = arith.maximumf %add3A_26, %max3A_27 : vector<1024x64xf32>
    %get3A_29 = arith.constant 0 : index
    %get3A_30 = arith.constant 0 : index
    %get3A_31 = vector.load %arg6[%get3A_29, %get3A_30] : memref<64x128xf32, #tpu.memory_space<vmem>>, vector<64x128xf32>
    %dot_general3A_32 = arith.constant dense<0.000000e+00> : vector<1024x128xf32>
    %dot_general3A_33 = tpu.matmul %max3A_28, %get3A_31, %dot_general3A_32 {dimension_numbers = #tpu.dot_dimension_numbers<[1], [0], [0], [1], [0, 0, 1, 1], [], []>, transpose_lhs_hint = false} : vector<1024x64xf32>, vector<64x128xf32>, vector<1024x128xf32> -> vector<1024x128xf32>
    %add3A_34 = arith.addf %get3A_1, %dot_general3A_33 : vector<1024x128xf32>
    %get3A_35 = arith.constant 0 : index
    %get3A_36 = arith.constant 0 : index
    %get3A_37 = vector.load %arg7[%get3A_35, %get3A_36] : memref<1x128xf32, #tpu.memory_space<vmem>>, vector<1x128xf32>
    %add3A_38 = vector.broadcast %get3A_37 : vector<1x128xf32> to vector<1024x128xf32>
    %add3A_39 = arith.addf %add3A_34, %add3A_38 : vector<1024x128xf32>
    %swap3A = arith.constant 0 : index
    %swap3A_40 = arith.constant 0 : index
    %swap3A_41 = vector.load %arg11[%swap3A, %swap3A_40] : memref<1024x128xf32, #tpu.memory_space<vmem>>, vector<1024x128xf32>
    tpu.vector_store %arg11[%swap3A, %swap3A_40], %add3A_39 {strides = array<i32>} : memref<1024x128xf32, #tpu.memory_space<vmem>>, vector<1024x128xf32>,
    %get3A_42 = arith.constant 0 : index
    %get3A_43 = arith.constant 0 : index
    %get3A_44 = vector.load %arg8[%get3A_42, %get3A_43] : memref<128x64xf32, #tpu.memory_space<vmem>>, vector<128x64xf32>
    %dot_general3A_45 = arith.constant dense<0.000000e+00> : vector<1024x64xf32>
    %dot_general3A_46 = tpu.matmul %add3A_39, %get3A_44, %dot_general3A_45 {dimension_numbers = #tpu.dot_dimension_numbers<[1], [0], [0], [1], [0, 0, 1, 1], [], []>, transpose_lhs_hint = false} : vector<1024x128xf32>, vector<128x64xf32>, vector<1024x64xf32> -> vector<1024x64xf32>
    %convert_element_type3A = arith.truncf %dot_general3A_46 : vector<1024x64xf32> to vector<1024x64xbf16>
    %swap3A_47 = arith.constant 0 : index
    %swap3A_48 = arith.constant 0 : index
    %swap3A_49 = vector.load %arg12[%swap3A_47, %swap3A_48] : memref<1024x64xbf16, #tpu.memory_space<vmem>>, vector<1024x64xbf16>
    tpu.vector_store %arg12[%swap3A_47, %swap3A_48], %convert_element_type3A {strides = array<i32>} : memref<1024x64xbf16, #tpu.memory_space<vmem>>, vector<1024x64xbf16>,
    %get3A_50 = arith.constant 0 : index
    %get3A_51 = arith.constant 0 : index
    %get3A_52 = vector.load %arg9[%get3A_50, %get3A_51] : memref<128x64xf32, #tpu.memory_space<vmem>>, vector<128x64xf32>
    %dot_general3A_53 = arith.constant dense<0.000000e+00> : vector<1024x64xf32>
    %dot_general3A_54 = tpu.matmul %add3A_39, %get3A_52, %dot_general3A_53 {dimension_numbers = #tpu.dot_dimension_numbers<[1], [0], [0], [1], [0, 0, 1, 1], [], []>, transpose_lhs_hint = false} : vector<1024x128xf32>, vector<128x64xf32>, vector<1024x64xf32> -> vector<1024x64xf32>
    %get3A_55 = arith.constant 0 : index
    %get3A_56 = arith.constant 0 : index
    %get3A_57 = vector.load %arg10[%get3A_55, %get3A_56] : memref<1x64xf32, #tpu.memory_space<vmem>>, vector<1x64xf32>
    %add3A_58 = vector.broadcast %get3A_57 : vector<1x64xf32> to vector<1024x64xf32>
    %add3A_59 = arith.addf %dot_general3A_54, %add3A_58 : vector<1024x64xf32>
    %convert_element_type3A_60 = arith.truncf %add3A_59 : vector<1024x64xf32> to vector<1024x64xbf16>
    %swap3A_61 = arith.constant 0 : index
    %swap3A_62 = arith.constant 0 : index
    %swap3A_63 = vector.load %arg13[%swap3A_61, %swap3A_62] : memref<1024x64xbf16, #tpu.memory_space<vmem>>, vector<1024x64xbf16>
    tpu.vector_store %arg13[%swap3A_61, %swap3A_62], %convert_element_type3A_60 {strides = array<i32>} : memref<1024x64xbf16, #tpu.memory_space<vmem>>, vector<1024x64xbf16>,
    return
  }
  func.func @transform_0(%arg0: i32) -> (i32, i32) {
    %c0_i32 = arith.constant 0 : i32
    %c0_i32_0 = arith.constant 0 : i32
    return %arg0, %c0_i32 : i32, i32
  }
  func.func @transform_1(%arg0: i32) -> (i32, i32, i32) {
    %c0_i32 = arith.constant 0 : i32
    %c0_i32_0 = arith.constant 0 : i32
    %c0_i32_1 = arith.constant 0 : i32
    return %c0_i32, %arg0, %c0_i32_0 : i32, i32, i32
  }
  func.func @transform_2(%arg0: i32) -> (i32, i32) {
    %c0_i32 = arith.constant 0 : i32
    %c0_i32_0 = arith.constant 0 : i32
    %c0_i32_1 = arith.constant 0 : i32
    return %c0_i32, %c0_i32_0 : i32, i32
  }
  func.func @transform_3(%arg0: i32) -> (i32, i32) {
    %c0_i32 = arith.constant 0 : i32
    %c0_i32_0 = arith.constant 0 : i32
    %c0_i32_1 = arith.constant 0 : i32
    return %c0_i32, %c0_i32_0 : i32, i32
  }
  func.func @transform_4(%arg0: i32) -> (i32, i32) {
    %c0_i32 = arith.constant 0 : i32
    %c0_i32_0 = arith.constant 0 : i32
    %c0_i32_1 = arith.constant 0 : i32
    return %c0_i32, %c0_i32_0 : i32, i32
  }
  func.func @transform_5(%arg0: i32) -> (i32, i32) {
    %c0_i32 = arith.constant 0 : i32
    %c0_i32_0 = arith.constant 0 : i32
    %c0_i32_1 = arith.constant 0 : i32
    return %c0_i32, %c0_i32_0 : i32, i32
  }
  func.func @transform_6(%arg0: i32) -> (i32, i32) {
    %c0_i32 = arith.constant 0 : i32
    %c0_i32_0 = arith.constant 0 : i32
    %c0_i32_1 = arith.constant 0 : i32
    return %c0_i32, %c0_i32_0 : i32, i32
  }
  func.func @transform_7(%arg0: i32) -> (i32, i32) {
    %c0_i32 = arith.constant 0 : i32
    %c0_i32_0 = arith.constant 0 : i32
    %c0_i32_1 = arith.constant 0 : i32
    return %c0_i32, %c0_i32_0 : i32, i32
  }
  func.func @transform_8(%arg0: i32) -> (i32, i32) {
    %c0_i32 = arith.constant 0 : i32
    %c0_i32_0 = arith.constant 0 : i32
    %c0_i32_1 = arith.constant 0 : i32
    return %c0_i32, %c0_i32_0 : i32, i32
  }
  func.func @transform_9(%arg0: i32) -> (i32, i32) {
    %c0_i32 = arith.constant 0 : i32
    %c0_i32_0 = arith.constant 0 : i32
    %c0_i32_1 = arith.constant 0 : i32
    return %c0_i32, %c0_i32_0 : i32, i32
  }
  func.func @transform_10(%arg0: i32) -> (i32, i32) {
    %c0_i32 = arith.constant 0 : i32
    %c0_i32_0 = arith.constant 0 : i32
    return %arg0, %c0_i32 : i32, i32
  }
  func.func @transform_11(%arg0: i32) -> (i32, i32) {
    %c0_i32 = arith.constant 0 : i32
    %c0_i32_0 = arith.constant 0 : i32
    return %arg0, %c0_i32 : i32, i32
  }
  func.func @transform_12(%arg0: i32) -> (i32, i32) {
    %c0_i32 = arith.constant 0 : i32
    %c0_i32_0 = arith.constant 0 : i32
    return %arg0, %c0_i32 : i32, i32
  }
}

module attributes {stable_mosaic.version = 14 : i64} {
  func.func @_final_body(%arg0: i32, %arg1: memref<1024x128xf32, #tpu.memory_space<vmem>>, %arg2: memref<2x1024x64xf32, #tpu.memory_space<vmem>>, %arg3: memref<128x64xf32, #tpu.memory_space<vmem>>, %arg4: memref<64x64xf32, #tpu.memory_space<vmem>>, %arg5: memref<1x64xf32, #tpu.memory_space<vmem>>, %arg6: memref<64x128xf32, #tpu.memory_space<vmem>>, %arg7: memref<1x128xf32, #tpu.memory_space<vmem>>, %arg8: memref<1024x128xf32, #tpu.memory_space<vmem>>) attributes {dimension_semantics = [#tpu.dimension_semantics<arbitrary>], iteration_bounds = array<i64: 10>, scalar_prefetch = 0 : i64, scratch_operands = 0 : i64, tpu.core_type = #tpu.core_type<tc>, window_params = [{transform_indices = @transform_0, window_bounds = array<i64: 1024, 128>}, {transform_indices = @transform_1, window_bounds = array<i64: 2, 1024, 64>}, {pipeline_mode = #tpu.pipeline_mode<synchronous>, transform_indices = @transform_2, window_bounds = array<i64: 128, 64>}, {pipeline_mode = #tpu.pipeline_mode<synchronous>, transform_indices = @transform_3, window_bounds = array<i64: 64, 64>}, {pipeline_mode = #tpu.pipeline_mode<synchronous>, transform_indices = @transform_4, window_bounds = array<i64: 1, 64>}, {pipeline_mode = #tpu.pipeline_mode<synchronous>, transform_indices = @transform_5, window_bounds = array<i64: 64, 128>}, {pipeline_mode = #tpu.pipeline_mode<synchronous>, transform_indices = @transform_6, window_bounds = array<i64: 1, 128>}, {transform_indices = @transform_7, window_bounds = array<i64: 1024, 128>}]} {
    %get3A = arith.constant 0 : index
    %get3A_0 = arith.constant 0 : index
    %get3A_1 = vector.load %arg1[%get3A, %get3A_0] : memref<1024x128xf32, #tpu.memory_space<vmem>>, vector<1024x128xf32>
    %get3A_2 = arith.constant 0 : index
    %get3A_3 = arith.constant 0 : index
    %get3A_4 = arith.constant 0 : index
    %get3A_5 = vector.load %arg2[%get3A_2, %get3A_3, %get3A_4] : memref<2x1024x64xf32, #tpu.memory_space<vmem>>, vector<1x1024x64xf32>
    %get3A_6 = vector.shape_cast %get3A_5 : vector<1x1024x64xf32> to vector<1024x64xf32>
    %get3A_7 = arith.constant 1 : index
    %get3A_8 = arith.constant 0 : index
    %get3A_9 = arith.constant 0 : index
    %get3A_10 = vector.load %arg2[%get3A_7, %get3A_8, %get3A_9] : memref<2x1024x64xf32, #tpu.memory_space<vmem>>, vector<1x1024x64xf32>
    %get3A_11 = vector.shape_cast %get3A_10 : vector<1x1024x64xf32> to vector<1024x64xf32>
    %add3A = arith.addf %get3A_6, %get3A_11 : vector<1024x64xf32>
    %get3A_12 = arith.constant 0 : index
    %get3A_13 = arith.constant 0 : index
    %get3A_14 = vector.load %arg3[%get3A_12, %get3A_13] : memref<128x64xf32, #tpu.memory_space<vmem>>, vector<128x64xf32>
    %dot_general3A = arith.constant dense<0.000000e+00> : vector<1024x64xf32>
    %dot_general3A_15 = tpu.matmul %get3A_1, %get3A_14, %dot_general3A {dimension_numbers = #tpu.dot_dimension_numbers<[1], [0], [0], [1], [0, 0, 1, 1], [], []>, transpose_lhs_hint = false} : vector<1024x128xf32>, vector<128x64xf32>, vector<1024x64xf32> -> vector<1024x64xf32>
    %get3A_16 = arith.constant 0 : index
    %get3A_17 = arith.constant 0 : index
    %get3A_18 = vector.load %arg4[%get3A_16, %get3A_17] : memref<64x64xf32, #tpu.memory_space<vmem>>, vector<64x64xf32>
    %dot_general3A_19 = arith.constant dense<0.000000e+00> : vector<1024x64xf32>
    %dot_general3A_20 = tpu.matmul %add3A, %get3A_18, %dot_general3A_19 {dimension_numbers = #tpu.dot_dimension_numbers<[1], [0], [0], [1], [0, 0, 1, 1], [], []>, transpose_lhs_hint = false} : vector<1024x64xf32>, vector<64x64xf32>, vector<1024x64xf32> -> vector<1024x64xf32>
    %add3A_21 = arith.addf %dot_general3A_15, %dot_general3A_20 : vector<1024x64xf32>
    %get3A_22 = arith.constant 0 : index
    %get3A_23 = arith.constant 0 : index
    %get3A_24 = vector.load %arg5[%get3A_22, %get3A_23] : memref<1x64xf32, #tpu.memory_space<vmem>>, vector<1x64xf32>
    %add3A_25 = vector.broadcast %get3A_24 : vector<1x64xf32> to vector<1024x64xf32>
    %add3A_26 = arith.addf %add3A_21, %add3A_25 : vector<1024x64xf32>
    %max3A = arith.constant 0.000000e+00 : f32
    %max3A_27 = vector.broadcast %max3A : f32 to vector<1024x64xf32>
    %max3A_28 = arith.maximumf %add3A_26, %max3A_27 : vector<1024x64xf32>
    %get3A_29 = arith.constant 0 : index
    %get3A_30 = arith.constant 0 : index
    %get3A_31 = vector.load %arg6[%get3A_29, %get3A_30] : memref<64x128xf32, #tpu.memory_space<vmem>>, vector<64x128xf32>
    %dot_general3A_32 = arith.constant dense<0.000000e+00> : vector<1024x128xf32>
    %dot_general3A_33 = tpu.matmul %max3A_28, %get3A_31, %dot_general3A_32 {dimension_numbers = #tpu.dot_dimension_numbers<[1], [0], [0], [1], [0, 0, 1, 1], [], []>, transpose_lhs_hint = false} : vector<1024x64xf32>, vector<64x128xf32>, vector<1024x128xf32> -> vector<1024x128xf32>
    %add3A_34 = arith.addf %get3A_1, %dot_general3A_33 : vector<1024x128xf32>
    %get3A_35 = arith.constant 0 : index
    %get3A_36 = arith.constant 0 : index
    %get3A_37 = vector.load %arg7[%get3A_35, %get3A_36] : memref<1x128xf32, #tpu.memory_space<vmem>>, vector<1x128xf32>
    %add3A_38 = vector.broadcast %get3A_37 : vector<1x128xf32> to vector<1024x128xf32>
    %add3A_39 = arith.addf %add3A_34, %add3A_38 : vector<1024x128xf32>
    %swap3A = arith.constant 0 : index
    %swap3A_40 = arith.constant 0 : index
    %swap3A_41 = vector.load %arg8[%swap3A, %swap3A_40] : memref<1024x128xf32, #tpu.memory_space<vmem>>, vector<1024x128xf32>
    tpu.vector_store %arg8[%swap3A, %swap3A_40], %add3A_39 {strides = array<i32>} : memref<1024x128xf32, #tpu.memory_space<vmem>>, vector<1024x128xf32>,
    return
  }
  func.func @transform_0(%arg0: i32) -> (i32, i32) {
    %c0_i32 = arith.constant 0 : i32
    %c0_i32_0 = arith.constant 0 : i32
    return %arg0, %c0_i32 : i32, i32
  }
  func.func @transform_1(%arg0: i32) -> (i32, i32, i32) {
    %c0_i32 = arith.constant 0 : i32
    %c0_i32_0 = arith.constant 0 : i32
    %c0_i32_1 = arith.constant 0 : i32
    return %c0_i32, %arg0, %c0_i32_0 : i32, i32, i32
  }
  func.func @transform_2(%arg0: i32) -> (i32, i32) {
    %c0_i32 = arith.constant 0 : i32
    %c0_i32_0 = arith.constant 0 : i32
    %c0_i32_1 = arith.constant 0 : i32
    return %c0_i32, %c0_i32_0 : i32, i32
  }
  func.func @transform_3(%arg0: i32) -> (i32, i32) {
    %c0_i32 = arith.constant 0 : i32
    %c0_i32_0 = arith.constant 0 : i32
    %c0_i32_1 = arith.constant 0 : i32
    return %c0_i32, %c0_i32_0 : i32, i32
  }
  func.func @transform_4(%arg0: i32) -> (i32, i32) {
    %c0_i32 = arith.constant 0 : i32
    %c0_i32_0 = arith.constant 0 : i32
    %c0_i32_1 = arith.constant 0 : i32
    return %c0_i32, %c0_i32_0 : i32, i32
  }
  func.func @transform_5(%arg0: i32) -> (i32, i32) {
    %c0_i32 = arith.constant 0 : i32
    %c0_i32_0 = arith.constant 0 : i32
    %c0_i32_1 = arith.constant 0 : i32
    return %c0_i32, %c0_i32_0 : i32, i32
  }
  func.func @transform_6(%arg0: i32) -> (i32, i32) {
    %c0_i32 = arith.constant 0 : i32
    %c0_i32_0 = arith.constant 0 : i32
    %c0_i32_1 = arith.constant 0 : i32
    return %c0_i32, %c0_i32_0 : i32, i32
  }
  func.func @transform_7(%arg0: i32) -> (i32, i32) {
    %c0_i32 = arith.constant 0 : i32
    %c0_i32_0 = arith.constant 0 : i32
    return %arg0, %c0_i32 : i32, i32
  }
}

</mosaic_0001>

<sc_bundles>
// kernel: kernel.10.cloned.1.call-start
scs
__scs_entry_jumppad:
0x0: {  	(pc) =	sbr.rel $0x88, $3  }
0x1: {  	(tag) =	ssettag $0x0;
	lr =	simm.s32 $0x1  }
0x2: {  	[smem:$0x3F99] =	sst lr;
	_ =	strace $0xD0000000  }
0x3: {  	_ = 	snop  }
0x4: {  	_ = 	snop  }
0x5: {  	_ = 	snop  }
0x6: {  	_ = 	snop  }
0x7: {  	_ = 	snop  }
__scs_overlays_trampoline_lowered:
0x8: {  	[smem:$0x3FA8] =	sst s0  }
0x9: {  	[smem:$0x3FA9] =	sst s1  }
0xa: {  	[smem:$0x3FAA] =	sst s2  }
0xb: {  	[smem:$0x3FAB] =	sst s3  }
0xc: {  	[smem:$0x3FAC] =	sst s4  }
0xd: {  	[smem:$0x3FAD] =	sst s5  }
0xe: {  	[smem:$0x3FAE] =	sst s6  }
0xf: {  	[smem:$0x3FAF] =	sst s7  }
0x10: {  	[smem:$0x3FB0] =	sst s8  }
0x11: {  	[smem:$0x3FB1] =	sst s9;
	s0 =	simm.s32 @!p0 $0x0  }
0x12: {  	s1 =	sld [smem:$0x3F97];
	s0 =	simm.s32 @p0 $0x1  }
0x13: {  	[smem:$0x3FB2] =	sst s0;
	s0 =	simm.s32 @!p1 $0x0  }
0x14: {  	s2 =	sld [smem:$0x3F96];
	s0 =	simm.s32 @p1 $0x1  }
0x15: {  	[smem:$0x3FB3] =	sst s0;
	s0 =	simm.s32 @!p2 $0x0  }
0x16: {  	s3 =	sld [smem:$0x3FDB];
	s0 =	simm.s32 @p2 $0x1  }
0x17: {  	s4 =	simm.s32 $0x1BF5;
	[smem:$0x3FB5] =	sst s0  }
0x18: {  	s0 =	sld [smem:$0x3F98];
	_ =	swait.ge [sflag:s4], $0x0  }
0x19: {  	s7 =	sld [smem:$0x3F99]  }
0x1a: {  	s8 =	sadd.s32 $0xFFFFE003, lr  }
0x1b: {  	s9 =	sadd.s32 $0xFFFFFEF7, lr;
	s5 =	simm.s32 $0xFFFFFFFF;
	p2 =	slt.u32 s8, $0xFFFFF086  }
0x1c: {  	p1 =	slt.u32 s9, $0xF7A;
	s5 =	simm.s32 @!p2 $0x0  }
0x1d: {  	s5 =	simm.s32 @p1 $0x1;
	p0 =	seq.s32 s7, s2  }
0x1e: {  	s7 =	smul.u32 @!p0 $0xF7A, s2;
	p2 =	seq.s32 @!p0 s5, $0x0  }
0x1f: {  	s9 =	smul.u32 $0xF7A, s1;
	s8 =	simm.s32 @!p0 $0x1BF5;
	p2 =	por !p2, p0  }
0x20: {  	[sflag:s8] =	ssyncset.s32 @!p0 $0xFFFFF086;
	s6 =	sadd.s32 @!p0 s3, s7;
	s7 =	simm.s32 @!p0 $0x108  }
0x21: {  	s3 =	sadd.s32 s3, s9;
	s6 =	sadd.s32 @!p0 $0x88, s6;
	s7 =	simm.s32 @p2 $0x1082  }
0x22: {  	[simem:s7], [sflag:s8] =	dma.local @!p0 [hbm:s6], $0xF7A  }
0x23: {  	s9 =	sor.u32 $0xD0000000, s2;
	s6 =	simm.s32 $0x108;
	_ =	swait.ge @!p0 [sflag:s8], $0x0  }
0x24: {  	s3 =	sadd.s32 $0x88, s3;
	s6 =	simm.s32 @!p1 $0x1082;
	[sflag:s4] =	ssyncset.s32 $0xFFFFF086  }
0x25: {  	[simem:s6], [sflag:s4] =	dma.local [hbm:s3], $0xF7A  }
0x26: {  	[smem:$0x3F99] =	sst s1;
	(tag) =	ssettag s2;
	_ =	strace s9  }
0x27: {  	s1 =	sld [smem:$0x3FA9]  }
0x28: {  	s2 =	sld [smem:$0x3FAA]  }
0x29: {  	s4 =	sld [smem:$0x3FAC]  }
0x2a: {  	p0 =	seq.s32 s5, $0x0;
	s5 =	sld [smem:$0x3FAD]  }
0x2b: {  	s6 =	sld [smem:$0x3FAE]  }
0x2c: {  	s7 =	sld [smem:$0x3FAF]  }
0x2d: {  	s3 =	simm.s32 $0x108;
	s8 =	sld [smem:$0x3FB0]  }
0x2e: {  	s3 =	simm.s32 @!p0 $0x1082;
	s9 =	sld [smem:$0x3FB1]  }
0x2f: {  	lr =	sadd.s32 s0, s3;
	s0 =	sld [smem:$0x3FA8]  }
0x30: {  	s3 =	sld [smem:$0x3FAB]  }
0x31: {  	[smem:$0x3FB4] =	sst s10  }
0x32: {  	s10 =	sld [smem:$0x3FB2];
	_ =	sdelay $0x3  }
0x33: {  	p0 =	seq.s32 s10, $0x1;
	s10 =	sld [smem:$0x3FB4];
	_ =	sdelay $0x3  }
0x34: {  	[smem:$0x3FB4] =	sst s10  }
0x35: {  	s10 =	sld [smem:$0x3FB3];
	_ =	sdelay $0x3  }
0x36: {  	p1 =	seq.s32 s10, $0x1;
	s10 =	sld [smem:$0x3FB4];
	_ =	sdelay $0x3  }
0x37: {  	[smem:$0x3FB4] =	sst s10  }
0x38: {  	s10 =	sld [smem:$0x3FB5]  }
0x39: {  	_ = 	snop;
	(pc) =	sbr.ind lr, $3  }
0x3a: {  	_ = 	snop  }
0x3b: {  	_ = 	snop  }
0x3c: {  	p2 =	seq.s32 s10, $0x1;
	s10 =	sld [smem:$0x3FB4]  }
0x3d: {  	_ =	shalt  }
0x3e: {  	_ =	shalt  }
0x3f: {  	_ =	shalt  }
0x40: {  	_ =	shalt  }
0x41: {  	_ =	shalt  }
0x42: {  	_ =	shalt  }
0x43: {  	_ =	shalt  }
0x44: {  	_ =	shalt  }
0x45: {  	_ =	shalt  }
0x46: {  	_ =	shalt  }
0x47: {  	_ =	shalt  }
0x48: {  	_ =	shalt  }
0x49: {  	_ =	shalt  }
0x4a: {  	_ =	shalt  }
0x4b: {  	_ =	shalt  }
0x4c: {  	_ =	shalt  }
0x4d: {  	_ =	shalt  }
0x4e: {  	_ =	shalt  }
0x4f: {  	_ =	shalt  }
0x50: {  	_ =	shalt  }
0x51: {  	_ =	shalt  }
0x52: {  	_ =	shalt  }
0x53: {  	_ =	shalt  }
0x54: {  	_ =	shalt  }
0x55: {  	_ =	shalt  }
0x56: {  	_ =	shalt  }
0x57: {  	_ =	shalt  }
0x58: {  	_ =	shalt  }
0x59: {  	_ =	shalt  }
0x5a: {  	_ =	shalt  }
0x5b: {  	_ =	shalt  }
0x5c: {  	_ =	shalt  }
0x5d: {  	_ =	shalt  }
0x5e: {  	_ =	shalt  }
0x5f: {  	_ =	shalt  }
0x60: {  	_ =	shalt  }
0x61: {  	_ =	shalt  }
0x62: {  	_ =	shalt  }
0x63: {  	_ =	shalt  }
0x64: {  	_ =	shalt  }
0x65: {  	_ =	shalt  }
0x66: {  	_ =	shalt  }
0x67: {  	_ =	shalt  }
0x68: {  	_ =	shalt  }
0x69: {  	_ =	shalt  }
0x6a: {  	_ =	shalt  }
0x6b: {  	_ =	shalt  }
0x6c: {  	_ =	shalt  }
0x6d: {  	_ =	shalt  }
0x6e: {  	_ =	shalt  }
0x6f: {  	_ =	shalt  }
0x70: {  	_ =	shalt  }
0x71: {  	_ =	shalt  }
0x72: {  	_ =	shalt  }
0x73: {  	_ =	shalt  }
0x74: {  	_ =	shalt  }
0x75: {  	_ =	shalt  }
0x76: {  	_ =	shalt  }
0x77: {  	_ =	shalt  }
0x78: {  	_ =	shalt  }
0x79: {  	_ =	shalt  }
0x7a: {  	_ =	shalt  }
0x7b: {  	_ =	shalt  }
0x7c: {  	_ =	shalt  }
0x7d: {  	_ =	shalt  }
0x7e: {  	_ =	shalt  }
0x7f: {  	_ =	shalt  }
0x80: {  	_ =	shalt  }
0x81: {  	_ =	shalt  }
0x82: {  	_ =	shalt  }
0x83: {  	_ =	shalt  }
0x84: {  	_ =	shalt  }
0x85: {  	_ =	shalt  }
0x86: {  	_ =	shalt  }
0x87: {  	_ =	shalt  }
.Lfunc_end0:
.L_simem_size_0:
called_computation.1_lowered:
.L_overlay_start_0:
0x88: {  	s2 =	sld [smem:$0x3FD9]  }
0x89: {  	s3 =	sld [smem:$0x3FFE];
	_ =	sdelay $0x1  }
0x8a: {  	s1 =	srdreg.scid  }
0x8b: {  	s0 =	sand.u32 $0x1, s1  }
0x8c: {  	s17 =	sshll.u32 s0, $0xA;
	s2 =	sadd.s32 s3, s2  }
0x8d: {  	s2 =	sadd.s32 s2, s17  }
0x8e: {  	[smem:$0x3FC0] =	sst s2  }
0x8f: {  	_ = 	snop  }
0x90: {  	s2 =	sld [smem:$0x3FD0];
	(tm) =	ssettm $0x1  }
0x91: {  	s18 =	sld [smem:$0x3FFB];
	_ =	sdelay $0x3  }
0x92: {  	_ =	strace s18  }
0x93: {  	s3 =	sld [smem:$0x3FFC];
	_ =	sdelay $0x3  }
0x94: {  	_ =	strace s3  }
0x95: {  	s3 =	sld [smem:$0x3FFD];
	_ =	sdelay $0x3  }
0x96: {  	_ =	strace s3  }
0x97: {  	_ =	strace $0x8FFFFFFF  }
0x98: {  	s19 =	sld [smem:$0x3FDB];
	_ =	sdelay $0x1  }
0x99: {  	s4 =	simm.s32 $_scs_section_size  }
0x9a: {  	s5 =	simm.s32 $_size__tile_overlayer_lowered;
	s6 =	simm.s32 $_tile_overlayer_lowered  }
0x9b: {  	s22 =	simm.s32 $0x1BFF;
	s21 =	sshll.u32 s6, $0x1;
	s3 =	sadd.s32 s4, s19  }
0x9c: {  	s7 =	simm.s32 $0x0;
	s20 =	sshll.u32 s5, $0x1;
	s5 =	sadd.s32 s21, s3  }
0x9d: {  	[timem:s7], [sflag:s22] =	dma.local [hbm:s5], s20  }
0x9e: {  	_ =	swait.ge [sflag:s22], s20  }
0x9f: {  	s4 =	ssub.s32 $0x0, s20;
	[sflag:s22] =	ssyncset.done $0x0  }
0xa0: {  	[sflag:s22] =	ssyncadd.s32 s4;
	_ =	sdelay $0x1  }
0xa1: {  	s23 =	simm.s32 $0x1B8B  }
0xa2: {  	_ =	swait.ge [sflag:s23], $0x1  }
0xa3: {  	[sflag:s23] =	ssyncset.done $0x0  }
0xa4: {  	s25 =	simm.s32 $0x1B8E;
	s24 =	sld [smem:$0x3FFE];
	[sflag:s23] =	ssyncadd.s32 $0xFFFFFFFF  }
0xa5: {  	s26 =	simm.s32 $execute0_lowered;
	[smem:$0x3FD2] =	sst s25  }
0xa6: {  	s5 =	sshll.u32 s26, $0x1;
	_ =	strace $0x80000049;
	[dreg:$0x1] =	wrdreg $0xFFFFFFFF  }
0xa7: {  	s28 =	simm.s32 $_size_execute0_lowered;
	s3 =	sadd.s32 s3, s5;
	[dreg:$0x0] =	wrdreg $0x0  }
0xa8: {  	s5 =	sshll.u32 s28, $0x1;
	[dreg:$0x2] =	wrdreg s3  }
0xa9: {  	[dreg:$0x3] =	wrdreg s5  }
0xaa: {  	[dreg:$0x4] =	wrdreg $0xC0  }
0xab: {  	_ =	task [dreg:s7], $0x5FFFF  }
0xac: {  	[dreg:$0x1] =	wrdreg $0xFFFFFFFF  }
0xad: {  	[dreg:$0x0] =	wrdreg $0x60  }
0xae: {  	[dreg:$0x2] =	wrdreg s24  }
0xaf: {  	[dreg:$0x3] =	wrdreg s2  }
0xb0: {  	[dreg:$0x4] =	wrdreg $0xD0000  }
0xb1: {  	[dreg:$0x5] =	wrdreg $0x9  }
0xb2: {  	_ =	task.clear_ibuf [dreg:s7], $0x6FFFF;
	_ =	strace $0x90000049  }
0xb3: {  	s29 =	simm.s32 $0x9;
	_ =	strace $0x8000004B  }
0xb4: {  	_ =	swait.ge [sflag:s29], $0x1  }
0xb5: {  	[sflag:s29] =	ssyncadd.s32 $0xFFFFFFFF  }
0xb6: {  	_ =	strace $0x9000004B  }
0xb7: {  	_ =	sfence  }
0xb8: {  	s30 =	sld [smem:$0x0];
	_ =	sdelay $0x2  }
0xb9: {  	s31 =	sshll.u32 s1, $0xD;
	s1 =	sshrl.u32 s1, $0x2  }
0xba: {  	s3 =	sand.u32 $0x4000, s31;
	s1 =	sadd.s32 s1, s30  }
0xbb: {  	s0 =	sor.u32 s3, s0;
	s1 =	sshll.u32 s1, $0x11  }
0xbc: {  	s0 =	sor.u32 s1, s0  }
0xbd: {  	s0 =	sadd.s32 $0x8F2B, s0  }
0xbe: {  	[sflag:s0] =	ssyncadd.remote.s32 $0x1  }
0xbf: {  	_ =	sfence.sel $0xFFFF  }
0xc0: {  	[dreg:$0x0] =	wrdreg $0xFFFFFFFF;
	(pc) =	sbr.abs _section_cstart, $3  }
0xc1: {  	[dreg:$0x1] =	wrdreg $0xFFFFFFFF  }
0xc2: {  	_ =	task.clear_ibuf [dreg:s7], $0x2FFFF;
	_ =	strace $0x9FFFFFFF  }
0xc3: {  	(tm) =	ssettm $0x7FFFFFFF  }
tec
execute0_lowered:
.L_overlay_start_1:
0x0: {  	(tag) =	ssettag $0x1  }
0x1: {  	s0 =	rddreg [dreg:$0x0]  }
0x2: {  	s1 =	rddreg [dreg:$0x1]  }
0x3: {  	s3 =	srdreg.scid;
	s5 =	stileid.u32  }
0x4: {  	s2 =	rddreg [dreg:$0x2];
	s19 =	simm.s32 $0x9000;
	s28 =	simm.s32 $0x8000  }
0x5: {  	s29 =	simm.s32 $0x1;
	s30 =	simm.s32 $0x3;
	s31 =	simm.s32 $0x2  }
0x6: {  	s8 =	sand.u32 $0x1, s3;
	s4 =	sshll.u32 s5, $0x1;
	s3 =	simm.s32 $0x0  }
0x7: {  	s11 =	smul.u32 $0xA000, s5;
	s5 =	sadd.s32 $0x20200, s0;
	s4 =	sor.u32 s8, s4  }
0x8: {  	[smem:$0x7FF] =	sst s3;
	s7 =	ssub.s32 $0x2, s8;
	s16 =	smul.u32 $0xA0000, s8  }
0x9: {  	s6 =	smul.u32 $0x500, s4;
	_ =	strace $0x8000004A;
	s4 =	sadd.s32 $0x16200, s0  }
0xa: {  	s20 =	sshrl.u32 s7, $0x1;
	s12 =	sadd.s32 $0x2000, s11;
	s14 =	sadd.s32 $0x4000, s11  }
0xb: {  	s15 =	sadd.s32 $0x6000, s11;
	s17 =	sadd.s32 $0x8000, s11;
	s13 =	ssub.s32 s7, s20  }
0xc: {  	s7 =	sadd.s32 s12, s2;
	s8 =	sadd.s32 s14, s2;
	s9 =	sadd.s32 s15, s2  }
0xd: {  	s10 =	sadd.s32 s17, s2;
	s12 =	sadd.s32 s16, s12;
	s23 =	sadd.s32 s16, s14  }
0xe: {  	s24 =	sadd.s32 s16, s15;
	s25 =	sadd.s32 s16, s17;
	s20 =	simm.s32 $0x7  }
0xf: {  	s0 =	sadd.s32 s6, s0;
	s6 =	sadd.s32 s11, s2;
	s11 =	sadd.s32 s11, s16  }
0x10: {  	s12 =	sshrl.u32 s12, $0x3;
	s18 =	sadd.s32 $0xC200, s0;
	s11 =	sshrl.u32 s11, $0x3  }
0x11: {  	s0 =	sadd.s32 $0x2200, s0;
	s22 =	sadd.s32 s1, s12;
	[dreg:$0x4] =	wrdreg s18  }
0x12: {  	s12 =	sshrl.u32 s25, $0x3;
	s25 =	simm.s32 $0x6000;
	[dreg:$0x5] =	wrdreg s0  }
0x13: {  	s21 =	sadd.s32 s1, s11;
	[dreg:$0x7] =	wrdreg s22;
	s0 =	sshrl.u32 s23, $0x3  }
.Ltmp0:
0x14: {  	s11 =	sshrl.u32 s24, $0x3;
	s17 =	sadd.s32 s1, s12;
	(pc) =	sbr.rel .LBB2_1-.Ltmp0, $4  }
0x15: {  	s18 =	smax.u32 s13, $0x1;
	s22 =	simm.s32 $0x80;
	s23 =	simm.s32 $0x5  }
0x16: {  	s24 =	simm.s32 $0x6;
	[dreg:$0x6] =	wrdreg s21;
	s0 =	sadd.s32 s1, s0  }
0x17: {  	s26 =	sadd.s32 s1, s11;
	s1 =	simm.s32 $0x4;
	[dreg:$0x8] =	wrdreg s0  }
0x18: {  	v0 =	vimm.f32 $0.0e+00;
	v1 =	vimm.bf16 $0.0e+00;
	[dreg:$0x9] =	wrdreg s26;
	s0 =	simm.s32 $0xB000;
	s26 =	simm.s32 $0x0  }
.LBB2_10:
0x19: {  	[spmem:s2] =	stream.indirect.scatter.add.f32 [tilespmem:s0], [sflag:$0x6], $0x40, s13, s22, $0xb8;
	[tilespmem:$0x17000] =	vst v63  }
0x1a: {  	_ =	swait.ge [sflag:s23], $0x2000  }
0x1b: {  	[sflag:s23] =	ssyncset.done $0x0  }
0x1c: {  	[sflag:s23] =	ssyncadd.s32 $0xFFFFE000  }
0x1d: {  	_ =	swait.ge [sflag:s24], $0x2000  }
0x1e: {  	[sflag:s24] =	ssyncset.done $0x0  }
0x1f: {  	[sflag:s24] =	ssyncadd.s32 $0xFFFFE000  }
0x20: {  	[bflag:$0x0] =	sbarrier.arrive $0xFFFF  }
0x21: {  	[tilespmem:s19], [sflag:$0x7] =	stream.linear.gather [spmem:s6], $0x2000, $0x38;
	[tilespmem:$0x17000] =	vst v63  }
0x22: {  	_ =	swait.ge [sflag:s20], $0x2000  }
0x23: {  	[sflag:s20] =	ssyncset.done $0x0  }
0x24: {  	s11 =	rddreg [dreg:$0x6];
	[sflag:s20] =	ssyncadd.s32 $0xFFFFE000  }
0x25: {  	[hbm4b:s11+s3] =	stream.linear.scatter [tilespmem:s19], [sflag:$0x7], $0x2000, $0x38;
	[tilespmem:$0x17000] =	vst v63  }
0x26: {  	_ =	swait.ge [sflag:s20], $0x2000  }
0x27: {  	[sflag:s20] =	ssyncset.done $0x0  }
0x28: {  	[sflag:s20] =	ssyncadd.s32 $0xFFFFE000  }
0x29: {  	[tilespmem:s19], [sflag:$0x7] =	stream.linear.gather [spmem:s7], $0x2000, $0x38;
	[tilespmem:$0x17000] =	vst v63  }
0x2a: {  	_ =	swait.ge [sflag:s20], $0x2000  }
0x2b: {  	[sflag:s20] =	ssyncset.done $0x0  }
0x2c: {  	s15 =	rddreg [dreg:$0x7];
	[sflag:s20] =	ssyncadd.s32 $0xFFFFE000  }
0x2d: {  	[hbm4b:s15+s3] =	stream.linear.scatter [tilespmem:s19], [sflag:$0x7], $0x2000, $0x38;
	[tilespmem:$0x17000] =	vst v63  }
0x2e: {  	_ =	swait.ge [sflag:s20], $0x2000  }
0x2f: {  	[sflag:s20] =	ssyncset.done $0x0  }
0x30: {  	[sflag:s20] =	ssyncadd.s32 $0xFFFFE000  }
0x31: {  	[tilespmem:s19], [sflag:$0x7] =	stream.linear.gather [spmem:s8], $0x2000, $0x38;
	[tilespmem:$0x17000] =	vst v63  }
0x32: {  	_ =	swait.ge [sflag:s20], $0x2000  }
0x33: {  	[sflag:s20] =	ssyncset.done $0x0  }
0x34: {  	s16 =	rddreg [dreg:$0x8];
	[sflag:s20] =	ssyncadd.s32 $0xFFFFE000  }
0x35: {  	[hbm4b:s16+s3] =	stream.linear.scatter [tilespmem:s19], [sflag:$0x7], $0x2000, $0x38;
	[tilespmem:$0x17000] =	vst v63  }
0x36: {  	_ =	swait.ge [sflag:s20], $0x2000  }
0x37: {  	[sflag:s20] =	ssyncset.done $0x0  }
0x38: {  	[sflag:s20] =	ssyncadd.s32 $0xFFFFE000  }
0x39: {  	[tilespmem:s19], [sflag:$0x7] =	stream.linear.gather [spmem:s9], $0x2000, $0x38;
	[tilespmem:$0x17000] =	vst v63  }
0x3a: {  	_ =	swait.ge [sflag:s20], $0x2000  }
0x3b: {  	[sflag:s20] =	ssyncset.done $0x0  }
0x3c: {  	s21 =	rddreg [dreg:$0x9];
	[sflag:s20] =	ssyncadd.s32 $0xFFFFE000  }
0x3d: {  	[hbm4b:s21+s3] =	stream.linear.scatter [tilespmem:s19], [sflag:$0x7], $0x2000, $0x38;
	[tilespmem:$0x17000] =	vst v63  }
0x3e: {  	_ =	swait.ge [sflag:s20], $0x2000  }
0x3f: {  	[sflag:s20] =	ssyncset.done $0x0  }
0x40: {  	[sflag:s20] =	ssyncadd.s32 $0xFFFFE000  }
0x41: {  	[tilespmem:s19], [sflag:$0x7] =	stream.linear.gather [spmem:s10], $0x2000, $0x38;
	[tilespmem:$0x17000] =	vst v63  }
0x42: {  	s26 =	sadd.s32 $0x1, s26;
	_ =	swait.ge [sflag:s20], $0x2000  }
0x43: {  	p0 =	sne.s32 s26, s18;
	[sflag:s20] =	ssyncset.done $0x0  }
.Ltmp1:
0x44: {  	[sflag:s20] =	ssyncadd.s32 $0xFFFFE000;
	(pc) =	sbr.rel @!p0 .LBB2_11-.Ltmp1, $4  }
0x45: {  	[hbm4b:s17+s3] =	stream.linear.scatter [tilespmem:s19], [sflag:$0x7], $0x2000, $0x38;
	[tilespmem:$0x17000] =	vst v63  }
0x46: {  	_ =	swait.ge [sflag:s20], $0x2000  }
0x47: {  	[sflag:s20] =	ssyncset.done $0x0  }
0x48: {  	[sflag:s20] =	ssyncadd.s32 $0xFFFFE000  }
.LBB2_1:
0x49: {  	s12 =	simm.s32 $0x100;
	s11 =	simm.s32 $0x0  }
.LBB2_2:
0x4a: {  	p0 =	sne.s32 s12, $0x7F00;
	[tilespmem:s11+$0x9030] =	vst v0;
	s13 =	smov.u32 s12;
	s12 =	sadd.s32 $0x100, s12  }
.Ltmp2:
0x4b: {  	[tilespmem:s11+$0x9020] =	vst v0;
	(pc) =	sbr.rel @p0 .LBB2_2-.Ltmp2, $3  }
0x4c: {  	[tilespmem:s11+$0x9000] =	vst v0  }
0x4d: {  	[tilespmem:s11+$0x9010] =	vst v0;
	_ =	sdelay $0x1  }
0x4e: {  	s11 =	sshra.s32 s13, $0x2  }
0x4f: {  	[tilespmem:s11+$0x9030] =	vst v0  }
0x50: {  	[tilespmem:s11+$0x9020] =	vst v0  }
0x51: {  	[tilespmem:s11+$0x9000] =	vst v0  }
0x52: {  	[tilespmem:s11+$0x9010] =	vst v0  }
0x53: {  	[spmem:s6] =	stream.linear.scatter [tilespmem:s19], [sflag:$0x7], $0x2000, $0x38;
	[tilespmem:$0x17000] =	vst v63  }
0x54: {  	_ =	swait.ge [sflag:s20], $0x2000  }
0x55: {  	[sflag:s20] =	ssyncset.done $0x0  }
0x56: {  	[sflag:s20] =	ssyncadd.s32 $0xFFFFE000  }
0x57: {  	[spmem:s7] =	stream.linear.scatter [tilespmem:s19], [sflag:$0x7], $0x2000, $0x38;
	[tilespmem:$0x17000] =	vst v63  }
0x58: {  	_ =	swait.ge [sflag:s20], $0x2000  }
0x59: {  	[sflag:s20] =	ssyncset.done $0x0  }
0x5a: {  	[sflag:s20] =	ssyncadd.s32 $0xFFFFE000  }
0x5b: {  	[spmem:s8] =	stream.linear.scatter [tilespmem:s19], [sflag:$0x7], $0x2000, $0x38;
	[tilespmem:$0x17000] =	vst v63  }
0x5c: {  	_ =	swait.ge [sflag:s20], $0x2000  }
0x5d: {  	[sflag:s20] =	ssyncset.done $0x0  }
0x5e: {  	[sflag:s20] =	ssyncadd.s32 $0xFFFFE000  }
0x5f: {  	[spmem:s9] =	stream.linear.scatter [tilespmem:s19], [sflag:$0x7], $0x2000, $0x38;
	[tilespmem:$0x17000] =	vst v63  }
0x60: {  	_ =	swait.ge [sflag:s20], $0x2000  }
0x61: {  	[sflag:s20] =	ssyncset.done $0x0  }
0x62: {  	[sflag:s20] =	ssyncadd.s32 $0xFFFFE000  }
0x63: {  	[spmem:s10] =	stream.linear.scatter [tilespmem:s19], [sflag:$0x7], $0x2000, $0x38;
	[tilespmem:$0x17000] =	vst v63  }
0x64: {  	_ =	swait.ge [sflag:s20], $0x2000  }
0x65: {  	[sflag:s20] =	ssyncset.done $0x0  }
0x66: {  	s11 =	simm.s32 $0x0;
	s12 =	rddreg [dreg:$0x4];
	[sflag:s20] =	ssyncadd.s32 $0xFFFFE000  }
0x67: {  	[tilespmem:s11], [sflag:$0x7] =	stream.linear.gather [hbm4b:s12+s11], $0x2800, $0x38;
	[tilespmem:$0x17000] =	vst v63  }
0x68: {  	_ =	swait.ge [sflag:s20], $0x2800  }
0x69: {  	[sflag:s20] =	ssyncset.done $0x0  }
0x6a: {  	s13 =	simm.s32 $0x2800;
	s14 =	rddreg [dreg:$0x5];
	[sflag:s20] =	ssyncadd.s32 $0xFFFFD800  }
0x6b: {  	[tilespmem:s13], [sflag:$0x7] =	stream.linear.gather [hbm4b:s14+s11], $0x2800, $0x38;
	[tilespmem:$0x17000] =	vst v63  }
0x6c: {  	_ =	swait.ge [sflag:s20], $0x2800  }
0x6d: {  	[sflag:s20] =	ssyncset.done $0x0  }
0x6e: {  	[sflag:s20] =	ssyncadd.s32 $0xFFFFD800  }
0x6f: {  	s15 =	simm.s32 $0x5000;
	[bflag:$0x0] =	sbarrier.arrive $0xFFFF  }
0x70: {  	[tilespmem:s15], [sflag:$0x1] =	stream.indirect.gather [hbm4b:s4+s22], $0x20, s11, s22, $0xb8;
	[tilespmem:$0x17000] =	vst v63  }
0x71: {  	s16 =	simm.s32 $0x7000  }
0x72: {  	[tilespmem:s16], [sflag:$0x3] =	stream.indirect.gather [hbm4b:s5+s22], $0x20, s13, s22, $0xb8;
	[tilespmem:$0x17000] =	vst v63  }
0x73: {  	_ = 	snop  }
0x74: {  	[tilespmem:s25], [sflag:$0x2] =	stream.indirect.gather [hbm4b:s4+s22], $0x20, s22, s22, $0xb8;
	[tilespmem:$0x17000] =	vst v63  }
0x75: {  	s21 =	simm.s32 $0x2880  }
0x76: {  	[tilespmem:s28], [sflag:$0x4] =	stream.indirect.gather [hbm4b:s5+s22], $0x20, s21, s22, $0xb8;
	[tilespmem:$0x17000] =	vst v63  }
.LBB2_4:
0x77: {  	_ =	swait.ge [sflag:s29], $0x1000  }
0x78: {  	[sflag:s29] =	ssyncset.done $0x0  }
0x79: {  	[sflag:s29] =	ssyncadd.s32 $0xFFFFF000  }
0x7a: {  	_ =	swait.ge [sflag:s30], $0x1000  }
0x7b: {  	p0 =	seq.s32 s11, $0x0;
	[sflag:s30] =	ssyncset.done $0x0  }
0x7c: {  	s12 =	simm.s32 @!p0 $0x5;
	[sflag:s30] =	ssyncadd.s32 $0xFFFFF000  }
0x7d: {  	_ =	swait.ge @!p0 [sflag:s12], $0x2000  }
0x7e: {  	[sflag:s12] =	ssyncset.done @!p0 $0x0  }
0x7f: {  	s21 =	simm.s32 $0x0;
	[sflag:s12] =	ssyncadd.s32 @!p0 $0xFFFFE000  }
0x80: {  	v2 =	vld [tilespmem:s21+$0x5000]  }
0x81: {  	v3 =	vld [tilespmem:s21+$0x7000];
	_ =	sdelay $0x4  }
0x82: {  	v2 =	vadd.bf16 v3, v2;
	_ =	sdelay $0x1  }
0x83: {  	v2 =	vmax.bf16 v2, v1  }
0x84: {  	s13 =	simm.s32 $0x9020;
	v3 =	vunpack.i.l.bf16.f32 v2  }
0x85: {  	v2 =	vunpack.i.u.bf16.f32 v2;
	[tilespmem:s13+$0xFFFFFFE0] =	vst v3  }
0x86: {  	[tilespmem:s13+$0xFFFFFFF0] =	vst v2  }
0x87: {  	v2 =	vld [tilespmem:s21+$0x5010]  }
0x88: {  	v3 =	vld [tilespmem:s21+$0x7010];
	_ =	sdelay $0x4  }
0x89: {  	s15 =	simm.s32 $0x80;
	s14 =	simm.s32 $0x9020;
	s12 =	sshll.u32 s11, $0x8;
	v2 =	vadd.bf16 v3, v2  }
.LBB2_5:
0x8a: {  	p1 =	sne.s32 s15, $0x3F80  }
0x8b: {  	s13 =	sadd.s32 $0x40, s13;
	s21 =	smov.u32 s15;
	s15 =	sadd.s32 $0x80, s15  }
0x8c: {  	v2 =	vmax.bf16 v2, v1  }
0x8d: {  	v3 =	vunpack.i.u.bf16.f32 v2;
	v2 =	vunpack.i.l.bf16.f32 v2  }
0x8e: {  	[tilespmem:s14+$0x0] =	vst v2  }
0x8f: {  	s21 =	sshra.s32 s21, $0x2;
	[tilespmem:s14+$0x10] =	vst v3;
	s14 =	smov.u32 s13  }
0x90: {  	v2 =	vld [tilespmem:s21+$0x5000]  }
0x91: {  	v3 =	vld [tilespmem:s21+$0x7000];
	_ =	sdelay $0x4  }
0x92: {  	v2 =	vadd.bf16 v3, v2;
	_ =	sdelay $0x1  }
0x93: {  	v2 =	vmax.bf16 v2, v1  }
0x94: {  	v3 =	vunpack.i.u.bf16.f32 v2;
	v2 =	vunpack.i.l.bf16.f32 v2  }
0x95: {  	[tilespmem:s13+$0xFFFFFFE0] =	vst v2  }
0x96: {  	[tilespmem:s13+$0xFFFFFFF0] =	vst v3  }
0x97: {  	v2 =	vld [tilespmem:s21+$0x5010]  }
0x98: {  	v3 =	vld [tilespmem:s21+$0x7010]  }
.Ltmp3:
0x99: {  	(pc) =	sbr.rel @p1 .LBB2_5-.Ltmp3, $2  }
0x9a: {  	_ =	sdelay $0x2  }
0x9b: {  	v2 =	vadd.bf16 v3, v2  }
0x9c: {  	_ = 	snop  }
0x9d: {  	v2 =	vmax.bf16 v2, v1  }
0x9e: {  	v3 =	vunpack.i.l.bf16.f32 v2  }
0x9f: {  	p1 =	seq.s32 s11, $0x27;
	v2 =	vunpack.i.u.bf16.f32 v2;
	[tilespmem:s14+$0x0] =	vst v3  }
0xa0: {  	s13 =	sadd.s32 @!p1 $0x100, s12;
	s15 =	simm.s32 @!p1 $0x5000;
	[tilespmem:s14+$0x10] =	vst v2;
	s14 =	simm.s32 @!p1 $0x80  }
0xa1: {  	[tilespmem:s15], [sflag:$0x1] =	stream.indirect.gather @!p1 [hbm4b:s4+s14], $0x20, s13, s14, $0xb8;
	[tilespmem:$0x17000] =	vst v63  }
0xa2: {  	s13 =	sadd.s32 @!p1 $0x2900, s12;
	s15 =	simm.s32 @!p1 $0x7000  }
0xa3: {  	[tilespmem:s15], [sflag:$0x3] =	stream.indirect.gather @!p1 [hbm4b:s5+s14], $0x20, s13, s14, $0xb8;
	[tilespmem:$0x17000] =	vst v63  }
0xa4: {  	s13 =	sand.u32 $0x3FFFFF00, s12  }
0xa5: {  	s16 =	sadd.s32 $0x2800, s13  }
0xa6: {  	[spmem:s2] =	stream.indirect.scatter.add.f32 [tilespmem:s19], [sflag:$0x5], $0x40, s16, s22, $0xb8;
	[tilespmem:$0x17000] =	vst v63  }
0xa7: {  	_ =	swait.ge [sflag:s31], $0x1000  }
0xa8: {  	[sflag:s31] =	ssyncset.done $0x0  }
0xa9: {  	[sflag:s31] =	ssyncadd.s32 $0xFFFFF000  }
0xaa: {  	_ =	swait.ge [sflag:s1], $0x1000  }
0xab: {  	[sflag:s1] =	ssyncset.done $0x0  }
0xac: {  	s14 =	simm.s32 @!p0 $0x6;
	[sflag:s1] =	ssyncadd.s32 $0xFFFFF000  }
0xad: {  	_ =	swait.ge @!p0 [sflag:s14], $0x2000  }
0xae: {  	[sflag:s14] =	ssyncset.done @!p0 $0x0  }
0xaf: {  	s21 =	simm.s32 $0x0;
	[sflag:s14] =	ssyncadd.s32 @!p0 $0xFFFFE000  }
0xb0: {  	v2 =	vld [tilespmem:s21+$0x6000]  }
0xb1: {  	v3 =	vld [tilespmem:s21+$0x8000];
	_ =	sdelay $0x4  }
0xb2: {  	v2 =	vadd.bf16 v3, v2;
	_ =	sdelay $0x1  }
0xb3: {  	v2 =	vmax.bf16 v2, v1  }
0xb4: {  	s14 =	simm.s32 $0xB030;
	v3 =	vunpack.i.l.bf16.f32 v2  }
0xb5: {  	v2 =	vunpack.i.u.bf16.f32 v2;
	[tilespmem:s14+$0xFFFFFFD0] =	vst v3  }
0xb6: {  	[tilespmem:s14+$0xFFFFFFE0] =	vst v2  }
0xb7: {  	v2 =	vld [tilespmem:s21+$0x6010]  }
0xb8: {  	v3 =	vld [tilespmem:s21+$0x8010];
	_ =	sdelay $0x4  }
0xb9: {  	s15 =	simm.s32 $0xB030;
	s21 =	simm.s32 $0x80;
	v2 =	vadd.bf16 v3, v2  }
.LBB2_7:
0xba: {  	p0 =	sne.s32 s21, $0x3F80  }
0xbb: {  	s14 =	sadd.s32 $0x40, s14;
	s16 =	smov.u32 s21;
	s21 =	sadd.s32 $0x80, s21  }
0xbc: {  	v2 =	vmax.bf16 v2, v1  }
0xbd: {  	v3 =	vunpack.i.u.bf16.f32 v2;
	v2 =	vunpack.i.l.bf16.f32 v2  }
0xbe: {  	[tilespmem:s15+$0xFFFFFFF0] =	vst v2  }
0xbf: {  	s16 =	sshra.s32 s16, $0x2;
	[tilespmem:s15+$0x0] =	vst v3;
	s15 =	smov.u32 s14  }
0xc0: {  	v2 =	vld [tilespmem:s16+$0x6000]  }
0xc1: {  	v3 =	vld [tilespmem:s16+$0x8000];
	_ =	sdelay $0x4  }
0xc2: {  	v2 =	vadd.bf16 v3, v2;
	_ =	sdelay $0x1  }
0xc3: {  	v2 =	vmax.bf16 v2, v1  }
0xc4: {  	v3 =	vunpack.i.u.bf16.f32 v2;
	v2 =	vunpack.i.l.bf16.f32 v2  }
0xc5: {  	[tilespmem:s14+$0xFFFFFFD0] =	vst v2  }
0xc6: {  	[tilespmem:s14+$0xFFFFFFE0] =	vst v3  }
0xc7: {  	v2 =	vld [tilespmem:s16+$0x6010]  }
0xc8: {  	v3 =	vld [tilespmem:s16+$0x8010]  }
.Ltmp4:
0xc9: {  	(pc) =	sbr.rel @p0 .LBB2_7-.Ltmp4, $2  }
0xca: {  	_ =	sdelay $0x2  }
0xcb: {  	v2 =	vadd.bf16 v3, v2  }
.Ltmp5:
0xcc: {  	_ = 	snop;
	(pc) =	sbr.rel @p1 .LBB2_10-.Ltmp5, $4  }
0xcd: {  	v2 =	vmax.bf16 v2, v1  }
0xce: {  	v3 =	vunpack.i.l.bf16.f32 v2  }
0xcf: {  	v2 =	vunpack.i.u.bf16.f32 v2;
	[tilespmem:s15+$0xFFFFFFF0] =	vst v3  }
0xd0: {  	s13 =	sadd.s32 $0x2880, s13;
	[tilespmem:s15+$0x0] =	vst v2  }
0xd1: {  	s14 =	sadd.s32 $0x180, s12  }
0xd2: {  	[tilespmem:s25], [sflag:$0x2] =	stream.indirect.gather [hbm4b:s4+s22], $0x20, s14, s22, $0xb8;
	[tilespmem:$0x17000] =	vst v63  }
.Ltmp6:
0xd3: {  	_ = 	snop;
	(pc) =	sbr.rel .LBB2_4-.Ltmp6, $4  }
0xd4: {  	s21 =	sadd.s32 $0x2980, s12  }
0xd5: {  	[tilespmem:s28], [sflag:$0x4] =	stream.indirect.gather [hbm4b:s5+s22], $0x20, s21, s22, $0xb8;
	[tilespmem:$0x17000] =	vst v63  }
0xd6: {  	s11 =	sadd.s32 $0x1, s11  }
0xd7: {  	[spmem:s2] =	stream.indirect.scatter.add.f32 [tilespmem:s0], [sflag:$0x6], $0x40, s13, s22, $0xb8;
	[tilespmem:$0x17000] =	vst v63  }
.LBB2_11:
0xd8: {  	_ =	sfence.sel $0x180000  }
0xd9: {  	[bflag:$0x0] =	sbarrier.arrive $0xFFFF  }
0xda: {  	_ =	strace $0x9000004A  }
0xdb: {  	s0 =	stileid.u32;
	[bflag:$0x2] =	sbarrier.arrive $0xFFFF  }
0xdc: {  	p0 =	sne.s32 s0, $0x0;
	s0 =	rddreg [dreg:$0x3]  }
0xdd: {  	s0 =	sadd.s32 @!p0 $0x100000, s0  }
0xde: {  	[sflag:s0] =	ssyncadd.tile.s32 @!p0 $0x1;
	_ =	shalt  }
.Lfunc_end2:
_tile_overlayer_lowered:
.L_overlay_start_2:
0xdf: {  	(tag) =	ssettag $0x2  }
0xe0: {  	s0 =	rddreg [dreg:$0x0];
	s2 =	stileid.u32  }
0xe1: {  	s1 =	rddreg [dreg:$0x1];
	p0 =	sne.s32 s2, $0x0  }
0xe2: {  	s3 =	rddreg [dreg:$0x2];
	[bflag:$0x3] =	sbarrier.arrive $0xFFFF;
	s2 =	simm.s32 @!p0 $0x1C07  }
0xe3: {  	[timem:s3], [sflag:s2] =	dma.local @!p0 [hbm:s0], s1  }
0xe4: {  	s0 =	simm.s32 @!p0 $0x7  }
0xe5: {  	_ =	swait.ge @!p0 [sflag:s0], s1  }
0xe6: {  	s1 =	ssub.s32 @!p0 $0x0, s1;
	[sflag:s0] =	ssyncset.done @!p0 $0x0  }
0xe7: {  	[sflag:s0] =	ssyncadd.s32 @!p0 s1  }
0xe8: {  	[bflag:$0x3] =	sbarrier.arrive $0xFFFF  }
0xe9: {  	_ =	shalt  }

// kernel: kernel.7.cloned.1.call-start
scs
__scs_entry_jumppad:
0x0: {  	(pc) =	sbr.rel $0x88, $3  }
0x1: {  	(tag) =	ssettag $0x0;
	lr =	simm.s32 $0x1  }
0x2: {  	[smem:$0x3F99] =	sst lr;
	_ =	strace $0xD0000000  }
0x3: {  	_ = 	snop  }
0x4: {  	_ = 	snop  }
0x5: {  	_ = 	snop  }
0x6: {  	_ = 	snop  }
0x7: {  	_ = 	snop  }
__scs_overlays_trampoline_lowered:
0x8: {  	[smem:$0x3FA8] =	sst s0  }
0x9: {  	[smem:$0x3FA9] =	sst s1  }
0xa: {  	[smem:$0x3FAA] =	sst s2  }
0xb: {  	[smem:$0x3FAB] =	sst s3  }
0xc: {  	[smem:$0x3FAC] =	sst s4  }
0xd: {  	[smem:$0x3FAD] =	sst s5  }
0xe: {  	[smem:$0x3FAE] =	sst s6  }
0xf: {  	[smem:$0x3FAF] =	sst s7  }
0x10: {  	[smem:$0x3FB0] =	sst s8  }
0x11: {  	[smem:$0x3FB1] =	sst s9;
	s0 =	simm.s32 @!p0 $0x0  }
0x12: {  	s1 =	sld [smem:$0x3F97];
	s0 =	simm.s32 @p0 $0x1  }
0x13: {  	[smem:$0x3FB2] =	sst s0;
	s0 =	simm.s32 @!p1 $0x0  }
0x14: {  	s2 =	sld [smem:$0x3F96];
	s0 =	simm.s32 @p1 $0x1  }
0x15: {  	[smem:$0x3FB3] =	sst s0;
	s0 =	simm.s32 @!p2 $0x0  }
0x16: {  	s3 =	sld [smem:$0x3FDB];
	s0 =	simm.s32 @p2 $0x1  }
0x17: {  	s4 =	simm.s32 $0x1BF5;
	[smem:$0x3FB5] =	sst s0  }
0x18: {  	s0 =	sld [smem:$0x3F98];
	_ =	swait.ge [sflag:s4], $0x0  }
0x19: {  	s7 =	sld [smem:$0x3F99]  }
0x1a: {  	s8 =	sadd.s32 $0xFFFFE003, lr  }
0x1b: {  	s9 =	sadd.s32 $0xFFFFFEF7, lr;
	s5 =	simm.s32 $0xFFFFFFFF;
	p2 =	slt.u32 s8, $0xFFFFF086  }
0x1c: {  	p1 =	slt.u32 s9, $0xF7A;
	s5 =	simm.s32 @!p2 $0x0  }
0x1d: {  	s5 =	simm.s32 @p1 $0x1;
	p0 =	seq.s32 s7, s2  }
0x1e: {  	s7 =	smul.u32 @!p0 $0xF7A, s2;
	p2 =	seq.s32 @!p0 s5, $0x0  }
0x1f: {  	s9 =	smul.u32 $0xF7A, s1;
	s8 =	simm.s32 @!p0 $0x1BF5;
	p2 =	por !p2, p0  }
0x20: {  	[sflag:s8] =	ssyncset.s32 @!p0 $0xFFFFF086;
	s6 =	sadd.s32 @!p0 s3, s7;
	s7 =	simm.s32 @!p0 $0x108  }
0x21: {  	s3 =	sadd.s32 s3, s9;
	s6 =	sadd.s32 @!p0 $0x88, s6;
	s7 =	simm.s32 @p2 $0x1082  }
0x22: {  	[simem:s7], [sflag:s8] =	dma.local @!p0 [hbm:s6], $0xF7A  }
0x23: {  	s9 =	sor.u32 $0xD0000000, s2;
	s6 =	simm.s32 $0x108;
	_ =	swait.ge @!p0 [sflag:s8], $0x0  }
0x24: {  	s3 =	sadd.s32 $0x88, s3;
	s6 =	simm.s32 @!p1 $0x1082;
	[sflag:s4] =	ssyncset.s32 $0xFFFFF086  }
0x25: {  	[simem:s6], [sflag:s4] =	dma.local [hbm:s3], $0xF7A  }
0x26: {  	[smem:$0x3F99] =	sst s1;
	(tag) =	ssettag s2;
	_ =	strace s9  }
0x27: {  	s1 =	sld [smem:$0x3FA9]  }
0x28: {  	s2 =	sld [smem:$0x3FAA]  }
0x29: {  	s4 =	sld [smem:$0x3FAC]  }
0x2a: {  	p0 =	seq.s32 s5, $0x0;
	s5 =	sld [smem:$0x3FAD]  }
0x2b: {  	s6 =	sld [smem:$0x3FAE]  }
0x2c: {  	s7 =	sld [smem:$0x3FAF]  }
0x2d: {  	s3 =	simm.s32 $0x108;
	s8 =	sld [smem:$0x3FB0]  }
0x2e: {  	s3 =	simm.s32 @!p0 $0x1082;
	s9 =	sld [smem:$0x3FB1]  }
0x2f: {  	lr =	sadd.s32 s0, s3;
	s0 =	sld [smem:$0x3FA8]  }
0x30: {  	s3 =	sld [smem:$0x3FAB]  }
0x31: {  	[smem:$0x3FB4] =	sst s10  }
0x32: {  	s10 =	sld [smem:$0x3FB2];
	_ =	sdelay $0x3  }
0x33: {  	p0 =	seq.s32 s10, $0x1;
	s10 =	sld [smem:$0x3FB4];
	_ =	sdelay $0x3  }
0x34: {  	[smem:$0x3FB4] =	sst s10  }
0x35: {  	s10 =	sld [smem:$0x3FB3];
	_ =	sdelay $0x3  }
0x36: {  	p1 =	seq.s32 s10, $0x1;
	s10 =	sld [smem:$0x3FB4];
	_ =	sdelay $0x3  }
0x37: {  	[smem:$0x3FB4] =	sst s10  }
0x38: {  	s10 =	sld [smem:$0x3FB5]  }
0x39: {  	_ = 	snop;
	(pc) =	sbr.ind lr, $3  }
0x3a: {  	_ = 	snop  }
0x3b: {  	_ = 	snop  }
0x3c: {  	p2 =	seq.s32 s10, $0x1;
	s10 =	sld [smem:$0x3FB4]  }
0x3d: {  	_ =	shalt  }
0x3e: {  	_ =	shalt  }
0x3f: {  	_ =	shalt  }
0x40: {  	_ =	shalt  }
0x41: {  	_ =	shalt  }
0x42: {  	_ =	shalt  }
0x43: {  	_ =	shalt  }
0x44: {  	_ =	shalt  }
0x45: {  	_ =	shalt  }
0x46: {  	_ =	shalt  }
0x47: {  	_ =	shalt  }
0x48: {  	_ =	shalt  }
0x49: {  	_ =	shalt  }
0x4a: {  	_ =	shalt  }
0x4b: {  	_ =	shalt  }
0x4c: {  	_ =	shalt  }
0x4d: {  	_ =	shalt  }
0x4e: {  	_ =	shalt  }
0x4f: {  	_ =	shalt  }
0x50: {  	_ =	shalt  }
0x51: {  	_ =	shalt  }
0x52: {  	_ =	shalt  }
0x53: {  	_ =	shalt  }
0x54: {  	_ =	shalt  }
0x55: {  	_ =	shalt  }
0x56: {  	_ =	shalt  }
0x57: {  	_ =	shalt  }
0x58: {  	_ =	shalt  }
0x59: {  	_ =	shalt  }
0x5a: {  	_ =	shalt  }
0x5b: {  	_ =	shalt  }
0x5c: {  	_ =	shalt  }
0x5d: {  	_ =	shalt  }
0x5e: {  	_ =	shalt  }
0x5f: {  	_ =	shalt  }
0x60: {  	_ =	shalt  }
0x61: {  	_ =	shalt  }
0x62: {  	_ =	shalt  }
0x63: {  	_ =	shalt  }
0x64: {  	_ =	shalt  }
0x65: {  	_ =	shalt  }
0x66: {  	_ =	shalt  }
0x67: {  	_ =	shalt  }
0x68: {  	_ =	shalt  }
0x69: {  	_ =	shalt  }
0x6a: {  	_ =	shalt  }
0x6b: {  	_ =	shalt  }
0x6c: {  	_ =	shalt  }
0x6d: {  	_ =	shalt  }
0x6e: {  	_ =	shalt  }
0x6f: {  	_ =	shalt  }
0x70: {  	_ =	shalt  }
0x71: {  	_ =	shalt  }
0x72: {  	_ =	shalt  }
0x73: {  	_ =	shalt  }
0x74: {  	_ =	shalt  }
0x75: {  	_ =	shalt  }
0x76: {  	_ =	shalt  }
0x77: {  	_ =	shalt  }
0x78: {  	_ =	shalt  }
0x79: {  	_ =	shalt  }
0x7a: {  	_ =	shalt  }
0x7b: {  	_ =	shalt  }
0x7c: {  	_ =	shalt  }
0x7d: {  	_ =	shalt  }
0x7e: {  	_ =	shalt  }
0x7f: {  	_ =	shalt  }
0x80: {  	_ =	shalt  }
0x81: {  	_ =	shalt  }
0x82: {  	_ =	shalt  }
0x83: {  	_ =	shalt  }
0x84: {  	_ =	shalt  }
0x85: {  	_ =	shalt  }
0x86: {  	_ =	shalt  }
0x87: {  	_ =	shalt  }
.Lfunc_end0:
.L_simem_size_0:
called_computation_lowered:
.L_overlay_start_0:
0x88: {  	s2 =	sld [smem:$0x3FD9]  }
0x89: {  	s3 =	sld [smem:$0x3FFE];
	_ =	sdelay $0x1  }
0x8a: {  	s1 =	srdreg.scid  }
0x8b: {  	s0 =	sand.u32 $0x1, s1  }
0x8c: {  	s17 =	sshll.u32 s0, $0xA;
	s2 =	sadd.s32 s3, s2  }
0x8d: {  	s2 =	sadd.s32 s2, s17  }
0x8e: {  	[smem:$0x3FC0] =	sst s2  }
0x8f: {  	_ = 	snop  }
0x90: {  	s2 =	sld [smem:$0x3FD0];
	(tm) =	ssettm $0x1  }
0x91: {  	s18 =	sld [smem:$0x3FFB];
	_ =	sdelay $0x3  }
0x92: {  	_ =	strace s18  }
0x93: {  	s3 =	sld [smem:$0x3FFC];
	_ =	sdelay $0x3  }
0x94: {  	_ =	strace s3  }
0x95: {  	s3 =	sld [smem:$0x3FFD];
	_ =	sdelay $0x3  }
0x96: {  	_ =	strace s3  }
0x97: {  	_ =	strace $0x8FFFFFFF  }
0x98: {  	s19 =	sld [smem:$0x3FDB];
	_ =	sdelay $0x1  }
0x99: {  	s4 =	simm.s32 $_scs_section_size  }
0x9a: {  	s5 =	simm.s32 $_size__tile_overlayer_lowered;
	s6 =	simm.s32 $_tile_overlayer_lowered  }
0x9b: {  	s22 =	simm.s32 $0x1BFF;
	s21 =	sshll.u32 s6, $0x1;
	s3 =	sadd.s32 s4, s19  }
0x9c: {  	s7 =	simm.s32 $0x0;
	s20 =	sshll.u32 s5, $0x1;
	s5 =	sadd.s32 s21, s3  }
0x9d: {  	[timem:s7], [sflag:s22] =	dma.local [hbm:s5], s20  }
0x9e: {  	_ =	swait.ge [sflag:s22], s20  }
0x9f: {  	s4 =	ssub.s32 $0x0, s20;
	[sflag:s22] =	ssyncset.done $0x0  }
0xa0: {  	[sflag:s22] =	ssyncadd.s32 s4;
	_ =	sdelay $0x1  }
0xa1: {  	s23 =	simm.s32 $0x1B8B  }
0xa2: {  	_ =	swait.ge [sflag:s23], $0x1  }
0xa3: {  	[sflag:s23] =	ssyncset.done $0x0  }
0xa4: {  	s25 =	simm.s32 $0x1B8E;
	s24 =	sld [smem:$0x3FFE];
	[sflag:s23] =	ssyncadd.s32 $0xFFFFFFFF  }
0xa5: {  	s26 =	simm.s32 $execute0_lowered;
	[smem:$0x3FD2] =	sst s25  }
0xa6: {  	s5 =	sshll.u32 s26, $0x1;
	_ =	strace $0x80000046;
	[dreg:$0x1] =	wrdreg $0xFFFFFFFF  }
0xa7: {  	s28 =	simm.s32 $_size_execute0_lowered;
	s3 =	sadd.s32 s3, s5;
	[dreg:$0x0] =	wrdreg $0x0  }
0xa8: {  	s5 =	sshll.u32 s28, $0x1;
	[dreg:$0x2] =	wrdreg s3  }
0xa9: {  	[dreg:$0x3] =	wrdreg s5  }
0xaa: {  	[dreg:$0x4] =	wrdreg $0xC0  }
0xab: {  	_ =	task [dreg:s7], $0x5FFFF  }
0xac: {  	[dreg:$0x1] =	wrdreg $0xFFFFFFFF  }
0xad: {  	[dreg:$0x0] =	wrdreg $0x60  }
0xae: {  	[dreg:$0x2] =	wrdreg s24  }
0xaf: {  	[dreg:$0x3] =	wrdreg s2  }
0xb0: {  	[dreg:$0x4] =	wrdreg $0xD0000  }
0xb1: {  	[dreg:$0x5] =	wrdreg $0x9  }
0xb2: {  	_ =	task.clear_ibuf [dreg:s7], $0x6FFFF;
	_ =	strace $0x90000046  }
0xb3: {  	s29 =	simm.s32 $0x9;
	_ =	strace $0x80000048  }
0xb4: {  	_ =	swait.ge [sflag:s29], $0x1  }
0xb5: {  	[sflag:s29] =	ssyncadd.s32 $0xFFFFFFFF  }
0xb6: {  	_ =	strace $0x90000048  }
0xb7: {  	_ =	sfence  }
0xb8: {  	s30 =	sld [smem:$0x0];
	_ =	sdelay $0x2  }
0xb9: {  	s31 =	sshll.u32 s1, $0xD;
	s1 =	sshrl.u32 s1, $0x2  }
0xba: {  	s3 =	sand.u32 $0x4000, s31;
	s1 =	sadd.s32 s1, s30  }
0xbb: {  	s0 =	sor.u32 s3, s0;
	s1 =	sshll.u32 s1, $0x11  }
0xbc: {  	s0 =	sor.u32 s1, s0  }
0xbd: {  	s0 =	sadd.s32 $0x8F2B, s0  }
0xbe: {  	[sflag:s0] =	ssyncadd.remote.s32 $0x1  }
0xbf: {  	_ =	sfence.sel $0xFFFF  }
0xc0: {  	[dreg:$0x0] =	wrdreg $0xFFFFFFFF;
	(pc) =	sbr.abs _section_cstart, $3  }
0xc1: {  	[dreg:$0x1] =	wrdreg $0xFFFFFFFF  }
0xc2: {  	_ =	task.clear_ibuf [dreg:s7], $0x2FFFF;
	_ =	strace $0x9FFFFFFF  }
0xc3: {  	(tm) =	ssettm $0x7FFFFFFF  }
tec
execute0_lowered:
.L_overlay_start_1:
0x0: {  	(tag) =	ssettag $0x1  }
0x1: {  	s0 =	rddreg [dreg:$0x0]  }
0x2: {  	s1 =	rddreg [dreg:$0x1]  }
0x3: {  	s3 =	srdreg.scid;
	s5 =	stileid.u32  }
0x4: {  	s2 =	rddreg [dreg:$0x2];
	s19 =	simm.s32 $0x9000;
	s28 =	simm.s32 $0x8000  }
0x5: {  	s29 =	simm.s32 $0x1;
	s30 =	simm.s32 $0x3;
	s31 =	simm.s32 $0x2  }
0x6: {  	s8 =	sand.u32 $0x1, s3;
	s4 =	sshll.u32 s5, $0x1;
	s3 =	simm.s32 $0x0  }
0x7: {  	s11 =	smul.u32 $0xA000, s5;
	s5 =	sadd.s32 $0x20200, s0;
	s4 =	sor.u32 s8, s4  }
0x8: {  	[smem:$0x7FF] =	sst s3;
	s7 =	ssub.s32 $0x2, s8;
	s16 =	smul.u32 $0xA0000, s8  }
0x9: {  	s6 =	smul.u32 $0x500, s4;
	_ =	strace $0x80000047;
	s4 =	sadd.s32 $0x16200, s0  }
0xa: {  	s20 =	sshrl.u32 s7, $0x1;
	s12 =	sadd.s32 $0x2000, s11;
	s14 =	sadd.s32 $0x4000, s11  }
0xb: {  	s15 =	sadd.s32 $0x6000, s11;
	s17 =	sadd.s32 $0x8000, s11;
	s13 =	ssub.s32 s7, s20  }
0xc: {  	s7 =	sadd.s32 s12, s2;
	s8 =	sadd.s32 s14, s2;
	s9 =	sadd.s32 s15, s2  }
0xd: {  	s10 =	sadd.s32 s17, s2;
	s12 =	sadd.s32 s16, s12;
	s23 =	sadd.s32 s16, s14  }
0xe: {  	s24 =	sadd.s32 s16, s15;
	s25 =	sadd.s32 s16, s17;
	s20 =	simm.s32 $0x7  }
0xf: {  	s0 =	sadd.s32 s6, s0;
	s6 =	sadd.s32 s11, s2;
	s11 =	sadd.s32 s11, s16  }
0x10: {  	s12 =	sshrl.u32 s12, $0x3;
	s18 =	sadd.s32 $0xC200, s0;
	s11 =	sshrl.u32 s11, $0x3  }
0x11: {  	s0 =	sadd.s32 $0x2200, s0;
	s22 =	sadd.s32 s1, s12;
	[dreg:$0x4] =	wrdreg s18  }
0x12: {  	s12 =	sshrl.u32 s25, $0x3;
	s25 =	simm.s32 $0x6000;
	[dreg:$0x5] =	wrdreg s0  }
0x13: {  	s21 =	sadd.s32 s1, s11;
	[dreg:$0x7] =	wrdreg s22;
	s0 =	sshrl.u32 s23, $0x3  }
.Ltmp0:
0x14: {  	s11 =	sshrl.u32 s24, $0x3;
	s17 =	sadd.s32 s1, s12;
	(pc) =	sbr.rel .LBB2_1-.Ltmp0, $4  }
0x15: {  	s18 =	smax.u32 s13, $0x1;
	s22 =	simm.s32 $0x80;
	s23 =	simm.s32 $0x5  }
0x16: {  	s24 =	simm.s32 $0x6;
	[dreg:$0x6] =	wrdreg s21;
	s0 =	sadd.s32 s1, s0  }
0x17: {  	s26 =	sadd.s32 s1, s11;
	s1 =	simm.s32 $0x4;
	[dreg:$0x8] =	wrdreg s0  }
0x18: {  	v0 =	vimm.f32 $0.0e+00;
	v1 =	vimm.bf16 $0.0e+00;
	[dreg:$0x9] =	wrdreg s26;
	s0 =	simm.s32 $0xB000;
	s26 =	simm.s32 $0x0  }
.LBB2_10:
0x19: {  	[spmem:s2] =	stream.indirect.scatter.add.f32 [tilespmem:s0], [sflag:$0x6], $0x40, s13, s22, $0xb8;
	[tilespmem:$0x17000] =	vst v63  }
0x1a: {  	_ =	swait.ge [sflag:s23], $0x2000  }
0x1b: {  	[sflag:s23] =	ssyncset.done $0x0  }
0x1c: {  	[sflag:s23] =	ssyncadd.s32 $0xFFFFE000  }
0x1d: {  	_ =	swait.ge [sflag:s24], $0x2000  }
0x1e: {  	[sflag:s24] =	ssyncset.done $0x0  }
0x1f: {  	[sflag:s24] =	ssyncadd.s32 $0xFFFFE000  }
0x20: {  	[bflag:$0x0] =	sbarrier.arrive $0xFFFF  }
0x21: {  	[tilespmem:s19], [sflag:$0x7] =	stream.linear.gather [spmem:s6], $0x2000, $0x38;
	[tilespmem:$0x17000] =	vst v63  }
0x22: {  	_ =	swait.ge [sflag:s20], $0x2000  }
0x23: {  	[sflag:s20] =	ssyncset.done $0x0  }
0x24: {  	s11 =	rddreg [dreg:$0x6];
	[sflag:s20] =	ssyncadd.s32 $0xFFFFE000  }
0x25: {  	[hbm4b:s11+s3] =	stream.linear.scatter [tilespmem:s19], [sflag:$0x7], $0x2000, $0x38;
	[tilespmem:$0x17000] =	vst v63  }
0x26: {  	_ =	swait.ge [sflag:s20], $0x2000  }
0x27: {  	[sflag:s20] =	ssyncset.done $0x0  }
0x28: {  	[sflag:s20] =	ssyncadd.s32 $0xFFFFE000  }
0x29: {  	[tilespmem:s19], [sflag:$0x7] =	stream.linear.gather [spmem:s7], $0x2000, $0x38;
	[tilespmem:$0x17000] =	vst v63  }
0x2a: {  	_ =	swait.ge [sflag:s20], $0x2000  }
0x2b: {  	[sflag:s20] =	ssyncset.done $0x0  }
0x2c: {  	s15 =	rddreg [dreg:$0x7];
	[sflag:s20] =	ssyncadd.s32 $0xFFFFE000  }
0x2d: {  	[hbm4b:s15+s3] =	stream.linear.scatter [tilespmem:s19], [sflag:$0x7], $0x2000, $0x38;
	[tilespmem:$0x17000] =	vst v63  }
0x2e: {  	_ =	swait.ge [sflag:s20], $0x2000  }
0x2f: {  	[sflag:s20] =	ssyncset.done $0x0  }
0x30: {  	[sflag:s20] =	ssyncadd.s32 $0xFFFFE000  }
0x31: {  	[tilespmem:s19], [sflag:$0x7] =	stream.linear.gather [spmem:s8], $0x2000, $0x38;
	[tilespmem:$0x17000] =	vst v63  }
0x32: {  	_ =	swait.ge [sflag:s20], $0x2000  }
0x33: {  	[sflag:s20] =	ssyncset.done $0x0  }
0x34: {  	s16 =	rddreg [dreg:$0x8];
	[sflag:s20] =	ssyncadd.s32 $0xFFFFE000  }
0x35: {  	[hbm4b:s16+s3] =	stream.linear.scatter [tilespmem:s19], [sflag:$0x7], $0x2000, $0x38;
	[tilespmem:$0x17000] =	vst v63  }
0x36: {  	_ =	swait.ge [sflag:s20], $0x2000  }
0x37: {  	[sflag:s20] =	ssyncset.done $0x0  }
0x38: {  	[sflag:s20] =	ssyncadd.s32 $0xFFFFE000  }
0x39: {  	[tilespmem:s19], [sflag:$0x7] =	stream.linear.gather [spmem:s9], $0x2000, $0x38;
	[tilespmem:$0x17000] =	vst v63  }
0x3a: {  	_ =	swait.ge [sflag:s20], $0x2000  }
0x3b: {  	[sflag:s20] =	ssyncset.done $0x0  }
0x3c: {  	s21 =	rddreg [dreg:$0x9];
	[sflag:s20] =	ssyncadd.s32 $0xFFFFE000  }
0x3d: {  	[hbm4b:s21+s3] =	stream.linear.scatter [tilespmem:s19], [sflag:$0x7], $0x2000, $0x38;
	[tilespmem:$0x17000] =	vst v63  }
0x3e: {  	_ =	swait.ge [sflag:s20], $0x2000  }
0x3f: {  	[sflag:s20] =	ssyncset.done $0x0  }
0x40: {  	[sflag:s20] =	ssyncadd.s32 $0xFFFFE000  }
0x41: {  	[tilespmem:s19], [sflag:$0x7] =	stream.linear.gather [spmem:s10], $0x2000, $0x38;
	[tilespmem:$0x17000] =	vst v63  }
0x42: {  	s26 =	sadd.s32 $0x1, s26;
	_ =	swait.ge [sflag:s20], $0x2000  }
0x43: {  	p0 =	sne.s32 s26, s18;
	[sflag:s20] =	ssyncset.done $0x0  }
.Ltmp1:
0x44: {  	[sflag:s20] =	ssyncadd.s32 $0xFFFFE000;
	(pc) =	sbr.rel @!p0 .LBB2_11-.Ltmp1, $4  }
0x45: {  	[hbm4b:s17+s3] =	stream.linear.scatter [tilespmem:s19], [sflag:$0x7], $0x2000, $0x38;
	[tilespmem:$0x17000] =	vst v63  }
0x46: {  	_ =	swait.ge [sflag:s20], $0x2000  }
0x47: {  	[sflag:s20] =	ssyncset.done $0x0  }
0x48: {  	[sflag:s20] =	ssyncadd.s32 $0xFFFFE000  }
.LBB2_1:
0x49: {  	s12 =	simm.s32 $0x100;
	s11 =	simm.s32 $0x0  }
.LBB2_2:
0x4a: {  	p0 =	sne.s32 s12, $0x7F00;
	[tilespmem:s11+$0x9030] =	vst v0;
	s13 =	smov.u32 s12;
	s12 =	sadd.s32 $0x100, s12  }
.Ltmp2:
0x4b: {  	[tilespmem:s11+$0x9020] =	vst v0;
	(pc) =	sbr.rel @p0 .LBB2_2-.Ltmp2, $3  }
0x4c: {  	[tilespmem:s11+$0x9000] =	vst v0  }
0x4d: {  	[tilespmem:s11+$0x9010] =	vst v0;
	_ =	sdelay $0x1  }
0x4e: {  	s11 =	sshra.s32 s13, $0x2  }
0x4f: {  	[tilespmem:s11+$0x9030] =	vst v0  }
0x50: {  	[tilespmem:s11+$0x9020] =	vst v0  }
0x51: {  	[tilespmem:s11+$0x9000] =	vst v0  }
0x52: {  	[tilespmem:s11+$0x9010] =	vst v0  }
0x53: {  	[spmem:s6] =	stream.linear.scatter [tilespmem:s19], [sflag:$0x7], $0x2000, $0x38;
	[tilespmem:$0x17000] =	vst v63  }
0x54: {  	_ =	swait.ge [sflag:s20], $0x2000  }
0x55: {  	[sflag:s20] =	ssyncset.done $0x0  }
0x56: {  	[sflag:s20] =	ssyncadd.s32 $0xFFFFE000  }
0x57: {  	[spmem:s7] =	stream.linear.scatter [tilespmem:s19], [sflag:$0x7], $0x2000, $0x38;
	[tilespmem:$0x17000] =	vst v63  }
0x58: {  	_ =	swait.ge [sflag:s20], $0x2000  }
0x59: {  	[sflag:s20] =	ssyncset.done $0x0  }
0x5a: {  	[sflag:s20] =	ssyncadd.s32 $0xFFFFE000  }
0x5b: {  	[spmem:s8] =	stream.linear.scatter [tilespmem:s19], [sflag:$0x7], $0x2000, $0x38;
	[tilespmem:$0x17000] =	vst v63  }
0x5c: {  	_ =	swait.ge [sflag:s20], $0x2000  }
0x5d: {  	[sflag:s20] =	ssyncset.done $0x0  }
0x5e: {  	[sflag:s20] =	ssyncadd.s32 $0xFFFFE000  }
0x5f: {  	[spmem:s9] =	stream.linear.scatter [tilespmem:s19], [sflag:$0x7], $0x2000, $0x38;
	[tilespmem:$0x17000] =	vst v63  }
0x60: {  	_ =	swait.ge [sflag:s20], $0x2000  }
0x61: {  	[sflag:s20] =	ssyncset.done $0x0  }
0x62: {  	[sflag:s20] =	ssyncadd.s32 $0xFFFFE000  }
0x63: {  	[spmem:s10] =	stream.linear.scatter [tilespmem:s19], [sflag:$0x7], $0x2000, $0x38;
	[tilespmem:$0x17000] =	vst v63  }
0x64: {  	_ =	swait.ge [sflag:s20], $0x2000  }
0x65: {  	[sflag:s20] =	ssyncset.done $0x0  }
0x66: {  	s11 =	simm.s32 $0x0;
	s12 =	rddreg [dreg:$0x4];
	[sflag:s20] =	ssyncadd.s32 $0xFFFFE000  }
0x67: {  	[tilespmem:s11], [sflag:$0x7] =	stream.linear.gather [hbm4b:s12+s11], $0x2800, $0x38;
	[tilespmem:$0x17000] =	vst v63  }
0x68: {  	_ =	swait.ge [sflag:s20], $0x2800  }
0x69: {  	[sflag:s20] =	ssyncset.done $0x0  }
0x6a: {  	s13 =	simm.s32 $0x2800;
	s14 =	rddreg [dreg:$0x5];
	[sflag:s20] =	ssyncadd.s32 $0xFFFFD800  }
0x6b: {  	[tilespmem:s13], [sflag:$0x7] =	stream.linear.gather [hbm4b:s14+s11], $0x2800, $0x38;
	[tilespmem:$0x17000] =	vst v63  }
0x6c: {  	_ =	swait.ge [sflag:s20], $0x2800  }
0x6d: {  	[sflag:s20] =	ssyncset.done $0x0  }
0x6e: {  	[sflag:s20] =	ssyncadd.s32 $0xFFFFD800  }
0x6f: {  	s15 =	simm.s32 $0x5000;
	[bflag:$0x0] =	sbarrier.arrive $0xFFFF  }
0x70: {  	[tilespmem:s15], [sflag:$0x1] =	stream.indirect.gather [hbm4b:s4+s22], $0x20, s11, s22, $0xb8;
	[tilespmem:$0x17000] =	vst v63  }
0x71: {  	s16 =	simm.s32 $0x7000  }
0x72: {  	[tilespmem:s16], [sflag:$0x3] =	stream.indirect.gather [hbm4b:s5+s22], $0x20, s13, s22, $0xb8;
	[tilespmem:$0x17000] =	vst v63  }
0x73: {  	_ = 	snop  }
0x74: {  	[tilespmem:s25], [sflag:$0x2] =	stream.indirect.gather [hbm4b:s4+s22], $0x20, s22, s22, $0xb8;
	[tilespmem:$0x17000] =	vst v63  }
0x75: {  	s21 =	simm.s32 $0x2880  }
0x76: {  	[tilespmem:s28], [sflag:$0x4] =	stream.indirect.gather [hbm4b:s5+s22], $0x20, s21, s22, $0xb8;
	[tilespmem:$0x17000] =	vst v63  }
.LBB2_4:
0x77: {  	_ =	swait.ge [sflag:s29], $0x1000  }
0x78: {  	[sflag:s29] =	ssyncset.done $0x0  }
0x79: {  	[sflag:s29] =	ssyncadd.s32 $0xFFFFF000  }
0x7a: {  	_ =	swait.ge [sflag:s30], $0x1000  }
0x7b: {  	p0 =	seq.s32 s11, $0x0;
	[sflag:s30] =	ssyncset.done $0x0  }
0x7c: {  	s12 =	simm.s32 @!p0 $0x5;
	[sflag:s30] =	ssyncadd.s32 $0xFFFFF000  }
0x7d: {  	_ =	swait.ge @!p0 [sflag:s12], $0x2000  }
0x7e: {  	[sflag:s12] =	ssyncset.done @!p0 $0x0  }
0x7f: {  	s21 =	simm.s32 $0x0;
	[sflag:s12] =	ssyncadd.s32 @!p0 $0xFFFFE000  }
0x80: {  	v2 =	vld [tilespmem:s21+$0x5000]  }
0x81: {  	v3 =	vld [tilespmem:s21+$0x7000];
	_ =	sdelay $0x4  }
0x82: {  	v2 =	vadd.bf16 v3, v2;
	_ =	sdelay $0x1  }
0x83: {  	v2 =	vmax.bf16 v2, v1  }
0x84: {  	s13 =	simm.s32 $0x9020;
	v3 =	vunpack.i.l.bf16.f32 v2  }
0x85: {  	v2 =	vunpack.i.u.bf16.f32 v2;
	[tilespmem:s13+$0xFFFFFFE0] =	vst v3  }
0x86: {  	[tilespmem:s13+$0xFFFFFFF0] =	vst v2  }
0x87: {  	v2 =	vld [tilespmem:s21+$0x5010]  }
0x88: {  	v3 =	vld [tilespmem:s21+$0x7010];
	_ =	sdelay $0x4  }
0x89: {  	s15 =	simm.s32 $0x80;
	s14 =	simm.s32 $0x9020;
	s12 =	sshll.u32 s11, $0x8;
	v2 =	vadd.bf16 v3, v2  }
.LBB2_5:
0x8a: {  	p1 =	sne.s32 s15, $0x3F80  }
0x8b: {  	s13 =	sadd.s32 $0x40, s13;
	s21 =	smov.u32 s15;
	s15 =	sadd.s32 $0x80, s15  }
0x8c: {  	v2 =	vmax.bf16 v2, v1  }
0x8d: {  	v3 =	vunpack.i.u.bf16.f32 v2;
	v2 =	vunpack.i.l.bf16.f32 v2  }
0x8e: {  	[tilespmem:s14+$0x0] =	vst v2  }
0x8f: {  	s21 =	sshra.s32 s21, $0x2;
	[tilespmem:s14+$0x10] =	vst v3;
	s14 =	smov.u32 s13  }
0x90: {  	v2 =	vld [tilespmem:s21+$0x5000]  }
0x91: {  	v3 =	vld [tilespmem:s21+$0x7000];
	_ =	sdelay $0x4  }
0x92: {  	v2 =	vadd.bf16 v3, v2;
	_ =	sdelay $0x1  }
0x93: {  	v2 =	vmax.bf16 v2, v1  }
0x94: {  	v3 =	vunpack.i.u.bf16.f32 v2;
	v2 =	vunpack.i.l.bf16.f32 v2  }
0x95: {  	[tilespmem:s13+$0xFFFFFFE0] =	vst v2  }
0x96: {  	[tilespmem:s13+$0xFFFFFFF0] =	vst v3  }
0x97: {  	v2 =	vld [tilespmem:s21+$0x5010]  }
0x98: {  	v3 =	vld [tilespmem:s21+$0x7010]  }
.Ltmp3:
0x99: {  	(pc) =	sbr.rel @p1 .LBB2_5-.Ltmp3, $2  }
0x9a: {  	_ =	sdelay $0x2  }
0x9b: {  	v2 =	vadd.bf16 v3, v2  }
0x9c: {  	_ = 	snop  }
0x9d: {  	v2 =	vmax.bf16 v2, v1  }
0x9e: {  	v3 =	vunpack.i.l.bf16.f32 v2  }
0x9f: {  	p1 =	seq.s32 s11, $0x27;
	v2 =	vunpack.i.u.bf16.f32 v2;
	[tilespmem:s14+$0x0] =	vst v3  }
0xa0: {  	s13 =	sadd.s32 @!p1 $0x100, s12;
	s15 =	simm.s32 @!p1 $0x5000;
	[tilespmem:s14+$0x10] =	vst v2;
	s14 =	simm.s32 @!p1 $0x80  }
0xa1: {  	[tilespmem:s15], [sflag:$0x1] =	stream.indirect.gather @!p1 [hbm4b:s4+s14], $0x20, s13, s14, $0xb8;
	[tilespmem:$0x17000] =	vst v63  }
0xa2: {  	s13 =	sadd.s32 @!p1 $0x2900, s12;
	s15 =	simm.s32 @!p1 $0x7000  }
0xa3: {  	[tilespmem:s15], [sflag:$0x3] =	stream.indirect.gather @!p1 [hbm4b:s5+s14], $0x20, s13, s14, $0xb8;
	[tilespmem:$0x17000] =	vst v63  }
0xa4: {  	s13 =	sand.u32 $0x3FFFFF00, s12  }
0xa5: {  	s16 =	sadd.s32 $0x2800, s13  }
0xa6: {  	[spmem:s2] =	stream.indirect.scatter.add.f32 [tilespmem:s19], [sflag:$0x5], $0x40, s16, s22, $0xb8;
	[tilespmem:$0x17000] =	vst v63  }
0xa7: {  	_ =	swait.ge [sflag:s31], $0x1000  }
0xa8: {  	[sflag:s31] =	ssyncset.done $0x0  }
0xa9: {  	[sflag:s31] =	ssyncadd.s32 $0xFFFFF000  }
0xaa: {  	_ =	swait.ge [sflag:s1], $0x1000  }
0xab: {  	[sflag:s1] =	ssyncset.done $0x0  }
0xac: {  	s14 =	simm.s32 @!p0 $0x6;
	[sflag:s1] =	ssyncadd.s32 $0xFFFFF000  }
0xad: {  	_ =	swait.ge @!p0 [sflag:s14], $0x2000  }
0xae: {  	[sflag:s14] =	ssyncset.done @!p0 $0x0  }
0xaf: {  	s21 =	simm.s32 $0x0;
	[sflag:s14] =	ssyncadd.s32 @!p0 $0xFFFFE000  }
0xb0: {  	v2 =	vld [tilespmem:s21+$0x6000]  }
0xb1: {  	v3 =	vld [tilespmem:s21+$0x8000];
	_ =	sdelay $0x4  }
0xb2: {  	v2 =	vadd.bf16 v3, v2;
	_ =	sdelay $0x1  }
0xb3: {  	v2 =	vmax.bf16 v2, v1  }
0xb4: {  	s14 =	simm.s32 $0xB030;
	v3 =	vunpack.i.l.bf16.f32 v2  }
0xb5: {  	v2 =	vunpack.i.u.bf16.f32 v2;
	[tilespmem:s14+$0xFFFFFFD0] =	vst v3  }
0xb6: {  	[tilespmem:s14+$0xFFFFFFE0] =	vst v2  }
0xb7: {  	v2 =	vld [tilespmem:s21+$0x6010]  }
0xb8: {  	v3 =	vld [tilespmem:s21+$0x8010];
	_ =	sdelay $0x4  }
0xb9: {  	s15 =	simm.s32 $0xB030;
	s21 =	simm.s32 $0x80;
	v2 =	vadd.bf16 v3, v2  }
.LBB2_7:
0xba: {  	p0 =	sne.s32 s21, $0x3F80  }
0xbb: {  	s14 =	sadd.s32 $0x40, s14;
	s16 =	smov.u32 s21;
	s21 =	sadd.s32 $0x80, s21  }
0xbc: {  	v2 =	vmax.bf16 v2, v1  }
0xbd: {  	v3 =	vunpack.i.u.bf16.f32 v2;
	v2 =	vunpack.i.l.bf16.f32 v2  }
0xbe: {  	[tilespmem:s15+$0xFFFFFFF0] =	vst v2  }
0xbf: {  	s16 =	sshra.s32 s16, $0x2;
	[tilespmem:s15+$0x0] =	vst v3;
	s15 =	smov.u32 s14  }
0xc0: {  	v2 =	vld [tilespmem:s16+$0x6000]  }
0xc1: {  	v3 =	vld [tilespmem:s16+$0x8000];
	_ =	sdelay $0x4  }
0xc2: {  	v2 =	vadd.bf16 v3, v2;
	_ =	sdelay $0x1  }
0xc3: {  	v2 =	vmax.bf16 v2, v1  }
0xc4: {  	v3 =	vunpack.i.u.bf16.f32 v2;
	v2 =	vunpack.i.l.bf16.f32 v2  }
0xc5: {  	[tilespmem:s14+$0xFFFFFFD0] =	vst v2  }
0xc6: {  	[tilespmem:s14+$0xFFFFFFE0] =	vst v3  }
0xc7: {  	v2 =	vld [tilespmem:s16+$0x6010]  }
0xc8: {  	v3 =	vld [tilespmem:s16+$0x8010]  }
.Ltmp4:
0xc9: {  	(pc) =	sbr.rel @p0 .LBB2_7-.Ltmp4, $2  }
0xca: {  	_ =	sdelay $0x2  }
0xcb: {  	v2 =	vadd.bf16 v3, v2  }
.Ltmp5:
0xcc: {  	_ = 	snop;
	(pc) =	sbr.rel @p1 .LBB2_10-.Ltmp5, $4  }
0xcd: {  	v2 =	vmax.bf16 v2, v1  }
0xce: {  	v3 =	vunpack.i.l.bf16.f32 v2  }
0xcf: {  	v2 =	vunpack.i.u.bf16.f32 v2;
	[tilespmem:s15+$0xFFFFFFF0] =	vst v3  }
0xd0: {  	s13 =	sadd.s32 $0x2880, s13;
	[tilespmem:s15+$0x0] =	vst v2  }
0xd1: {  	s14 =	sadd.s32 $0x180, s12  }
0xd2: {  	[tilespmem:s25], [sflag:$0x2] =	stream.indirect.gather [hbm4b:s4+s22], $0x20, s14, s22, $0xb8;
	[tilespmem:$0x17000] =	vst v63  }
.Ltmp6:
0xd3: {  	_ = 	snop;
	(pc) =	sbr.rel .LBB2_4-.Ltmp6, $4  }
0xd4: {  	s21 =	sadd.s32 $0x2980, s12  }
0xd5: {  	[tilespmem:s28], [sflag:$0x4] =	stream.indirect.gather [hbm4b:s5+s22], $0x20, s21, s22, $0xb8;
	[tilespmem:$0x17000] =	vst v63  }
0xd6: {  	s11 =	sadd.s32 $0x1, s11  }
0xd7: {  	[spmem:s2] =	stream.indirect.scatter.add.f32 [tilespmem:s0], [sflag:$0x6], $0x40, s13, s22, $0xb8;
	[tilespmem:$0x17000] =	vst v63  }
.LBB2_11:
0xd8: {  	_ =	sfence.sel $0x180000  }
0xd9: {  	[bflag:$0x0] =	sbarrier.arrive $0xFFFF  }
0xda: {  	_ =	strace $0x90000047  }
0xdb: {  	s0 =	stileid.u32;
	[bflag:$0x2] =	sbarrier.arrive $0xFFFF  }
0xdc: {  	p0 =	sne.s32 s0, $0x0;
	s0 =	rddreg [dreg:$0x3]  }
0xdd: {  	s0 =	sadd.s32 @!p0 $0x100000, s0  }
0xde: {  	[sflag:s0] =	ssyncadd.tile.s32 @!p0 $0x1;
	_ =	shalt  }
.Lfunc_end2:
_tile_overlayer_lowered:
.L_overlay_start_2:
0xdf: {  	(tag) =	ssettag $0x2  }
0xe0: {  	s0 =	rddreg [dreg:$0x0];
	s2 =	stileid.u32  }
0xe1: {  	s1 =	rddreg [dreg:$0x1];
	p0 =	sne.s32 s2, $0x0  }
0xe2: {  	s3 =	rddreg [dreg:$0x2];
	[bflag:$0x3] =	sbarrier.arrive $0xFFFF;
	s2 =	simm.s32 @!p0 $0x1C07  }
0xe3: {  	[timem:s3], [sflag:s2] =	dma.local @!p0 [hbm:s0], s1  }
0xe4: {  	s0 =	simm.s32 @!p0 $0x7  }
0xe5: {  	_ =	swait.ge @!p0 [sflag:s0], s1  }
0xe6: {  	s1 =	ssub.s32 @!p0 $0x0, s1;
	[sflag:s0] =	ssyncset.done @!p0 $0x0  }
0xe7: {  	[sflag:s0] =	ssyncadd.s32 @!p0 s1  }
0xe8: {  	[bflag:$0x3] =	sbarrier.arrive $0xFFFF  }
0xe9: {  	_ =	shalt  }

</sc_bundles>
